<compile_context>
chip_gen: v7x
topology: tpu7x:2x2x1
jax: 0.10.2.dev20260603
libtpu: 0.0.44.dev20260713+nightly
codegen_flags: <defaults>
</compile_context>

<pallas_src>
import functools

import jax
import jax.numpy as jnp
from jax import lax
from jax.experimental import pallas as pl
from jax.experimental.pallas import tpu as pltpu
from jax.experimental.pallas import tpu_sc as plsc

N = 10000
E = 160000
D_IN = 256
D_OUT = 512
G = 4 * D_OUT
DH = D_OUT // 2

_NB = 10
_BN = N // _NB

_NC = 2
_NS = 16
_NW = _NC * _NS
_WIDTH = 320
_CE = 3200
_NCHUNK = E // _CE
_BG = 64
_L = 16


def _pre_kernel(x_ref, wsrc_ref, wih_ref, wtgt_ref, sx_ref, wcomb_ref):
    res = jax.lax.dot_general(
        x_ref[...], wsrc_ref[...], (((1,), (1,)), ((), ())),
        preferred_element_type=jnp.float32)
    sx_ref[...] = res.astype(jnp.bfloat16)

    @pl.when(pl.program_id(0) == 0)
    def _():
        wcomb_ref[...] = jax.lax.dot_general(
            wih_ref[...], wtgt_ref[...], (((1,), (0,)), ((), ())),
            preferred_element_type=jnp.float32)


def _pre(x, W_src, W_ih, W_tgt):
    return pl.pallas_call(
        _pre_kernel,
        grid=(5,),
        in_specs=[
            pl.BlockSpec((N // 5, D_IN), lambda i: (i, 0)),
            pl.BlockSpec((D_OUT, D_IN), lambda i: (0, 0)),
            pl.BlockSpec((G, D_OUT), lambda i: (0, 0)),
            pl.BlockSpec((D_OUT, D_IN), lambda i: (0, 0)),
        ],
        out_specs=[
            pl.BlockSpec((N // 5, D_OUT), lambda i: (i, 0)),
            pl.BlockSpec((G, D_IN), lambda i: (0, 0)),
        ],
        out_shape=[
            jax.ShapeDtypeStruct((N, D_OUT), jnp.bfloat16),
            jax.ShapeDtypeStruct((G, D_IN), jnp.float32),
        ],
    )(x, W_src, W_ih, W_tgt)


def _sc_agg_body(src_hbm, dst_hbm, sx_hbm, out_hbm,
                 agg_v, esrc_v, edst_v, lsrc_v, ldst_v, gidx_v, rows_v, sem,
                 gidx2_v, rows2_v, sem2):
    wid = lax.axis_index("s") * _NC + lax.axis_index("c")
    lo = wid * _WIDTH
    hi = lo + _WIDTH
    neg_inf_pair = plsc.bitcast(
        jnp.full((2 * _L,), -jnp.inf, dtype=jnp.bfloat16), jnp.int32)
    nj = DH // _L
    colv = [lax.iota(jnp.int32, _L) + j * _L for j in range(nj)]

    def init_lsrc(i, c):
        lsrc_v[pl.ds(i * _L, _L)] = jnp.zeros((_L,), jnp.int32)
        return c
    lax.fori_loop(0, (_CE + _BG) // _L, init_lsrc, 0)

    def init_agg(r, c):
        for j in range(nj):
            agg_v[r, pl.ds(j * _L, _L)] = neg_inf_pair
        return c
    lax.fori_loop(0, _WIDTH, init_agg, 0)

    def chunk_body(c, carry):
        pltpu.sync_copy(src_hbm.at[pl.ds(c * _CE, _CE)], esrc_v)
        pltpu.sync_copy(dst_hbm.at[pl.ds(c * _CE, _CE)], edst_v)

        def scan_body(i, off):
            for u in range(2):
                sl = pl.ds(i * 2 * _L + u * _L, _L)
                ed = edst_v[sl]
                es = esrc_v[sl]
                m = (ed >= lo) & (ed < hi)
                mi = jnp.where(m, 1, 0).astype(jnp.int32)
                pos = plsc.cumsum(mi) + off - 1
                plsc.store_scatter(lsrc_v, [pos], es, mask=m)
                plsc.store_scatter(ldst_v, [pos], ed - lo, mask=m)
                off = off + plsc.all_reduce_population_count(m)
            return off

        off = lax.fori_loop(0, _CE // (2 * _L), scan_body,
                            jnp.zeros((_L,), jnp.int32))
        cnt = jnp.max(off)
        nbat = (cnt + _BG - 1) // _BG

        def stage_and_gather(b, gidx, rows, s):
            for j in range(_BG // _L):
                gidx[pl.ds(j * _L, _L)] = (
                    lsrc_v[pl.ds(b * _BG + j * _L, _L)])
            pltpu.make_async_copy(sx_hbm.at[gidx], rows, s).start()

        def process(b, gidx, rows, s):
            pltpu.make_async_copy(sx_hbm.at[gidx], rows, s).wait()
            nrows = jnp.minimum(cnt - b * _BG, _BG)

            def row_body(r, carry3):
                ridx = jnp.full((_L,), b * _BG + r, jnp.int32)
                dlb = plsc.load_gather(ldst_v, [ridx])
                rv = [rows[r, pl.ds(j * 2 * _L, 2 * _L)] for j in range(nj)]
                av = [plsc.bitcast(plsc.load_gather(agg_v, [dlb, colv[j]]),
                                   jnp.bfloat16) for j in range(nj)]
                for j in range(nj):
                    plsc.store_scatter(
                        agg_v, [dlb, colv[j]],
                        plsc.bitcast(jnp.maximum(av[j], rv[j]), jnp.int32))
                return carry3

            lax.fori_loop(0, nrows, row_body, 0)

        @pl.when(nbat > 0)
        def _():
            stage_and_gather(0, gidx_v, rows_v, sem)

        def pair_body(bb, carry2):
            b0 = 2 * bb
            b1 = b0 + 1

            @pl.when(b1 < nbat)
            def _():
                stage_and_gather(b1, gidx2_v, rows2_v, sem2)

            process(b0, gidx_v, rows_v, sem)

            @pl.when(b0 + 2 < nbat)
            def _():
                stage_and_gather(b0 + 2, gidx_v, rows_v, sem)

            @pl.when(b1 < nbat)
            def _():
                process(b1, gidx2_v, rows2_v, sem2)

            return carry2

        lax.fori_loop(0, (nbat + 1) // 2, pair_body, 0)
        return carry

    lax.fori_loop(0, _NCHUNK, chunk_body, 0)

    zero_pair = jnp.zeros((2 * _L,), dtype=jnp.bfloat16)
    ninf = jnp.full((2 * _L,), -jnp.inf, dtype=jnp.bfloat16)
    def fin_body(r, c):
        for j in range(nj):
            sl = pl.ds(j * _L, _L)
            a = plsc.bitcast(agg_v[r, sl], jnp.bfloat16)
            agg_v[r, sl] = plsc.bitcast(jnp.where(a == ninf, zero_pair, a),
                                        jnp.int32)
        return c
    lax.fori_loop(0, _WIDTH, fin_body, 0)

    @pl.when(wid < _NW - 1)
    def _():
        pltpu.sync_copy(agg_v.at[pl.ds(0, _WIDTH)],
                        out_hbm.at[pl.ds(lo, _WIDTH)])

    @pl.when(wid == _NW - 1)
    def _():
        pltpu.sync_copy(agg_v.at[pl.ds(0, N - (_NW - 1) * _WIDTH)],
                        out_hbm.at[pl.ds(lo, N - (_NW - 1) * _WIDTH)])


def _sc_aggregate(src, dst, sx):
    mesh = plsc.VectorSubcoreMesh(core_axis_name="c", subcore_axis_name="s")
    return pl.kernel(
        _sc_agg_body,
        out_type=jax.ShapeDtypeStruct((N, DH), jnp.int32),
        mesh=mesh,
        compiler_params=pltpu.CompilerParams(needs_layout_passes=False,
                                             use_tc_tiling_on_sc=False),
        scratch_types=[
            pltpu.VMEM((_WIDTH, DH), jnp.int32),
            pltpu.VMEM((_CE,), jnp.int32),
            pltpu.VMEM((_CE,), jnp.int32),
            pltpu.VMEM((_CE + _BG,), jnp.int32),
            pltpu.VMEM((_CE + _BG + _L,), jnp.int32),
            pltpu.VMEM((_BG,), jnp.int32),
            pltpu.VMEM((_BG, D_OUT), jnp.bfloat16),
            pltpu.SemaphoreType.DMA,
            pltpu.VMEM((_BG,), jnp.int32),
            pltpu.VMEM((_BG, D_OUT), jnp.bfloat16),
            pltpu.SemaphoreType.DMA,
        ],
    )(src, dst, sx)


def _post_kernel(x_ref, agg_ref, wcomb_ref, whh_ref,
                 bih_ref, bhh_ref, out_ref):
    agg = agg_ref[...]
    gates = jax.lax.dot_general(
        x_ref[...], wcomb_ref[...], (((1,), (1,)), ((), ())),
        preferred_element_type=jnp.float32)
    gates += jax.lax.dot_general(
        agg, whh_ref[...], (((1,), (1,)), ((), ())),
        preferred_element_type=jnp.float32)
    gates += bih_ref[...] + bhh_ref[...]
    i_g = jax.nn.sigmoid(gates[:, 0 * D_OUT:1 * D_OUT])
    f_g = jax.nn.sigmoid(gates[:, 1 * D_OUT:2 * D_OUT])
    g_g = jnp.tanh(gates[:, 2 * D_OUT:3 * D_OUT])
    o_g = jax.nn.sigmoid(gates[:, 3 * D_OUT:4 * D_OUT])
    c = f_g * agg + i_g * g_g
    h = o_g * jnp.tanh(c)
    out_ref[...] = jnp.maximum(h, 0.0)


def _post(x, agg, W_comb, W_hh, b_ih2, b_hh2):
    return pl.pallas_call(
        _post_kernel,
        grid=(_NB,),
        in_specs=[
            pl.BlockSpec((_BN, D_IN), lambda i: (i, 0)),
            pl.BlockSpec((_BN, D_OUT), lambda i: (i, 0)),
            pl.BlockSpec((G, D_IN), lambda i: (0, 0)),
            pl.BlockSpec((G, D_OUT), lambda i: (0, 0)),
            pl.BlockSpec((1, G), lambda i: (0, 0)),
            pl.BlockSpec((1, G), lambda i: (0, 0)),
        ],
        out_specs=pl.BlockSpec((_BN, D_OUT), lambda i: (i, 0)),
        out_shape=jax.ShapeDtypeStruct((N, D_OUT), jnp.float32),
    )(x, agg, W_comb, W_hh, b_ih2, b_hh2)


def kernel(x, edge_index, W_src, W_tgt, W_ih, W_hh, b_ih, b_hh):
    src = edge_index[0]
    dst = edge_index[1]
    sx, W_comb = _pre(x, W_src, W_ih, W_tgt)
    agg_i32 = _sc_aggregate(src, dst, sx)
    agg = jax.lax.bitcast_convert_type(agg_i32, jnp.bfloat16)
    agg = agg.reshape(N, D_OUT).astype(jnp.float32)
    return _post(x, agg, W_comb, W_hh,
                 b_ih.reshape(1, G), b_hh.reshape(1, G))

# --- scband reference (transcript-rebuilt; emitter-appended) ---
"""Pipeline reference for scband-hetero-lstmconv-67697274520450 (READ-ONLY COPY).

The authoritative reference and input builder live on the scoring server;
editing this copy changes nothing except your own understanding.
"""

import jax, jax.numpy as jnp
import numpy as np

N = 10000
E = 160000
D_IN = 256
D_OUT = 512


def _glorot(key, shape):
    fan_out, fan_in = shape
    limit = float(np.sqrt(6.0 / (fan_in + fan_out)))
    return jax.random.uniform(key, shape, dtype=jnp.float32, minval=-limit, maxval=limit)


def _lstm_uniform(key, shape):
    stdv = 1.0 / float(np.sqrt(D_OUT))
    return jax.random.uniform(key, shape, dtype=jnp.float32, minval=-stdv, maxval=stdv)


def setup_inputs(seed: int = 0) -> dict:
    key = jax.random.key(seed)
    ks = jax.random.split(key, 8)
    x = jax.random.normal(ks[0], (N, D_IN), dtype=jnp.float32)
    edge_index = jax.random.randint(ks[1], (2, E), 0, N, dtype=jnp.int32)
    W_src = _glorot(ks[2], (D_OUT, D_IN))
    W_tgt = _glorot(ks[3], (D_OUT, D_IN))
    W_ih = _lstm_uniform(ks[4], (4 * D_OUT, D_OUT))
    W_hh = _lstm_uniform(ks[5], (4 * D_OUT, D_OUT))
    b_ih = _lstm_uniform(ks[6], (4 * D_OUT,))
    b_hh = _lstm_uniform(ks[7], (4 * D_OUT,))
    return {"x": x, "edge_index": edge_index, "W_src": W_src, "W_tgt": W_tgt,
            "W_ih": W_ih, "W_hh": W_hh, "b_ih": b_ih, "b_hh": b_hh}


def reference(x, edge_index, W_src, W_tgt, W_ih, W_hh, b_ih, b_hh):
    # Single node type 'n', single edge type; div['n'] = 1, meta=True, dropout p=0.0
    source_x = x @ W_src.T          # Linear(..., bias=False) glorot
    target_x = x @ W_tgt.T
    src_idx = edge_index[0].reshape(-1)
    dst_idx = edge_index[1].reshape(-1)
    gathered = jnp.take(source_x, src_idx, axis=0)
    # MaxAggregation over destination nodes; empty segments -> 0 (PyG zero-init)
    agg = jax.ops.segment_max(gathered, dst_idx, num_segments=N)
    agg = jnp.where(jnp.isneginf(agg), 0.0, agg)
    # aggregate_meta = agg / div = agg (div = 1); LSTMCell(target_x, (h0=agg, c0=agg))
    gates = target_x @ W_ih.T + b_ih + agg @ W_hh.T + b_hh
    i_g, f_g, g_g, o_g = jnp.split(gates, 4, axis=1)
    i_g = jax.nn.sigmoid(i_g)
    f_g = jax.nn.sigmoid(f_g)
    g_g = jnp.tanh(g_g)
    o_g = jax.nn.sigmoid(o_g)
    c = f_g * agg + i_g * g_g
    h = o_g * jnp.tanh(c)
    # x_dict_out['n'] = h / div; ReLU = True
    return jax.nn.relu(h)

if __name__ == "__main__":
    import jax
    _d = setup_inputs()
    print(jax.jit(kernel)(*tuple(_d.values())))

</pallas_src>

<mosaic_0001>
#map = affine_map<(d0, d1) -> (0)>
#map1 = affine_map<(d0, d1) -> (0, 0)>
module attributes {stable_mosaic.version = 14 : i64} {
  func.func @_sc_agg_body(%arg0: i32, %arg1: i32, %arg2: memref<160000xi32, #tpu.memory_space<hbm>>, %arg3: memref<160000xi32, #tpu.memory_space<hbm>>, %arg4: memref<10000x512xbf16, #tpu.memory_space<hbm>>, %arg5: memref<10000x256xi32, #tpu.memory_space<hbm>>, %arg6: memref<320x256xi32, #tpu.memory_space<vmem>>, %arg7: memref<3200xi32, #tpu.memory_space<vmem>>, %arg8: memref<3200xi32, #tpu.memory_space<vmem>>, %arg9: memref<3264xi32, #tpu.memory_space<vmem>>, %arg10: memref<3280xi32, #tpu.memory_space<vmem>>, %arg11: memref<64xi32, #tpu.memory_space<vmem>>, %arg12: memref<64x512xbf16, #tpu.memory_space<vmem>>, %arg13: memref<!tpu.dma_semaphore, #tpu.memory_space<semaphore_mem>>, %arg14: memref<64xi32, #tpu.memory_space<vmem>>, %arg15: memref<64x512xbf16, #tpu.memory_space<vmem>>, %arg16: memref<!tpu.dma_semaphore, #tpu.memory_space<semaphore_mem>>) attributes {dimension_semantics = [#tpu.dimension_semantics<core_parallel>, #tpu.dimension_semantics<subcore_parallel>], iteration_bounds = array<i64: 2, 16>, scalar_prefetch = 0 : i64, scratch_operands = 11 : i64, tpu.core_type = #tpu.core_type<sc_vector_subcore>, window_params = [{transform_indices = #map}, {transform_indices = #map}, {transform_indices = #map1}, {transform_indices = #map1}]} {
    %mul3A = arith.constant 2 : i32
    %mul3A_0 = arith.muli %arg1, %mul3A : i32
    %add3A = arith.addi %mul3A_0, %arg0 : i32
    %mul3A_1 = arith.constant 320 : i32
    %mul3A_2 = arith.muli %add3A, %mul3A_1 : i32
    %add3A_3 = arith.constant 320 : i32
    %add3A_4 = arith.addi %mul3A_2, %add3A_3 : i32
    %broadcast_in_dim3A = arith.constant 0xFF80 : bf16
    %broadcast_in_dim3A_5 = vector.broadcast %broadcast_in_dim3A : bf16 to vector<32xbf16>
    %bitcast3A = vector.bitcast %broadcast_in_dim3A_5 : vector<32xbf16> to vector<16xi32>
    %iota3A = tpu.iota {dimensions = array<i32: 0>} : vector<16xi32>
    %add3A_6 = arith.constant 0 : i32
    %add3A_7 = vector.broadcast %add3A_6 : i32 to vector<16xi32>
    %add3A_8 = arith.addi %iota3A, %add3A_7 : vector<16xi32>
    %iota3A_9 = tpu.iota {dimensions = array<i32: 0>} : vector<16xi32>
    %add3A_10 = arith.constant 16 : i32
    %add3A_11 = vector.broadcast %add3A_10 : i32 to vector<16xi32>
    %add3A_12 = arith.addi %iota3A_9, %add3A_11 : vector<16xi32>
    %iota3A_13 = tpu.iota {dimensions = array<i32: 0>} : vector<16xi32>
    %add3A_14 = arith.constant 32 : i32
    %add3A_15 = vector.broadcast %add3A_14 : i32 to vector<16xi32>
    %add3A_16 = arith.addi %iota3A_13, %add3A_15 : vector<16xi32>
    %iota3A_17 = tpu.iota {dimensions = array<i32: 0>} : vector<16xi32>
    %add3A_18 = arith.constant 48 : i32
    %add3A_19 = vector.broadcast %add3A_18 : i32 to vector<16xi32>
    %add3A_20 = arith.addi %iota3A_17, %add3A_19 : vector<16xi32>
    %iota3A_21 = tpu.iota {dimensions = array<i32: 0>} : vector<16xi32>
    %add3A_22 = arith.constant 64 : i32
    %add3A_23 = vector.broadcast %add3A_22 : i32 to vector<16xi32>
    %add3A_24 = arith.addi %iota3A_21, %add3A_23 : vector<16xi32>
    %iota3A_25 = tpu.iota {dimensions = array<i32: 0>} : vector<16xi32>
    %add3A_26 = arith.constant 80 : i32
    %add3A_27 = vector.broadcast %add3A_26 : i32 to vector<16xi32>
    %add3A_28 = arith.addi %iota3A_25, %add3A_27 : vector<16xi32>
    %iota3A_29 = tpu.iota {dimensions = array<i32: 0>} : vector<16xi32>
    %add3A_30 = arith.constant 96 : i32
    %add3A_31 = vector.broadcast %add3A_30 : i32 to vector<16xi32>
    %add3A_32 = arith.addi %iota3A_29, %add3A_31 : vector<16xi32>
    %iota3A_33 = tpu.iota {dimensions = array<i32: 0>} : vector<16xi32>
    %add3A_34 = arith.constant 112 : i32
    %add3A_35 = vector.broadcast %add3A_34 : i32 to vector<16xi32>
    %add3A_36 = arith.addi %iota3A_33, %add3A_35 : vector<16xi32>
    %iota3A_37 = tpu.iota {dimensions = array<i32: 0>} : vector<16xi32>
    %add3A_38 = arith.constant 128 : i32
    %add3A_39 = vector.broadcast %add3A_38 : i32 to vector<16xi32>
    %add3A_40 = arith.addi %iota3A_37, %add3A_39 : vector<16xi32>
    %iota3A_41 = tpu.iota {dimensions = array<i32: 0>} : vector<16xi32>
    %add3A_42 = arith.constant 144 : i32
    %add3A_43 = vector.broadcast %add3A_42 : i32 to vector<16xi32>
    %add3A_44 = arith.addi %iota3A_41, %add3A_43 : vector<16xi32>
    %iota3A_45 = tpu.iota {dimensions = array<i32: 0>} : vector<16xi32>
    %add3A_46 = arith.constant 160 : i32
    %add3A_47 = vector.broadcast %add3A_46 : i32 to vector<16xi32>
    %add3A_48 = arith.addi %iota3A_45, %add3A_47 : vector<16xi32>
    %iota3A_49 = tpu.iota {dimensions = array<i32: 0>} : vector<16xi32>
    %add3A_50 = arith.constant 176 : i32
    %add3A_51 = vector.broadcast %add3A_50 : i32 to vector<16xi32>
    %add3A_52 = arith.addi %iota3A_49, %add3A_51 : vector<16xi32>
    %iota3A_53 = tpu.iota {dimensions = array<i32: 0>} : vector<16xi32>
    %add3A_54 = arith.constant 192 : i32
    %add3A_55 = vector.broadcast %add3A_54 : i32 to vector<16xi32>
    %add3A_56 = arith.addi %iota3A_53, %add3A_55 : vector<16xi32>
    %iota3A_57 = tpu.iota {dimensions = array<i32: 0>} : vector<16xi32>
    %add3A_58 = arith.constant 208 : i32
    %add3A_59 = vector.broadcast %add3A_58 : i32 to vector<16xi32>
    %add3A_60 = arith.addi %iota3A_57, %add3A_59 : vector<16xi32>
    %iota3A_61 = tpu.iota {dimensions = array<i32: 0>} : vector<16xi32>
    %add3A_62 = arith.constant 224 : i32
    %add3A_63 = vector.broadcast %add3A_62 : i32 to vector<16xi32>
    %add3A_64 = arith.addi %iota3A_61, %add3A_63 : vector<16xi32>
    %iota3A_65 = tpu.iota {dimensions = array<i32: 0>} : vector<16xi32>
    %add3A_66 = arith.constant 240 : i32
    %add3A_67 = vector.broadcast %add3A_66 : i32 to vector<16xi32>
    %add3A_68 = arith.addi %iota3A_65, %add3A_67 : vector<16xi32>
    %scan3A = arith.constant 0 : i32
    %scan3A_69 = arith.constant 0 : i32
    %scan3A_70 = arith.constant 204 : i32
    %scan3A_71 = arith.addi %scan3A_69, %scan3A_70 : i32
    %scan3A_72 = arith.constant 1 : i32
    scf.for %scan3A_102 = %scan3A_69 to %scan3A_71 step %scan3A_72  : i32 {
      %broadcast_in_dim3A_103 = arith.constant 0 : i32
      %broadcast_in_dim3A_104 = vector.broadcast %broadcast_in_dim3A_103 : i32 to vector<16xi32>
      %mul3A_105 = arith.constant 16 : i32
      %mul3A_106 = arith.muli %scan3A_102, %mul3A_105 : i32
      %swap3A = arith.index_cast %mul3A_106 : i32 to index
      %swap3A_107 = tpu.vector_load %arg9[%swap3A] {strides = array<i32>} : memref<3264xi32, #tpu.memory_space<vmem>>, vector<16xi32>,
      tpu.vector_store %arg9[%swap3A], %broadcast_in_dim3A_104 {strides = array<i32>} : memref<3264xi32, #tpu.memory_space<vmem>>, vector<16xi32>,
    }
    %scan3A_73 = arith.constant 204 : i32
    %scan3A_74 = arith.constant 0 : i32
    %scan3A_75 = arith.constant 0 : i32
    %scan3A_76 = arith.constant 320 : i32
    %scan3A_77 = arith.addi %scan3A_75, %scan3A_76 : i32
    %scan3A_78 = arith.constant 1 : i32
    scf.for %scan3A_102 = %scan3A_75 to %scan3A_77 step %scan3A_78  : i32 {
      %swap3A = arith.index_cast %scan3A_102 : i32 to index
      %swap3A_103 = arith.constant 0 : index
      %swap3A_104 = tpu.vector_load %arg6[%swap3A, %swap3A_103] {strides = array<i32>} : memref<320x256xi32, #tpu.memory_space<vmem>>, vector<16xi32>,
      tpu.vector_store %arg6[%swap3A, %swap3A_103], %bitcast3A {strides = array<i32>} : memref<320x256xi32, #tpu.memory_space<vmem>>, vector<16xi32>,
      %swap3A_105 = arith.index_cast %scan3A_102 : i32 to index
      %swap3A_106 = arith.constant 16 : index
      %swap3A_107 = tpu.vector_load %arg6[%swap3A_105, %swap3A_106] {strides = array<i32>} : memref<320x256xi32, #tpu.memory_space<vmem>>, vector<16xi32>,
      tpu.vector_store %arg6[%swap3A_105, %swap3A_106], %bitcast3A {strides = array<i32>} : memref<320x256xi32, #tpu.memory_space<vmem>>, vector<16xi32>,
      %swap3A_108 = arith.index_cast %scan3A_102 : i32 to index
      %swap3A_109 = arith.constant 32 : index
      %swap3A_110 = tpu.vector_load %arg6[%swap3A_108, %swap3A_109] {strides = array<i32>} : memref<320x256xi32, #tpu.memory_space<vmem>>, vector<16xi32>,
      tpu.vector_store %arg6[%swap3A_108, %swap3A_109], %bitcast3A {strides = array<i32>} : memref<320x256xi32, #tpu.memory_space<vmem>>, vector<16xi32>,
      %swap3A_111 = arith.index_cast %scan3A_102 : i32 to index
      %swap3A_112 = arith.constant 48 : index
      %swap3A_113 = tpu.vector_load %arg6[%swap3A_111, %swap3A_112] {strides = array<i32>} : memref<320x256xi32, #tpu.memory_space<vmem>>, vector<16xi32>,
      tpu.vector_store %arg6[%swap3A_111, %swap3A_112], %bitcast3A {strides = array<i32>} : memref<320x256xi32, #tpu.memory_space<vmem>>, vector<16xi32>,
      %swap3A_114 = arith.index_cast %scan3A_102 : i32 to index
      %swap3A_115 = arith.constant 64 : index
      %swap3A_116 = tpu.vector_load %arg6[%swap3A_114, %swap3A_115] {strides = array<i32>} : memref<320x256xi32, #tpu.memory_space<vmem>>, vector<16xi32>,
      tpu.vector_store %arg6[%swap3A_114, %swap3A_115], %bitcast3A {strides = array<i32>} : memref<320x256xi32, #tpu.memory_space<vmem>>, vector<16xi32>,
      %swap3A_117 = arith.index_cast %scan3A_102 : i32 to index
      %swap3A_118 = arith.constant 80 : index
      %swap3A_119 = tpu.vector_load %arg6[%swap3A_117, %swap3A_118] {strides = array<i32>} : memref<320x256xi32, #tpu.memory_space<vmem>>, vector<16xi32>,
      tpu.vector_store %arg6[%swap3A_117, %swap3A_118], %bitcast3A {strides = array<i32>} : memref<320x256xi32, #tpu.memory_space<vmem>>, vector<16xi32>,
      %swap3A_120 = arith.index_cast %scan3A_102 : i32 to index
      %swap3A_121 = arith.constant 96 : index
      %swap3A_122 = tpu.vector_load %arg6[%swap3A_120, %swap3A_121] {strides = array<i32>} : memref<320x256xi32, #tpu.memory_space<vmem>>, vector<16xi32>,
      tpu.vector_store %arg6[%swap3A_120, %swap3A_121], %bitcast3A {strides = array<i32>} : memref<320x256xi32, #tpu.memory_space<vmem>>, vector<16xi32>,
      %swap3A_123 = arith.index_cast %scan3A_102 : i32 to index
      %swap3A_124 = arith.constant 112 : index
      %swap3A_125 = tpu.vector_load %arg6[%swap3A_123, %swap3A_124] {strides = array<i32>} : memref<320x256xi32, #tpu.memory_space<vmem>>, vector<16xi32>,
      tpu.vector_store %arg6[%swap3A_123, %swap3A_124], %bitcast3A {strides = array<i32>} : memref<320x256xi32, #tpu.memory_space<vmem>>, vector<16xi32>,
      %swap3A_126 = arith.index_cast %scan3A_102 : i32 to index
      %swap3A_127 = arith.constant 128 : index
      %swap3A_128 = tpu.vector_load %arg6[%swap3A_126, %swap3A_127] {strides = array<i32>} : memref<320x256xi32, #tpu.memory_space<vmem>>, vector<16xi32>,
      tpu.vector_store %arg6[%swap3A_126, %swap3A_127], %bitcast3A {strides = array<i32>} : memref<320x256xi32, #tpu.memory_space<vmem>>, vector<16xi32>,
      %swap3A_129 = arith.index_cast %scan3A_102 : i32 to index
      %swap3A_130 = arith.constant 144 : index
      %swap3A_131 = tpu.vector_load %arg6[%swap3A_129, %swap3A_130] {strides = array<i32>} : memref<320x256xi32, #tpu.memory_space<vmem>>, vector<16xi32>,
      tpu.vector_store %arg6[%swap3A_129, %swap3A_130], %bitcast3A {strides = array<i32>} : memref<320x256xi32, #tpu.memory_space<vmem>>, vector<16xi32>,
      %swap3A_132 = arith.index_cast %scan3A_102 : i32 to index
      %swap3A_133 = arith.constant 160 : index
      %swap3A_134 = tpu.vector_load %arg6[%swap3A_132, %swap3A_133] {strides = array<i32>} : memref<320x256xi32, #tpu.memory_space<vmem>>, vector<16xi32>,
      tpu.vector_store %arg6[%swap3A_132, %swap3A_133], %bitcast3A {strides = array<i32>} : memref<320x256xi32, #tpu.memory_space<vmem>>, vector<16xi32>,
      %swap3A_135 = arith.index_cast %scan3A_102 : i32 to index
      %swap3A_136 = arith.constant 176 : index
      %swap3A_137 = tpu.vector_load %arg6[%swap3A_135, %swap3A_136] {strides = array<i32>} : memref<320x256xi32, #tpu.memory_space<vmem>>, vector<16xi32>,
      tpu.vector_store %arg6[%swap3A_135, %swap3A_136], %bitcast3A {strides = array<i32>} : memref<320x256xi32, #tpu.memory_space<vmem>>, vector<16xi32>,
      %swap3A_138 = arith.index_cast %scan3A_102 : i32 to index
      %swap3A_139 = arith.constant 192 : index
      %swap3A_140 = tpu.vector_load %arg6[%swap3A_138, %swap3A_139] {strides = array<i32>} : memref<320x256xi32, #tpu.memory_space<vmem>>, vector<16xi32>,
      tpu.vector_store %arg6[%swap3A_138, %swap3A_139], %bitcast3A {strides = array<i32>} : memref<320x256xi32, #tpu.memory_space<vmem>>, vector<16xi32>,
      %swap3A_141 = arith.index_cast %scan3A_102 : i32 to index
      %swap3A_142 = arith.constant 208 : index
      %swap3A_143 = tpu.vector_load %arg6[%swap3A_141, %swap3A_142] {strides = array<i32>} : memref<320x256xi32, #tpu.memory_space<vmem>>, vector<16xi32>,
      tpu.vector_store %arg6[%swap3A_141, %swap3A_142], %bitcast3A {strides = array<i32>} : memref<320x256xi32, #tpu.memory_space<vmem>>, vector<16xi32>,
      %swap3A_144 = arith.index_cast %scan3A_102 : i32 to index
      %swap3A_145 = arith.constant 224 : index
      %swap3A_146 = tpu.vector_load %arg6[%swap3A_144, %swap3A_145] {strides = array<i32>} : memref<320x256xi32, #tpu.memory_space<vmem>>, vector<16xi32>,
      tpu.vector_store %arg6[%swap3A_144, %swap3A_145], %bitcast3A {strides = array<i32>} : memref<320x256xi32, #tpu.memory_space<vmem>>, vector<16xi32>,
      %swap3A_147 = arith.index_cast %scan3A_102 : i32 to index
      %swap3A_148 = arith.constant 240 : index
      %swap3A_149 = tpu.vector_load %arg6[%swap3A_147, %swap3A_148] {strides = array<i32>} : memref<320x256xi32, #tpu.memory_space<vmem>>, vector<16xi32>,
      tpu.vector_store %arg6[%swap3A_147, %swap3A_148], %bitcast3A {strides = array<i32>} : memref<320x256xi32, #tpu.memory_space<vmem>>, vector<16xi32>,
    }
    %scan3A_79 = arith.constant 320 : i32
    %scan3A_80 = arith.constant 0 : i32
    %scan3A_81 = arith.constant 0 : i32
    %scan3A_82 = arith.constant 50 : i32
    %scan3A_83 = arith.addi %scan3A_81, %scan3A_82 : i32
    %scan3A_84 = arith.constant 1 : i32
    scf.for %scan3A_102 = %scan3A_81 to %scan3A_83 step %scan3A_84  : i32 {
      %mul3A_103 = arith.constant 3200 : i32
      %mul3A_104 = arith.muli %scan3A_102, %mul3A_103 : i32
      "tpu.region"() ({
        %run_scoped3A = tpu.sem_alloc : memref<!tpu.dma_semaphore, #tpu.memory_space<semaphore_mem>>
        %dma_start3A = tpu.memref_slice %arg2[%mul3A_104] : memref<160000xi32, #tpu.memory_space<hbm>> -> memref<3200xi32, #tpu.memory_space<hbm>>
        %dma_start3A_181 = tpu.memref_slice %arg2[%mul3A_104] : memref<160000xi32, #tpu.memory_space<hbm>> -> memref<3200xi32, #tpu.memory_space<hbm>>
        tpu.enqueue_dma source(%dma_start3A_181 : memref<3200xi32, #tpu.memory_space<hbm>>) target(%arg7 : memref<3200xi32, #tpu.memory_space<vmem>>) target_semaphore(%run_scoped3A : memref<!tpu.dma_semaphore, #tpu.memory_space<semaphore_mem>>)
        %dma_wait3A = tpu.memref_slice %arg2[%mul3A_104] : memref<160000xi32, #tpu.memory_space<hbm>> -> memref<3200xi32, #tpu.memory_space<hbm>>
        %dma_wait3A_182 = tpu.memref_slice %arg2[%mul3A_104] : memref<160000xi32, #tpu.memory_space<hbm>> -> memref<3200xi32, #tpu.memory_space<hbm>>
        tpu.wait_dma2 semaphore(%run_scoped3A : memref<!tpu.dma_semaphore, #tpu.memory_space<semaphore_mem>>) src(%dma_wait3A_182 : memref<3200xi32, #tpu.memory_space<hbm>>) dst(%arg7 : memref<3200xi32, #tpu.memory_space<vmem>>)
        tpu.yield
      }) : () -> ()
      %mul3A_105 = arith.constant 3200 : i32
      %mul3A_106 = arith.muli %scan3A_102, %mul3A_105 : i32
      "tpu.region"() ({
        %run_scoped3A = tpu.sem_alloc : memref<!tpu.dma_semaphore, #tpu.memory_space<semaphore_mem>>
        %dma_start3A = tpu.memref_slice %arg3[%mul3A_106] : memref<160000xi32, #tpu.memory_space<hbm>> -> memref<3200xi32, #tpu.memory_space<hbm>>
        %dma_start3A_181 = tpu.memref_slice %arg3[%mul3A_106] : memref<160000xi32, #tpu.memory_space<hbm>> -> memref<3200xi32, #tpu.memory_space<hbm>>
        tpu.enqueue_dma source(%dma_start3A_181 : memref<3200xi32, #tpu.memory_space<hbm>>) target(%arg8 : memref<3200xi32, #tpu.memory_space<vmem>>) target_semaphore(%run_scoped3A : memref<!tpu.dma_semaphore, #tpu.memory_space<semaphore_mem>>)
        %dma_wait3A = tpu.memref_slice %arg3[%mul3A_106] : memref<160000xi32, #tpu.memory_space<hbm>> -> memref<3200xi32, #tpu.memory_space<hbm>>
        %dma_wait3A_182 = tpu.memref_slice %arg3[%mul3A_106] : memref<160000xi32, #tpu.memory_space<hbm>> -> memref<3200xi32, #tpu.memory_space<hbm>>
        tpu.wait_dma2 semaphore(%run_scoped3A : memref<!tpu.dma_semaphore, #tpu.memory_space<semaphore_mem>>) src(%dma_wait3A_182 : memref<3200xi32, #tpu.memory_space<hbm>>) dst(%arg8 : memref<3200xi32, #tpu.memory_space<vmem>>)
        tpu.yield
      }) : () -> ()
      %broadcast_in_dim3A_107 = arith.constant 0 : i32
      %broadcast_in_dim3A_108 = vector.broadcast %broadcast_in_dim3A_107 : i32 to vector<16xi32>
      %scan3A_109 = arith.constant 0 : i32
      %scan3A_110 = arith.constant 100 : i32
      %scan3A_111 = arith.addi %scan3A_109, %scan3A_110 : i32
      %scan3A_112 = arith.constant 1 : i32
      %scan3A_113 = scf.for %scan3A_181 = %scan3A_109 to %scan3A_111 step %scan3A_112 iter_args(%scan3A_182 = %broadcast_in_dim3A_108) -> (vector<16xi32>)  : i32 {
        %mul3A_183 = arith.constant 2 : i32
        %mul3A_184 = arith.muli %scan3A_181, %mul3A_183 : i32
        %mul3A_185 = arith.constant 16 : i32
        %mul3A_186 = arith.muli %mul3A_184, %mul3A_185 : i32
        %add3A_187 = arith.constant 0 : i32
        %add3A_188 = arith.addi %mul3A_186, %add3A_187 : i32
        %get3A = arith.index_cast %add3A_188 : i32 to index
        %get3A_189 = tpu.vector_load %arg8[%get3A] {strides = array<i32>} : memref<3200xi32, #tpu.memory_space<vmem>>, vector<16xi32>,
        %get3A_190 = arith.index_cast %add3A_188 : i32 to index
        %get3A_191 = tpu.vector_load %arg7[%get3A_190] {strides = array<i32>} : memref<3200xi32, #tpu.memory_space<vmem>>, vector<16xi32>,
        %ge3A = vector.broadcast %mul3A_2 : i32 to vector<16xi32>
        %ge3A_192 = arith.cmpi sge, %get3A_189, %ge3A : vector<16xi32>
        %lt3A_193 = vector.broadcast %add3A_4 : i32 to vector<16xi32>
        %lt3A_194 = arith.cmpi slt, %get3A_189, %lt3A_193 : vector<16xi32>
        %and3A_195 = arith.andi %ge3A_192, %lt3A_194 : vector<16xi1>
        %jit3A_196 = arith.constant 1 : i32
        %jit3A_197 = arith.constant 0 : i32
        %broadcast_in_dim3A_198 = vector.broadcast %jit3A_196 : i32 to vector<16xi32>
        %broadcast_in_dim3A_199 = vector.broadcast %jit3A_197 : i32 to vector<16xi32>
        %select_n3A_200 = arith.select %and3A_195, %broadcast_in_dim3A_198, %broadcast_in_dim3A_199 : vector<16xi1>, vector<16xi32>
        %broadcast_in_dim3A_201 = arith.constant true
        %broadcast_in_dim3A_202 = vector.broadcast %broadcast_in_dim3A_201 : i1 to vector<16xi1>
        %masked_cumsum3A = tpu.scan <sum>, %select_n3A_200 masked %broadcast_in_dim3A_202 : vector<16xi32>, vector<16xi1> -> vector<16xi32>
        %add3A_203 = arith.addi %masked_cumsum3A, %scan3A_182 : vector<16xi32>
        %sub3A_204 = arith.constant 1 : i32
        %sub3A_205 = vector.broadcast %sub3A_204 : i32 to vector<16xi32>
        %sub3A_206 = arith.subi %add3A_203, %sub3A_205 : vector<16xi32>
        tpu.vector_store_idx %arg9[%sub3A_206], %get3A_191 masked %and3A_195 : memref<3264xi32, #tpu.memory_space<vmem>>[vector<16xi32>], vector<16xi32>, vector<16xi1>
        %sub3A_207 = vector.broadcast %mul3A_2 : i32 to vector<16xi32>
        %sub3A_208 = arith.subi %get3A_189, %sub3A_207 : vector<16xi32>
        tpu.vector_store_idx %arg10[%sub3A_206], %sub3A_208 masked %and3A_195 : memref<3280xi32, #tpu.memory_space<vmem>>[vector<16xi32>], vector<16xi32>, vector<16xi1>
        %all_reduce_population_count3A = tpu.all_reduce %and3A_195 {dim = 0 : i64, kind = #tpu.reduction_kind<sum>} : vector<16xi1> -> vector<16xi32>
        %add3A_209 = arith.addi %scan3A_182, %all_reduce_population_count3A : vector<16xi32>
        %mul3A_210 = arith.constant 2 : i32
        %mul3A_211 = arith.muli %scan3A_181, %mul3A_210 : i32
        %mul3A_212 = arith.constant 16 : i32
        %mul3A_213 = arith.muli %mul3A_211, %mul3A_212 : i32
        %add3A_214 = arith.constant 16 : i32
        %add3A_215 = arith.addi %mul3A_213, %add3A_214 : i32
        %get3A_216 = arith.index_cast %add3A_215 : i32 to index
        %get3A_217 = tpu.vector_load %arg8[%get3A_216] {strides = array<i32>} : memref<3200xi32, #tpu.memory_space<vmem>>, vector<16xi32>,
        %get3A_218 = arith.index_cast %add3A_215 : i32 to index
        %get3A_219 = tpu.vector_load %arg7[%get3A_218] {strides = array<i32>} : memref<3200xi32, #tpu.memory_space<vmem>>, vector<16xi32>,
        %ge3A_220 = vector.broadcast %mul3A_2 : i32 to vector<16xi32>
        %ge3A_221 = arith.cmpi sge, %get3A_217, %ge3A_220 : vector<16xi32>
        %lt3A_222 = vector.broadcast %add3A_4 : i32 to vector<16xi32>
        %lt3A_223 = arith.cmpi slt, %get3A_217, %lt3A_222 : vector<16xi32>
        %and3A_224 = arith.andi %ge3A_221, %lt3A_223 : vector<16xi1>
        %jit3A_225 = arith.constant 1 : i32
        %jit3A_226 = arith.constant 0 : i32
        %broadcast_in_dim3A_227 = vector.broadcast %jit3A_225 : i32 to vector<16xi32>
        %broadcast_in_dim3A_228 = vector.broadcast %jit3A_226 : i32 to vector<16xi32>
        %select_n3A_229 = arith.select %and3A_224, %broadcast_in_dim3A_227, %broadcast_in_dim3A_228 : vector<16xi1>, vector<16xi32>
        %broadcast_in_dim3A_230 = arith.constant true
        %broadcast_in_dim3A_231 = vector.broadcast %broadcast_in_dim3A_230 : i1 to vector<16xi1>
        %masked_cumsum3A_232 = tpu.scan <sum>, %select_n3A_229 masked %broadcast_in_dim3A_231 : vector<16xi32>, vector<16xi1> -> vector<16xi32>
        %add3A_233 = arith.addi %masked_cumsum3A_232, %add3A_209 : vector<16xi32>
        %sub3A_234 = arith.constant 1 : i32
        %sub3A_235 = vector.broadcast %sub3A_234 : i32 to vector<16xi32>
        %sub3A_236 = arith.subi %add3A_233, %sub3A_235 : vector<16xi32>
        tpu.vector_store_idx %arg9[%sub3A_236], %get3A_219 masked %and3A_224 : memref<3264xi32, #tpu.memory_space<vmem>>[vector<16xi32>], vector<16xi32>, vector<16xi1>
        %sub3A_237 = vector.broadcast %mul3A_2 : i32 to vector<16xi32>
        %sub3A_238 = arith.subi %get3A_217, %sub3A_237 : vector<16xi32>
        tpu.vector_store_idx %arg10[%sub3A_236], %sub3A_238 masked %and3A_224 : memref<3280xi32, #tpu.memory_space<vmem>>[vector<16xi32>], vector<16xi32>, vector<16xi1>
        %all_reduce_population_count3A_239 = tpu.all_reduce %and3A_224 {dim = 0 : i64, kind = #tpu.reduction_kind<sum>} : vector<16xi1> -> vector<16xi32>
        %add3A_240 = arith.addi %add3A_209, %all_reduce_population_count3A_239 : vector<16xi32>
        scf.yield %add3A_240 : vector<16xi32>
      }
      %scan3A_114 = arith.constant 100 : i32
      %reduce_max3A = arith.constant true
      %reduce_max3A_115 = vector.broadcast %reduce_max3A : i1 to vector<16xi1>
      %reduce_max3A_116 = arith.constant -2147483648 : i32
      %reduce_max3A_117 = vector.broadcast %reduce_max3A_116 : i32 to vector<16xi32>
      %reduce_max3A_118 = arith.xori %scan3A_113, %reduce_max3A_117 : vector<16xi32>
      %reduce_max3A_119 = tpu.scan <max>, %reduce_max3A_118 masked %reduce_max3A_115 : vector<16xi32>, vector<16xi1> -> vector<16xi32>
      %reduce_max3A_120 = arith.xori %reduce_max3A_119, %reduce_max3A_117 : vector<16xi32>
      %reduce_max3A_121 = vector.extract %reduce_max3A_120[15] : i32 from vector<16xi32>
      %add3A_122 = arith.constant 64 : i32
      %add3A_123 = arith.addi %reduce_max3A_121, %add3A_122 : i32
      %sub3A = arith.constant 1 : i32
      %sub3A_124 = arith.subi %add3A_123, %sub3A : i32
      %jit3A = arith.constant 64 : i32
      %div3A = arith.divsi %sub3A_124, %jit3A : i32
      %sign3A = arith.constant 0 : i32
      %sign3A_125 = arith.cmpi sgt, %sub3A_124, %sign3A : i32
      %sign3A_126 = arith.extui %sign3A_125 : i1 to i32
      %sign3A_127 = arith.constant 0 : i32
      %sign3A_128 = arith.cmpi slt, %sub3A_124, %sign3A_127 : i32
      %sign3A_129 = arith.extui %sign3A_128 : i1 to i32
      %sign3A_130 = arith.subi %sign3A_126, %sign3A_129 : i32
      %sign3A_131 = arith.constant 0 : i32
      %sign3A_132 = arith.cmpi sgt, %jit3A, %sign3A_131 : i32
      %sign3A_133 = arith.extui %sign3A_132 : i1 to i32
      %sign3A_134 = arith.constant 0 : i32
      %sign3A_135 = arith.cmpi slt, %jit3A, %sign3A_134 : i32
      %sign3A_136 = arith.extui %sign3A_135 : i1 to i32
      %sign3A_137 = arith.subi %sign3A_133, %sign3A_136 : i32
      %ne3A = arith.cmpi ne, %sign3A_130, %sign3A_137 : i32
      %rem3A = arith.remsi %sub3A_124, %jit3A : i32
      %ne3A_138 = arith.constant 0 : i32
      %ne3A_139 = arith.cmpi ne, %rem3A, %ne3A_138 : i32
      %and3A = arith.andi %ne3A, %ne3A_139 : i1
      %sub3A_140 = arith.constant 1 : i32
      %sub3A_141 = arith.subi %div3A, %sub3A_140 : i32
      %select_n3A = arith.select %and3A, %sub3A_141, %div3A : i32
      %gt3A = arith.constant 0 : i32
      %gt3A_142 = arith.cmpi sgt, %select_n3A, %gt3A : i32
      %convert_element_type3A_143 = arith.extui %gt3A_142 : i1 to i32
      %cond3A_144 = arith.constant 0 : i32
      %cond3A_145 = arith.cmpi ne, %convert_element_type3A_143, %cond3A_144 : i32
      scf.if %cond3A_145 {
        %get3A = arith.constant 0 : index
        %get3A_181 = tpu.vector_load %arg9[%get3A] {strides = array<i32>} : memref<3264xi32, #tpu.memory_space<vmem>>, vector<16xi32>,
        %swap3A = arith.constant 0 : index
        %swap3A_182 = tpu.vector_load %arg11[%swap3A] {strides = array<i32>} : memref<64xi32, #tpu.memory_space<vmem>>, vector<16xi32>,
        tpu.vector_store %arg11[%swap3A], %get3A_181 {strides = array<i32>} : memref<64xi32, #tpu.memory_space<vmem>>, vector<16xi32>,
        %get3A_183 = arith.constant 16 : index
        %get3A_184 = tpu.vector_load %arg9[%get3A_183] {strides = array<i32>} : memref<3264xi32, #tpu.memory_space<vmem>>, vector<16xi32>,
        %swap3A_185 = arith.constant 16 : index
        %swap3A_186 = tpu.vector_load %arg11[%swap3A_185] {strides = array<i32>} : memref<64xi32, #tpu.memory_space<vmem>>, vector<16xi32>,
        tpu.vector_store %arg11[%swap3A_185], %get3A_184 {strides = array<i32>} : memref<64xi32, #tpu.memory_space<vmem>>, vector<16xi32>,
        %get3A_187 = arith.constant 32 : index
        %get3A_188 = tpu.vector_load %arg9[%get3A_187] {strides = array<i32>} : memref<3264xi32, #tpu.memory_space<vmem>>, vector<16xi32>,
        %swap3A_189 = arith.constant 32 : index
        %swap3A_190 = tpu.vector_load %arg11[%swap3A_189] {strides = array<i32>} : memref<64xi32, #tpu.memory_space<vmem>>, vector<16xi32>,
        tpu.vector_store %arg11[%swap3A_189], %get3A_188 {strides = array<i32>} : memref<64xi32, #tpu.memory_space<vmem>>, vector<16xi32>,
        %get3A_191 = arith.constant 48 : index
        %get3A_192 = tpu.vector_load %arg9[%get3A_191] {strides = array<i32>} : memref<3264xi32, #tpu.memory_space<vmem>>, vector<16xi32>,
        %swap3A_193 = arith.constant 48 : index
        %swap3A_194 = tpu.vector_load %arg11[%swap3A_193] {strides = array<i32>} : memref<64xi32, #tpu.memory_space<vmem>>, vector<16xi32>,
        tpu.vector_store %arg11[%swap3A_193], %get3A_192 {strides = array<i32>} : memref<64xi32, #tpu.memory_space<vmem>>, vector<16xi32>,
        %dma_start3A = arith.constant 0 : i32
        %dma_start3A_195 = arith.constant 0 : i32
        %dma_start3A_196 = tpu.memref_slice %arg4[%dma_start3A, %dma_start3A_195] : memref<10000x512xbf16, #tpu.memory_space<hbm>> -> memref<10000x512xbf16, #tpu.memory_space<hbm>>
        tpu.enqueue_indirect_dma source(%dma_start3A_196 : memref<10000x512xbf16, #tpu.memory_space<hbm>>) target(%arg12 : memref<64x512xbf16, #tpu.memory_space<vmem>>) offsets(%arg11 : memref<64xi32, #tpu.memory_space<vmem>>) semaphore(%arg13 : memref<!tpu.dma_semaphore, #tpu.memory_space<semaphore_mem>>)
      } else {
      }
      %add3A_146 = arith.constant 1 : i32
      %add3A_147 = arith.addi %select_n3A, %add3A_146 : i32
      %jit3A_148 = arith.constant 2 : i32
      %div3A_149 = arith.divsi %add3A_147, %jit3A_148 : i32
      %sign3A_150 = arith.constant 0 : i32
      %sign3A_151 = arith.cmpi sgt, %add3A_147, %sign3A_150 : i32
      %sign3A_152 = arith.extui %sign3A_151 : i1 to i32
      %sign3A_153 = arith.constant 0 : i32
      %sign3A_154 = arith.cmpi slt, %add3A_147, %sign3A_153 : i32
      %sign3A_155 = arith.extui %sign3A_154 : i1 to i32
      %sign3A_156 = arith.subi %sign3A_152, %sign3A_155 : i32
      %sign3A_157 = arith.constant 0 : i32
      %sign3A_158 = arith.cmpi sgt, %jit3A_148, %sign3A_157 : i32
      %sign3A_159 = arith.extui %sign3A_158 : i1 to i32
      %sign3A_160 = arith.constant 0 : i32
      %sign3A_161 = arith.cmpi slt, %jit3A_148, %sign3A_160 : i32
      %sign3A_162 = arith.extui %sign3A_161 : i1 to i32
      %sign3A_163 = arith.subi %sign3A_159, %sign3A_162 : i32
      %ne3A_164 = arith.cmpi ne, %sign3A_156, %sign3A_163 : i32
      %rem3A_165 = arith.remsi %add3A_147, %jit3A_148 : i32
      %ne3A_166 = arith.constant 0 : i32
      %ne3A_167 = arith.cmpi ne, %rem3A_165, %ne3A_166 : i32
      %and3A_168 = arith.andi %ne3A_164, %ne3A_167 : i1
      %sub3A_169 = arith.constant 1 : i32
      %sub3A_170 = arith.subi %div3A_149, %sub3A_169 : i32
      %select_n3A_171 = arith.select %and3A_168, %sub3A_170, %div3A_149 : i32
      %while3A = arith.constant 0 : i32
      %while3A_172 = arith.constant 0 : i32
      %while3A_173 = arith.subi %select_n3A_171, %while3A_172 : i32
      %while3A_174 = arith.addi %while3A_172, %while3A_173 : i32
      %while3A_175 = arith.constant 1 : i32
      %while3A_176 = arith.divsi %while3A_173, %while3A_175 : i32
      %while3A_177 = arith.muli %while3A_176, %while3A_175 : i32
      %while3A_178 = arith.addi %while3A_172, %while3A_177 : i32
      %while3A_179 = arith.constant 1 : i32
      scf.for %while3A_181 = %while3A_172 to %while3A_178 step %while3A_179  : i32 {
        %mul3A_182 = arith.constant 2 : i32
        %mul3A_183 = arith.muli %mul3A_182, %while3A_181 : i32
        %add3A_184 = arith.constant 1 : i32
        %add3A_185 = arith.addi %mul3A_183, %add3A_184 : i32
        %lt3A_186 = arith.cmpi slt, %add3A_185, %select_n3A : i32
        %convert_element_type3A_187 = arith.extui %lt3A_186 : i1 to i32
        %cond3A_188 = arith.constant 0 : i32
        %cond3A_189 = arith.cmpi ne, %convert_element_type3A_187, %cond3A_188 : i32
        scf.if %cond3A_189 {
          %mul3A_216 = arith.constant 64 : i32
          %mul3A_217 = arith.muli %add3A_185, %mul3A_216 : i32
          %add3A_218 = arith.constant 0 : i32
          %add3A_219 = arith.addi %mul3A_217, %add3A_218 : i32
          %get3A = arith.index_cast %add3A_219 : i32 to index
          %get3A_220 = tpu.vector_load %arg9[%get3A] {strides = array<i32>} : memref<3264xi32, #tpu.memory_space<vmem>>, vector<16xi32>,
          %swap3A = arith.constant 0 : index
          %swap3A_221 = tpu.vector_load %arg14[%swap3A] {strides = array<i32>} : memref<64xi32, #tpu.memory_space<vmem>>, vector<16xi32>,
          tpu.vector_store %arg14[%swap3A], %get3A_220 {strides = array<i32>} : memref<64xi32, #tpu.memory_space<vmem>>, vector<16xi32>,
          %mul3A_222 = arith.constant 64 : i32
          %mul3A_223 = arith.muli %add3A_185, %mul3A_222 : i32
          %add3A_224 = arith.constant 16 : i32
          %add3A_225 = arith.addi %mul3A_223, %add3A_224 : i32
          %get3A_226 = arith.index_cast %add3A_225 : i32 to index
          %get3A_227 = tpu.vector_load %arg9[%get3A_226] {strides = array<i32>} : memref<3264xi32, #tpu.memory_space<vmem>>, vector<16xi32>,
          %swap3A_228 = arith.constant 16 : index
          %swap3A_229 = tpu.vector_load %arg14[%swap3A_228] {strides = array<i32>} : memref<64xi32, #tpu.memory_space<vmem>>, vector<16xi32>,
          tpu.vector_store %arg14[%swap3A_228], %get3A_227 {strides = array<i32>} : memref<64xi32, #tpu.memory_space<vmem>>, vector<16xi32>,
          %mul3A_230 = arith.constant 64 : i32
          %mul3A_231 = arith.muli %add3A_185, %mul3A_230 : i32
          %add3A_232 = arith.constant 32 : i32
          %add3A_233 = arith.addi %mul3A_231, %add3A_232 : i32
          %get3A_234 = arith.index_cast %add3A_233 : i32 to index
          %get3A_235 = tpu.vector_load %arg9[%get3A_234] {strides = array<i32>} : memref<3264xi32, #tpu.memory_space<vmem>>, vector<16xi32>,
          %swap3A_236 = arith.constant 32 : index
          %swap3A_237 = tpu.vector_load %arg14[%swap3A_236] {strides = array<i32>} : memref<64xi32, #tpu.memory_space<vmem>>, vector<16xi32>,
          tpu.vector_store %arg14[%swap3A_236], %get3A_235 {strides = array<i32>} : memref<64xi32, #tpu.memory_space<vmem>>, vector<16xi32>,
          %mul3A_238 = arith.constant 64 : i32
          %mul3A_239 = arith.muli %add3A_185, %mul3A_238 : i32
          %add3A_240 = arith.constant 48 : i32
          %add3A_241 = arith.addi %mul3A_239, %add3A_240 : i32
          %get3A_242 = arith.index_cast %add3A_241 : i32 to index
          %get3A_243 = tpu.vector_load %arg9[%get3A_242] {strides = array<i32>} : memref<3264xi32, #tpu.memory_space<vmem>>, vector<16xi32>,
          %swap3A_244 = arith.constant 48 : index
          %swap3A_245 = tpu.vector_load %arg14[%swap3A_244] {strides = array<i32>} : memref<64xi32, #tpu.memory_space<vmem>>, vector<16xi32>,
          tpu.vector_store %arg14[%swap3A_244], %get3A_243 {strides = array<i32>} : memref<64xi32, #tpu.memory_space<vmem>>, vector<16xi32>,
          %dma_start3A = arith.constant 0 : i32
          %dma_start3A_246 = arith.constant 0 : i32
          %dma_start3A_247 = tpu.memref_slice %arg4[%dma_start3A, %dma_start3A_246] : memref<10000x512xbf16, #tpu.memory_space<hbm>> -> memref<10000x512xbf16, #tpu.memory_space<hbm>>
          tpu.enqueue_indirect_dma source(%dma_start3A_247 : memref<10000x512xbf16, #tpu.memory_space<hbm>>) target(%arg15 : memref<64x512xbf16, #tpu.memory_space<vmem>>) offsets(%arg14 : memref<64xi32, #tpu.memory_space<vmem>>) semaphore(%arg16 : memref<!tpu.dma_semaphore, #tpu.memory_space<semaphore_mem>>)
        } else {
        }
        %dma_wait3A = arith.constant 0 : i32
        %dma_wait3A_190 = arith.constant 0 : i32
        %dma_wait3A_191 = tpu.memref_slice %arg4[%dma_wait3A, %dma_wait3A_190] : memref<10000x512xbf16, #tpu.memory_space<hbm>> -> memref<10000x512xbf16, #tpu.memory_space<hbm>>
        tpu.wait_indirect_dma semaphore(%arg13 : memref<!tpu.dma_semaphore, #tpu.memory_space<semaphore_mem>>) src(%dma_wait3A_191 : memref<10000x512xbf16, #tpu.memory_space<hbm>>) dst(%arg12 : memref<64x512xbf16, #tpu.memory_space<vmem>>)
        %mul3A_192 = arith.constant 64 : i32
        %mul3A_193 = arith.muli %mul3A_183, %mul3A_192 : i32
        %sub3A_194 = arith.subi %reduce_max3A_121, %mul3A_193 : i32
        %min3A = arith.constant 64 : i32
        %min3A_195 = arith.minsi %sub3A_194, %min3A : i32
        %while3A_196 = arith.constant 0 : i32
        %while3A_197 = arith.constant 0 : i32
        %while3A_198 = arith.subi %min3A_195, %while3A_197 : i32
        %while3A_199 = arith.addi %while3A_197, %while3A_198 : i32
        %while3A_200 = arith.constant 1 : i32
        %while3A_201 = arith.divsi %while3A_198, %while3A_200 : i32
        %while3A_202 = arith.muli %while3A_201, %while3A_200 : i32
        %while3A_203 = arith.addi %while3A_197, %while3A_202 : i32
        %while3A_204 = arith.constant 1 : i32
        scf.for %while3A_216 = %while3A_197 to %while3A_203 step %while3A_204  : i32 {
          %mul3A_217 = arith.constant 64 : i32
          %mul3A_218 = arith.muli %mul3A_183, %mul3A_217 : i32
          %add3A_219 = arith.addi %mul3A_218, %while3A_216 : i32
          %broadcast_in_dim3A_220 = vector.broadcast %add3A_219 : i32 to vector<16xi32>
          %gather3A = tpu.vector_load_idx %arg10[%broadcast_in_dim3A_220] : memref<3280xi32, #tpu.memory_space<vmem>>[vector<16xi32>], vector<16xi32>,
          %get3A = arith.index_cast %while3A_216 : i32 to index
          %get3A_221 = arith.constant 0 : index
          %get3A_222 = tpu.vector_load %arg12[%get3A, %get3A_221] {strides = array<i32>} : memref<64x512xbf16, #tpu.memory_space<vmem>>, vector<32xbf16>,
          %get3A_223 = arith.index_cast %while3A_216 : i32 to index
          %get3A_224 = arith.constant 32 : index
          %get3A_225 = tpu.vector_load %arg12[%get3A_223, %get3A_224] {strides = array<i32>} : memref<64x512xbf16, #tpu.memory_space<vmem>>, vector<32xbf16>,
          %get3A_226 = arith.index_cast %while3A_216 : i32 to index
          %get3A_227 = arith.constant 64 : index
          %get3A_228 = tpu.vector_load %arg12[%get3A_226, %get3A_227] {strides = array<i32>} : memref<64x512xbf16, #tpu.memory_space<vmem>>, vector<32xbf16>,
          %get3A_229 = arith.index_cast %while3A_216 : i32 to index
          %get3A_230 = arith.constant 96 : index
          %get3A_231 = tpu.vector_load %arg12[%get3A_229, %get3A_230] {strides = array<i32>} : memref<64x512xbf16, #tpu.memory_space<vmem>>, vector<32xbf16>,
          %get3A_232 = arith.index_cast %while3A_216 : i32 to index
          %get3A_233 = arith.constant 128 : index
          %get3A_234 = tpu.vector_load %arg12[%get3A_232, %get3A_233] {strides = array<i32>} : memref<64x512xbf16, #tpu.memory_space<vmem>>, vector<32xbf16>,
          %get3A_235 = arith.index_cast %while3A_216 : i32 to index
          %get3A_236 = arith.constant 160 : index
          %get3A_237 = tpu.vector_load %arg12[%get3A_235, %get3A_236] {strides = array<i32>} : memref<64x512xbf16, #tpu.memory_space<vmem>>, vector<32xbf16>,
          %get3A_238 = arith.index_cast %while3A_216 : i32 to index
          %get3A_239 = arith.constant 192 : index
          %get3A_240 = tpu.vector_load %arg12[%get3A_238, %get3A_239] {strides = array<i32>} : memref<64x512xbf16, #tpu.memory_space<vmem>>, vector<32xbf16>,
          %get3A_241 = arith.index_cast %while3A_216 : i32 to index
          %get3A_242 = arith.constant 224 : index
          %get3A_243 = tpu.vector_load %arg12[%get3A_241, %get3A_242] {strides = array<i32>} : memref<64x512xbf16, #tpu.memory_space<vmem>>, vector<32xbf16>,
          %get3A_244 = arith.index_cast %while3A_216 : i32 to index
          %get3A_245 = arith.constant 256 : index
          %get3A_246 = tpu.vector_load %arg12[%get3A_244, %get3A_245] {strides = array<i32>} : memref<64x512xbf16, #tpu.memory_space<vmem>>, vector<32xbf16>,
          %get3A_247 = arith.index_cast %while3A_216 : i32 to index
          %get3A_248 = arith.constant 288 : index
          %get3A_249 = tpu.vector_load %arg12[%get3A_247, %get3A_248] {strides = array<i32>} : memref<64x512xbf16, #tpu.memory_space<vmem>>, vector<32xbf16>,
          %get3A_250 = arith.index_cast %while3A_216 : i32 to index
          %get3A_251 = arith.constant 320 : index
          %get3A_252 = tpu.vector_load %arg12[%get3A_250, %get3A_251] {strides = array<i32>} : memref<64x512xbf16, #tpu.memory_space<vmem>>, vector<32xbf16>,
          %get3A_253 = arith.index_cast %while3A_216 : i32 to index
          %get3A_254 = arith.constant 352 : index
          %get3A_255 = tpu.vector_load %arg12[%get3A_253, %get3A_254] {strides = array<i32>} : memref<64x512xbf16, #tpu.memory_space<vmem>>, vector<32xbf16>,
          %get3A_256 = arith.index_cast %while3A_216 : i32 to index
          %get3A_257 = arith.constant 384 : index
          %get3A_258 = tpu.vector_load %arg12[%get3A_256, %get3A_257] {strides = array<i32>} : memref<64x512xbf16, #tpu.memory_space<vmem>>, vector<32xbf16>,
          %get3A_259 = arith.index_cast %while3A_216 : i32 to index
          %get3A_260 = arith.constant 416 : index
          %get3A_261 = tpu.vector_load %arg12[%get3A_259, %get3A_260] {strides = array<i32>} : memref<64x512xbf16, #tpu.memory_space<vmem>>, vector<32xbf16>,
          %get3A_262 = arith.index_cast %while3A_216 : i32 to index
          %get3A_263 = arith.constant 448 : index
          %get3A_264 = tpu.vector_load %arg12[%get3A_262, %get3A_263] {strides = array<i32>} : memref<64x512xbf16, #tpu.memory_space<vmem>>, vector<32xbf16>,
          %get3A_265 = arith.index_cast %while3A_216 : i32 to index
          %get3A_266 = arith.constant 480 : index
          %get3A_267 = tpu.vector_load %arg12[%get3A_265, %get3A_266] {strides = array<i32>} : memref<64x512xbf16, #tpu.memory_space<vmem>>, vector<32xbf16>,
          %gather3A_268 = tpu.vector_load_idx %arg6[%gather3A, %add3A_8] : memref<320x256xi32, #tpu.memory_space<vmem>>[vector<16xi32>, vector<16xi32>], vector<16xi32>,
          %bitcast3A_269 = vector.bitcast %gather3A_268 : vector<16xi32> to vector<32xbf16>
          %gather3A_270 = tpu.vector_load_idx %arg6[%gather3A, %add3A_12] : memref<320x256xi32, #tpu.memory_space<vmem>>[vector<16xi32>, vector<16xi32>], vector<16xi32>,
          %bitcast3A_271 = vector.bitcast %gather3A_270 : vector<16xi32> to vector<32xbf16>
          %gather3A_272 = tpu.vector_load_idx %arg6[%gather3A, %add3A_16] : memref<320x256xi32, #tpu.memory_space<vmem>>[vector<16xi32>, vector<16xi32>], vector<16xi32>,
          %bitcast3A_273 = vector.bitcast %gather3A_272 : vector<16xi32> to vector<32xbf16>
          %gather3A_274 = tpu.vector_load_idx %arg6[%gather3A, %add3A_20] : memref<320x256xi32, #tpu.memory_space<vmem>>[vector<16xi32>, vector<16xi32>], vector<16xi32>,
          %bitcast3A_275 = vector.bitcast %gather3A_274 : vector<16xi32> to vector<32xbf16>
          %gather3A_276 = tpu.vector_load_idx %arg6[%gather3A, %add3A_24] : memref<320x256xi32, #tpu.memory_space<vmem>>[vector<16xi32>, vector<16xi32>], vector<16xi32>,
          %bitcast3A_277 = vector.bitcast %gather3A_276 : vector<16xi32> to vector<32xbf16>
          %gather3A_278 = tpu.vector_load_idx %arg6[%gather3A, %add3A_28] : memref<320x256xi32, #tpu.memory_space<vmem>>[vector<16xi32>, vector<16xi32>], vector<16xi32>,
          %bitcast3A_279 = vector.bitcast %gather3A_278 : vector<16xi32> to vector<32xbf16>
          %gather3A_280 = tpu.vector_load_idx %arg6[%gather3A, %add3A_32] : memref<320x256xi32, #tpu.memory_space<vmem>>[vector<16xi32>, vector<16xi32>], vector<16xi32>,
          %bitcast3A_281 = vector.bitcast %gather3A_280 : vector<16xi32> to vector<32xbf16>
          %gather3A_282 = tpu.vector_load_idx %arg6[%gather3A, %add3A_36] : memref<320x256xi32, #tpu.memory_space<vmem>>[vector<16xi32>, vector<16xi32>], vector<16xi32>,
          %bitcast3A_283 = vector.bitcast %gather3A_282 : vector<16xi32> to vector<32xbf16>
          %gather3A_284 = tpu.vector_load_idx %arg6[%gather3A, %add3A_40] : memref<320x256xi32, #tpu.memory_space<vmem>>[vector<16xi32>, vector<16xi32>], vector<16xi32>,
          %bitcast3A_285 = vector.bitcast %gather3A_284 : vector<16xi32> to vector<32xbf16>
          %gather3A_286 = tpu.vector_load_idx %arg6[%gather3A, %add3A_44] : memref<320x256xi32, #tpu.memory_space<vmem>>[vector<16xi32>, vector<16xi32>], vector<16xi32>,
          %bitcast3A_287 = vector.bitcast %gather3A_286 : vector<16xi32> to vector<32xbf16>
          %gather3A_288 = tpu.vector_load_idx %arg6[%gather3A, %add3A_48] : memref<320x256xi32, #tpu.memory_space<vmem>>[vector<16xi32>, vector<16xi32>], vector<16xi32>,
          %bitcast3A_289 = vector.bitcast %gather3A_288 : vector<16xi32> to vector<32xbf16>
          %gather3A_290 = tpu.vector_load_idx %arg6[%gather3A, %add3A_52] : memref<320x256xi32, #tpu.memory_space<vmem>>[vector<16xi32>, vector<16xi32>], vector<16xi32>,
          %bitcast3A_291 = vector.bitcast %gather3A_290 : vector<16xi32> to vector<32xbf16>
          %gather3A_292 = tpu.vector_load_idx %arg6[%gather3A, %add3A_56] : memref<320x256xi32, #tpu.memory_space<vmem>>[vector<16xi32>, vector<16xi32>], vector<16xi32>,
          %bitcast3A_293 = vector.bitcast %gather3A_292 : vector<16xi32> to vector<32xbf16>
          %gather3A_294 = tpu.vector_load_idx %arg6[%gather3A, %add3A_60] : memref<320x256xi32, #tpu.memory_space<vmem>>[vector<16xi32>, vector<16xi32>], vector<16xi32>,
          %bitcast3A_295 = vector.bitcast %gather3A_294 : vector<16xi32> to vector<32xbf16>
          %gather3A_296 = tpu.vector_load_idx %arg6[%gather3A, %add3A_64] : memref<320x256xi32, #tpu.memory_space<vmem>>[vector<16xi32>, vector<16xi32>], vector<16xi32>,
          %bitcast3A_297 = vector.bitcast %gather3A_296 : vector<16xi32> to vector<32xbf16>
          %gather3A_298 = tpu.vector_load_idx %arg6[%gather3A, %add3A_68] : memref<320x256xi32, #tpu.memory_space<vmem>>[vector<16xi32>, vector<16xi32>], vector<16xi32>,
          %bitcast3A_299 = vector.bitcast %gather3A_298 : vector<16xi32> to vector<32xbf16>
          %max3A = arith.maximumf %bitcast3A_269, %get3A_222 : vector<32xbf16>
          %bitcast3A_300 = vector.bitcast %max3A : vector<32xbf16> to vector<16xi32>
          tpu.vector_store_idx %arg6[%gather3A, %add3A_8], %bitcast3A_300 : memref<320x256xi32, #tpu.memory_space<vmem>>[vector<16xi32>, vector<16xi32>], vector<16xi32>,
          %max3A_301 = arith.maximumf %bitcast3A_271, %get3A_225 : vector<32xbf16>
          %bitcast3A_302 = vector.bitcast %max3A_301 : vector<32xbf16> to vector<16xi32>
          tpu.vector_store_idx %arg6[%gather3A, %add3A_12], %bitcast3A_302 : memref<320x256xi32, #tpu.memory_space<vmem>>[vector<16xi32>, vector<16xi32>], vector<16xi32>,
          %max3A_303 = arith.maximumf %bitcast3A_273, %get3A_228 : vector<32xbf16>
          %bitcast3A_304 = vector.bitcast %max3A_303 : vector<32xbf16> to vector<16xi32>
          tpu.vector_store_idx %arg6[%gather3A, %add3A_16], %bitcast3A_304 : memref<320x256xi32, #tpu.memory_space<vmem>>[vector<16xi32>, vector<16xi32>], vector<16xi32>,
          %max3A_305 = arith.maximumf %bitcast3A_275, %get3A_231 : vector<32xbf16>
          %bitcast3A_306 = vector.bitcast %max3A_305 : vector<32xbf16> to vector<16xi32>
          tpu.vector_store_idx %arg6[%gather3A, %add3A_20], %bitcast3A_306 : memref<320x256xi32, #tpu.memory_space<vmem>>[vector<16xi32>, vector<16xi32>], vector<16xi32>,
          %max3A_307 = arith.maximumf %bitcast3A_277, %get3A_234 : vector<32xbf16>
          %bitcast3A_308 = vector.bitcast %max3A_307 : vector<32xbf16> to vector<16xi32>
          tpu.vector_store_idx %arg6[%gather3A, %add3A_24], %bitcast3A_308 : memref<320x256xi32, #tpu.memory_space<vmem>>[vector<16xi32>, vector<16xi32>], vector<16xi32>,
          %max3A_309 = arith.maximumf %bitcast3A_279, %get3A_237 : vector<32xbf16>
          %bitcast3A_310 = vector.bitcast %max3A_309 : vector<32xbf16> to vector<16xi32>
          tpu.vector_store_idx %arg6[%gather3A, %add3A_28], %bitcast3A_310 : memref<320x256xi32, #tpu.memory_space<vmem>>[vector<16xi32>, vector<16xi32>], vector<16xi32>,
          %max3A_311 = arith.maximumf %bitcast3A_281, %get3A_240 : vector<32xbf16>
          %bitcast3A_312 = vector.bitcast %max3A_311 : vector<32xbf16> to vector<16xi32>
          tpu.vector_store_idx %arg6[%gather3A, %add3A_32], %bitcast3A_312 : memref<320x256xi32, #tpu.memory_space<vmem>>[vector<16xi32>, vector<16xi32>], vector<16xi32>,
          %max3A_313 = arith.maximumf %bitcast3A_283, %get3A_243 : vector<32xbf16>
          %bitcast3A_314 = vector.bitcast %max3A_313 : vector<32xbf16> to vector<16xi32>
          tpu.vector_store_idx %arg6[%gather3A, %add3A_36], %bitcast3A_314 : memref<320x256xi32, #tpu.memory_space<vmem>>[vector<16xi32>, vector<16xi32>], vector<16xi32>,
          %max3A_315 = arith.maximumf %bitcast3A_285, %get3A_246 : vector<32xbf16>
          %bitcast3A_316 = vector.bitcast %max3A_315 : vector<32xbf16> to vector<16xi32>
          tpu.vector_store_idx %arg6[%gather3A, %add3A_40], %bitcast3A_316 : memref<320x256xi32, #tpu.memory_space<vmem>>[vector<16xi32>, vector<16xi32>], vector<16xi32>,
          %max3A_317 = arith.maximumf %bitcast3A_287, %get3A_249 : vector<32xbf16>
          %bitcast3A_318 = vector.bitcast %max3A_317 : vector<32xbf16> to vector<16xi32>
          tpu.vector_store_idx %arg6[%gather3A, %add3A_44], %bitcast3A_318 : memref<320x256xi32, #tpu.memory_space<vmem>>[vector<16xi32>, vector<16xi32>], vector<16xi32>,
          %max3A_319 = arith.maximumf %bitcast3A_289, %get3A_252 : vector<32xbf16>
          %bitcast3A_320 = vector.bitcast %max3A_319 : vector<32xbf16> to vector<16xi32>
          tpu.vector_store_idx %arg6[%gather3A, %add3A_48], %bitcast3A_320 : memref<320x256xi32, #tpu.memory_space<vmem>>[vector<16xi32>, vector<16xi32>], vector<16xi32>,
          %max3A_321 = arith.maximumf %bitcast3A_291, %get3A_255 : vector<32xbf16>
          %bitcast3A_322 = vector.bitcast %max3A_321 : vector<32xbf16> to vector<16xi32>
          tpu.vector_store_idx %arg6[%gather3A, %add3A_52], %bitcast3A_322 : memref<320x256xi32, #tpu.memory_space<vmem>>[vector<16xi32>, vector<16xi32>], vector<16xi32>,
          %max3A_323 = arith.maximumf %bitcast3A_293, %get3A_258 : vector<32xbf16>
          %bitcast3A_324 = vector.bitcast %max3A_323 : vector<32xbf16> to vector<16xi32>
          tpu.vector_store_idx %arg6[%gather3A, %add3A_56], %bitcast3A_324 : memref<320x256xi32, #tpu.memory_space<vmem>>[vector<16xi32>, vector<16xi32>], vector<16xi32>,
          %max3A_325 = arith.maximumf %bitcast3A_295, %get3A_261 : vector<32xbf16>
          %bitcast3A_326 = vector.bitcast %max3A_325 : vector<32xbf16> to vector<16xi32>
          tpu.vector_store_idx %arg6[%gather3A, %add3A_60], %bitcast3A_326 : memref<320x256xi32, #tpu.memory_space<vmem>>[vector<16xi32>, vector<16xi32>], vector<16xi32>,
          %max3A_327 = arith.maximumf %bitcast3A_297, %get3A_264 : vector<32xbf16>
          %bitcast3A_328 = vector.bitcast %max3A_327 : vector<32xbf16> to vector<16xi32>
          tpu.vector_store_idx %arg6[%gather3A, %add3A_64], %bitcast3A_328 : memref<320x256xi32, #tpu.memory_space<vmem>>[vector<16xi32>, vector<16xi32>], vector<16xi32>,
          %max3A_329 = arith.maximumf %bitcast3A_299, %get3A_267 : vector<32xbf16>
          %bitcast3A_330 = vector.bitcast %max3A_329 : vector<32xbf16> to vector<16xi32>
          tpu.vector_store_idx %arg6[%gather3A, %add3A_68], %bitcast3A_330 : memref<320x256xi32, #tpu.memory_space<vmem>>[vector<16xi32>, vector<16xi32>], vector<16xi32>,
        }
        %while3A_205 = arith.constant 1 : i32
        scf.for %while3A_216 = %while3A_203 to %while3A_199 step %while3A_205  : i32 {
          %mul3A_217 = arith.constant 64 : i32
          %mul3A_218 = arith.muli %mul3A_183, %mul3A_217 : i32
          %add3A_219 = arith.addi %mul3A_218, %while3A_216 : i32
          %broadcast_in_dim3A_220 = vector.broadcast %add3A_219 : i32 to vector<16xi32>
          %gather3A = tpu.vector_load_idx %arg10[%broadcast_in_dim3A_220] : memref<3280xi32, #tpu.memory_space<vmem>>[vector<16xi32>], vector<16xi32>,
          %get3A = arith.index_cast %while3A_216 : i32 to index
          %get3A_221 = arith.constant 0 : index
          %get3A_222 = tpu.vector_load %arg12[%get3A, %get3A_221] {strides = array<i32>} : memref<64x512xbf16, #tpu.memory_space<vmem>>, vector<32xbf16>,
          %get3A_223 = arith.index_cast %while3A_216 : i32 to index
          %get3A_224 = arith.constant 32 : index
          %get3A_225 = tpu.vector_load %arg12[%get3A_223, %get3A_224] {strides = array<i32>} : memref<64x512xbf16, #tpu.memory_space<vmem>>, vector<32xbf16>,
          %get3A_226 = arith.index_cast %while3A_216 : i32 to index
          %get3A_227 = arith.constant 64 : index
          %get3A_228 = tpu.vector_load %arg12[%get3A_226, %get3A_227] {strides = array<i32>} : memref<64x512xbf16, #tpu.memory_space<vmem>>, vector<32xbf16>,
          %get3A_229 = arith.index_cast %while3A_216 : i32 to index
          %get3A_230 = arith.constant 96 : index
          %get3A_231 = tpu.vector_load %arg12[%get3A_229, %get3A_230] {strides = array<i32>} : memref<64x512xbf16, #tpu.memory_space<vmem>>, vector<32xbf16>,
          %get3A_232 = arith.index_cast %while3A_216 : i32 to index
          %get3A_233 = arith.constant 128 : index
          %get3A_234 = tpu.vector_load %arg12[%get3A_232, %get3A_233] {strides = array<i32>} : memref<64x512xbf16, #tpu.memory_space<vmem>>, vector<32xbf16>,
          %get3A_235 = arith.index_cast %while3A_216 : i32 to index
          %get3A_236 = arith.constant 160 : index
          %get3A_237 = tpu.vector_load %arg12[%get3A_235, %get3A_236] {strides = array<i32>} : memref<64x512xbf16, #tpu.memory_space<vmem>>, vector<32xbf16>,
          %get3A_238 = arith.index_cast %while3A_216 : i32 to index
          %get3A_239 = arith.constant 192 : index
          %get3A_240 = tpu.vector_load %arg12[%get3A_238, %get3A_239] {strides = array<i32>} : memref<64x512xbf16, #tpu.memory_space<vmem>>, vector<32xbf16>,
          %get3A_241 = arith.index_cast %while3A_216 : i32 to index
          %get3A_242 = arith.constant 224 : index
          %get3A_243 = tpu.vector_load %arg12[%get3A_241, %get3A_242] {strides = array<i32>} : memref<64x512xbf16, #tpu.memory_space<vmem>>, vector<32xbf16>,
          %get3A_244 = arith.index_cast %while3A_216 : i32 to index
          %get3A_245 = arith.constant 256 : index
          %get3A_246 = tpu.vector_load %arg12[%get3A_244, %get3A_245] {strides = array<i32>} : memref<64x512xbf16, #tpu.memory_space<vmem>>, vector<32xbf16>,
          %get3A_247 = arith.index_cast %while3A_216 : i32 to index
          %get3A_248 = arith.constant 288 : index
          %get3A_249 = tpu.vector_load %arg12[%get3A_247, %get3A_248] {strides = array<i32>} : memref<64x512xbf16, #tpu.memory_space<vmem>>, vector<32xbf16>,
          %get3A_250 = arith.index_cast %while3A_216 : i32 to index
          %get3A_251 = arith.constant 320 : index
          %get3A_252 = tpu.vector_load %arg12[%get3A_250, %get3A_251] {strides = array<i32>} : memref<64x512xbf16, #tpu.memory_space<vmem>>, vector<32xbf16>,
          %get3A_253 = arith.index_cast %while3A_216 : i32 to index
          %get3A_254 = arith.constant 352 : index
          %get3A_255 = tpu.vector_load %arg12[%get3A_253, %get3A_254] {strides = array<i32>} : memref<64x512xbf16, #tpu.memory_space<vmem>>, vector<32xbf16>,
          %get3A_256 = arith.index_cast %while3A_216 : i32 to index
          %get3A_257 = arith.constant 384 : index
          %get3A_258 = tpu.vector_load %arg12[%get3A_256, %get3A_257] {strides = array<i32>} : memref<64x512xbf16, #tpu.memory_space<vmem>>, vector<32xbf16>,
          %get3A_259 = arith.index_cast %while3A_216 : i32 to index
          %get3A_260 = arith.constant 416 : index
          %get3A_261 = tpu.vector_load %arg12[%get3A_259, %get3A_260] {strides = array<i32>} : memref<64x512xbf16, #tpu.memory_space<vmem>>, vector<32xbf16>,
          %get3A_262 = arith.index_cast %while3A_216 : i32 to index
          %get3A_263 = arith.constant 448 : index
          %get3A_264 = tpu.vector_load %arg12[%get3A_262, %get3A_263] {strides = array<i32>} : memref<64x512xbf16, #tpu.memory_space<vmem>>, vector<32xbf16>,
          %get3A_265 = arith.index_cast %while3A_216 : i32 to index
          %get3A_266 = arith.constant 480 : index
          %get3A_267 = tpu.vector_load %arg12[%get3A_265, %get3A_266] {strides = array<i32>} : memref<64x512xbf16, #tpu.memory_space<vmem>>, vector<32xbf16>,
          %gather3A_268 = tpu.vector_load_idx %arg6[%gather3A, %add3A_8] : memref<320x256xi32, #tpu.memory_space<vmem>>[vector<16xi32>, vector<16xi32>], vector<16xi32>,
          %bitcast3A_269 = vector.bitcast %gather3A_268 : vector<16xi32> to vector<32xbf16>
          %gather3A_270 = tpu.vector_load_idx %arg6[%gather3A, %add3A_12] : memref<320x256xi32, #tpu.memory_space<vmem>>[vector<16xi32>, vector<16xi32>], vector<16xi32>,
          %bitcast3A_271 = vector.bitcast %gather3A_270 : vector<16xi32> to vector<32xbf16>
          %gather3A_272 = tpu.vector_load_idx %arg6[%gather3A, %add3A_16] : memref<320x256xi32, #tpu.memory_space<vmem>>[vector<16xi32>, vector<16xi32>], vector<16xi32>,
          %bitcast3A_273 = vector.bitcast %gather3A_272 : vector<16xi32> to vector<32xbf16>
          %gather3A_274 = tpu.vector_load_idx %arg6[%gather3A, %add3A_20] : memref<320x256xi32, #tpu.memory_space<vmem>>[vector<16xi32>, vector<16xi32>], vector<16xi32>,
          %bitcast3A_275 = vector.bitcast %gather3A_274 : vector<16xi32> to vector<32xbf16>
          %gather3A_276 = tpu.vector_load_idx %arg6[%gather3A, %add3A_24] : memref<320x256xi32, #tpu.memory_space<vmem>>[vector<16xi32>, vector<16xi32>], vector<16xi32>,
          %bitcast3A_277 = vector.bitcast %gather3A_276 : vector<16xi32> to vector<32xbf16>
          %gather3A_278 = tpu.vector_load_idx %arg6[%gather3A, %add3A_28] : memref<320x256xi32, #tpu.memory_space<vmem>>[vector<16xi32>, vector<16xi32>], vector<16xi32>,
          %bitcast3A_279 = vector.bitcast %gather3A_278 : vector<16xi32> to vector<32xbf16>
          %gather3A_280 = tpu.vector_load_idx %arg6[%gather3A, %add3A_32] : memref<320x256xi32, #tpu.memory_space<vmem>>[vector<16xi32>, vector<16xi32>], vector<16xi32>,
          %bitcast3A_281 = vector.bitcast %gather3A_280 : vector<16xi32> to vector<32xbf16>
          %gather3A_282 = tpu.vector_load_idx %arg6[%gather3A, %add3A_36] : memref<320x256xi32, #tpu.memory_space<vmem>>[vector<16xi32>, vector<16xi32>], vector<16xi32>,
          %bitcast3A_283 = vector.bitcast %gather3A_282 : vector<16xi32> to vector<32xbf16>
          %gather3A_284 = tpu.vector_load_idx %arg6[%gather3A, %add3A_40] : memref<320x256xi32, #tpu.memory_space<vmem>>[vector<16xi32>, vector<16xi32>], vector<16xi32>,
          %bitcast3A_285 = vector.bitcast %gather3A_284 : vector<16xi32> to vector<32xbf16>
          %gather3A_286 = tpu.vector_load_idx %arg6[%gather3A, %add3A_44] : memref<320x256xi32, #tpu.memory_space<vmem>>[vector<16xi32>, vector<16xi32>], vector<16xi32>,
          %bitcast3A_287 = vector.bitcast %gather3A_286 : vector<16xi32> to vector<32xbf16>
          %gather3A_288 = tpu.vector_load_idx %arg6[%gather3A, %add3A_48] : memref<320x256xi32, #tpu.memory_space<vmem>>[vector<16xi32>, vector<16xi32>], vector<16xi32>,
          %bitcast3A_289 = vector.bitcast %gather3A_288 : vector<16xi32> to vector<32xbf16>
          %gather3A_290 = tpu.vector_load_idx %arg6[%gather3A, %add3A_52] : memref<320x256xi32, #tpu.memory_space<vmem>>[vector<16xi32>, vector<16xi32>], vector<16xi32>,
          %bitcast3A_291 = vector.bitcast %gather3A_290 : vector<16xi32> to vector<32xbf16>
          %gather3A_292 = tpu.vector_load_idx %arg6[%gather3A, %add3A_56] : memref<320x256xi32, #tpu.memory_space<vmem>>[vector<16xi32>, vector<16xi32>], vector<16xi32>,
          %bitcast3A_293 = vector.bitcast %gather3A_292 : vector<16xi32> to vector<32xbf16>
          %gather3A_294 = tpu.vector_load_idx %arg6[%gather3A, %add3A_60] : memref<320x256xi32, #tpu.memory_space<vmem>>[vector<16xi32>, vector<16xi32>], vector<16xi32>,
          %bitcast3A_295 = vector.bitcast %gather3A_294 : vector<16xi32> to vector<32xbf16>
          %gather3A_296 = tpu.vector_load_idx %arg6[%gather3A, %add3A_64] : memref<320x256xi32, #tpu.memory_space<vmem>>[vector<16xi32>, vector<16xi32>], vector<16xi32>,
          %bitcast3A_297 = vector.bitcast %gather3A_296 : vector<16xi32> to vector<32xbf16>
          %gather3A_298 = tpu.vector_load_idx %arg6[%gather3A, %add3A_68] : memref<320x256xi32, #tpu.memory_space<vmem>>[vector<16xi32>, vector<16xi32>], vector<16xi32>,
          %bitcast3A_299 = vector.bitcast %gather3A_298 : vector<16xi32> to vector<32xbf16>
          %max3A = arith.maximumf %bitcast3A_269, %get3A_222 : vector<32xbf16>
          %bitcast3A_300 = vector.bitcast %max3A : vector<32xbf16> to vector<16xi32>
          tpu.vector_store_idx %arg6[%gather3A, %add3A_8], %bitcast3A_300 : memref<320x256xi32, #tpu.memory_space<vmem>>[vector<16xi32>, vector<16xi32>], vector<16xi32>,
          %max3A_301 = arith.maximumf %bitcast3A_271, %get3A_225 : vector<32xbf16>
          %bitcast3A_302 = vector.bitcast %max3A_301 : vector<32xbf16> to vector<16xi32>
          tpu.vector_store_idx %arg6[%gather3A, %add3A_12], %bitcast3A_302 : memref<320x256xi32, #tpu.memory_space<vmem>>[vector<16xi32>, vector<16xi32>], vector<16xi32>,
          %max3A_303 = arith.maximumf %bitcast3A_273, %get3A_228 : vector<32xbf16>
          %bitcast3A_304 = vector.bitcast %max3A_303 : vector<32xbf16> to vector<16xi32>
          tpu.vector_store_idx %arg6[%gather3A, %add3A_16], %bitcast3A_304 : memref<320x256xi32, #tpu.memory_space<vmem>>[vector<16xi32>, vector<16xi32>], vector<16xi32>,
          %max3A_305 = arith.maximumf %bitcast3A_275, %get3A_231 : vector<32xbf16>
          %bitcast3A_306 = vector.bitcast %max3A_305 : vector<32xbf16> to vector<16xi32>
          tpu.vector_store_idx %arg6[%gather3A, %add3A_20], %bitcast3A_306 : memref<320x256xi32, #tpu.memory_space<vmem>>[vector<16xi32>, vector<16xi32>], vector<16xi32>,
          %max3A_307 = arith.maximumf %bitcast3A_277, %get3A_234 : vector<32xbf16>
          %bitcast3A_308 = vector.bitcast %max3A_307 : vector<32xbf16> to vector<16xi32>
          tpu.vector_store_idx %arg6[%gather3A, %add3A_24], %bitcast3A_308 : memref<320x256xi32, #tpu.memory_space<vmem>>[vector<16xi32>, vector<16xi32>], vector<16xi32>,
          %max3A_309 = arith.maximumf %bitcast3A_279, %get3A_237 : vector<32xbf16>
          %bitcast3A_310 = vector.bitcast %max3A_309 : vector<32xbf16> to vector<16xi32>
          tpu.vector_store_idx %arg6[%gather3A, %add3A_28], %bitcast3A_310 : memref<320x256xi32, #tpu.memory_space<vmem>>[vector<16xi32>, vector<16xi32>], vector<16xi32>,
          %max3A_311 = arith.maximumf %bitcast3A_281, %get3A_240 : vector<32xbf16>
          %bitcast3A_312 = vector.bitcast %max3A_311 : vector<32xbf16> to vector<16xi32>
          tpu.vector_store_idx %arg6[%gather3A, %add3A_32], %bitcast3A_312 : memref<320x256xi32, #tpu.memory_space<vmem>>[vector<16xi32>, vector<16xi32>], vector<16xi32>,
          %max3A_313 = arith.maximumf %bitcast3A_283, %get3A_243 : vector<32xbf16>
          %bitcast3A_314 = vector.bitcast %max3A_313 : vector<32xbf16> to vector<16xi32>
          tpu.vector_store_idx %arg6[%gather3A, %add3A_36], %bitcast3A_314 : memref<320x256xi32, #tpu.memory_space<vmem>>[vector<16xi32>, vector<16xi32>], vector<16xi32>,
          %max3A_315 = arith.maximumf %bitcast3A_285, %get3A_246 : vector<32xbf16>
          %bitcast3A_316 = vector.bitcast %max3A_315 : vector<32xbf16> to vector<16xi32>
          tpu.vector_store_idx %arg6[%gather3A, %add3A_40], %bitcast3A_316 : memref<320x256xi32, #tpu.memory_space<vmem>>[vector<16xi32>, vector<16xi32>], vector<16xi32>,
          %max3A_317 = arith.maximumf %bitcast3A_287, %get3A_249 : vector<32xbf16>
          %bitcast3A_318 = vector.bitcast %max3A_317 : vector<32xbf16> to vector<16xi32>
          tpu.vector_store_idx %arg6[%gather3A, %add3A_44], %bitcast3A_318 : memref<320x256xi32, #tpu.memory_space<vmem>>[vector<16xi32>, vector<16xi32>], vector<16xi32>,
          %max3A_319 = arith.maximumf %bitcast3A_289, %get3A_252 : vector<32xbf16>
          %bitcast3A_320 = vector.bitcast %max3A_319 : vector<32xbf16> to vector<16xi32>
          tpu.vector_store_idx %arg6[%gather3A, %add3A_48], %bitcast3A_320 : memref<320x256xi32, #tpu.memory_space<vmem>>[vector<16xi32>, vector<16xi32>], vector<16xi32>,
          %max3A_321 = arith.maximumf %bitcast3A_291, %get3A_255 : vector<32xbf16>
          %bitcast3A_322 = vector.bitcast %max3A_321 : vector<32xbf16> to vector<16xi32>
          tpu.vector_store_idx %arg6[%gather3A, %add3A_52], %bitcast3A_322 : memref<320x256xi32, #tpu.memory_space<vmem>>[vector<16xi32>, vector<16xi32>], vector<16xi32>,
          %max3A_323 = arith.maximumf %bitcast3A_293, %get3A_258 : vector<32xbf16>
          %bitcast3A_324 = vector.bitcast %max3A_323 : vector<32xbf16> to vector<16xi32>
          tpu.vector_store_idx %arg6[%gather3A, %add3A_56], %bitcast3A_324 : memref<320x256xi32, #tpu.memory_space<vmem>>[vector<16xi32>, vector<16xi32>], vector<16xi32>,
          %max3A_325 = arith.maximumf %bitcast3A_295, %get3A_261 : vector<32xbf16>
          %bitcast3A_326 = vector.bitcast %max3A_325 : vector<32xbf16> to vector<16xi32>
          tpu.vector_store_idx %arg6[%gather3A, %add3A_60], %bitcast3A_326 : memref<320x256xi32, #tpu.memory_space<vmem>>[vector<16xi32>, vector<16xi32>], vector<16xi32>,
          %max3A_327 = arith.maximumf %bitcast3A_297, %get3A_264 : vector<32xbf16>
          %bitcast3A_328 = vector.bitcast %max3A_327 : vector<32xbf16> to vector<16xi32>
          tpu.vector_store_idx %arg6[%gather3A, %add3A_64], %bitcast3A_328 : memref<320x256xi32, #tpu.memory_space<vmem>>[vector<16xi32>, vector<16xi32>], vector<16xi32>,
          %max3A_329 = arith.maximumf %bitcast3A_299, %get3A_267 : vector<32xbf16>
          %bitcast3A_330 = vector.bitcast %max3A_329 : vector<32xbf16> to vector<16xi32>
          tpu.vector_store_idx %arg6[%gather3A, %add3A_68], %bitcast3A_330 : memref<320x256xi32, #tpu.memory_space<vmem>>[vector<16xi32>, vector<16xi32>], vector<16xi32>,
        }
        %add3A_206 = arith.constant 2 : i32
        %add3A_207 = arith.addi %mul3A_183, %add3A_206 : i32
        %lt3A_208 = arith.cmpi slt, %add3A_207, %select_n3A : i32
        %convert_element_type3A_209 = arith.extui %lt3A_208 : i1 to i32
        %cond3A_210 = arith.constant 0 : i32
        %cond3A_211 = arith.cmpi ne, %convert_element_type3A_209, %cond3A_210 : i32
        scf.if %cond3A_211 {
          %add3A_216 = arith.constant 2 : i32
          %add3A_217 = arith.addi %mul3A_183, %add3A_216 : i32
          %mul3A_218 = arith.constant 64 : i32
          %mul3A_219 = arith.muli %add3A_217, %mul3A_218 : i32
          %add3A_220 = arith.constant 0 : i32
          %add3A_221 = arith.addi %mul3A_219, %add3A_220 : i32
          %get3A = arith.index_cast %add3A_221 : i32 to index
          %get3A_222 = tpu.vector_load %arg9[%get3A] {strides = array<i32>} : memref<3264xi32, #tpu.memory_space<vmem>>, vector<16xi32>,
          %swap3A = arith.constant 0 : index
          %swap3A_223 = tpu.vector_load %arg11[%swap3A] {strides = array<i32>} : memref<64xi32, #tpu.memory_space<vmem>>, vector<16xi32>,
          tpu.vector_store %arg11[%swap3A], %get3A_222 {strides = array<i32>} : memref<64xi32, #tpu.memory_space<vmem>>, vector<16xi32>,
          %mul3A_224 = arith.constant 64 : i32
          %mul3A_225 = arith.muli %add3A_217, %mul3A_224 : i32
          %add3A_226 = arith.constant 16 : i32
          %add3A_227 = arith.addi %mul3A_225, %add3A_226 : i32
          %get3A_228 = arith.index_cast %add3A_227 : i32 to index
          %get3A_229 = tpu.vector_load %arg9[%get3A_228] {strides = array<i32>} : memref<3264xi32, #tpu.memory_space<vmem>>, vector<16xi32>,
          %swap3A_230 = arith.constant 16 : index
          %swap3A_231 = tpu.vector_load %arg11[%swap3A_230] {strides = array<i32>} : memref<64xi32, #tpu.memory_space<vmem>>, vector<16xi32>,
          tpu.vector_store %arg11[%swap3A_230], %get3A_229 {strides = array<i32>} : memref<64xi32, #tpu.memory_space<vmem>>, vector<16xi32>,
          %mul3A_232 = arith.constant 64 : i32
          %mul3A_233 = arith.muli %add3A_217, %mul3A_232 : i32
          %add3A_234 = arith.constant 32 : i32
          %add3A_235 = arith.addi %mul3A_233, %add3A_234 : i32
          %get3A_236 = arith.index_cast %add3A_235 : i32 to index
          %get3A_237 = tpu.vector_load %arg9[%get3A_236] {strides = array<i32>} : memref<3264xi32, #tpu.memory_space<vmem>>, vector<16xi32>,
          %swap3A_238 = arith.constant 32 : index
          %swap3A_239 = tpu.vector_load %arg11[%swap3A_238] {strides = array<i32>} : memref<64xi32, #tpu.memory_space<vmem>>, vector<16xi32>,
          tpu.vector_store %arg11[%swap3A_238], %get3A_237 {strides = array<i32>} : memref<64xi32, #tpu.memory_space<vmem>>, vector<16xi32>,
          %mul3A_240 = arith.constant 64 : i32
          %mul3A_241 = arith.muli %add3A_217, %mul3A_240 : i32
          %add3A_242 = arith.constant 48 : i32
          %add3A_243 = arith.addi %mul3A_241, %add3A_242 : i32
          %get3A_244 = arith.index_cast %add3A_243 : i32 to index
          %get3A_245 = tpu.vector_load %arg9[%get3A_244] {strides = array<i32>} : memref<3264xi32, #tpu.memory_space<vmem>>, vector<16xi32>,
          %swap3A_246 = arith.constant 48 : index
          %swap3A_247 = tpu.vector_load %arg11[%swap3A_246] {strides = array<i32>} : memref<64xi32, #tpu.memory_space<vmem>>, vector<16xi32>,
          tpu.vector_store %arg11[%swap3A_246], %get3A_245 {strides = array<i32>} : memref<64xi32, #tpu.memory_space<vmem>>, vector<16xi32>,
          %dma_start3A = arith.constant 0 : i32
          %dma_start3A_248 = arith.constant 0 : i32
          %dma_start3A_249 = tpu.memref_slice %arg4[%dma_start3A, %dma_start3A_248] : memref<10000x512xbf16, #tpu.memory_space<hbm>> -> memref<10000x512xbf16, #tpu.memory_space<hbm>>
          tpu.enqueue_indirect_dma source(%dma_start3A_249 : memref<10000x512xbf16, #tpu.memory_space<hbm>>) target(%arg12 : memref<64x512xbf16, #tpu.memory_space<vmem>>) offsets(%arg11 : memref<64xi32, #tpu.memory_space<vmem>>) semaphore(%arg13 : memref<!tpu.dma_semaphore, #tpu.memory_space<semaphore_mem>>)
        } else {
        }
        %lt3A_212 = arith.cmpi slt, %add3A_185, %select_n3A : i32
        %convert_element_type3A_213 = arith.extui %lt3A_212 : i1 to i32
        %cond3A_214 = arith.constant 0 : i32
        %cond3A_215 = arith.cmpi ne, %convert_element_type3A_213, %cond3A_214 : i32
        scf.if %cond3A_215 {
          %dma_wait3A_216 = arith.constant 0 : i32
          %dma_wait3A_217 = arith.constant 0 : i32
          %dma_wait3A_218 = tpu.memref_slice %arg4[%dma_wait3A_216, %dma_wait3A_217] : memref<10000x512xbf16, #tpu.memory_space<hbm>> -> memref<10000x512xbf16, #tpu.memory_space<hbm>>
          tpu.wait_indirect_dma semaphore(%arg16 : memref<!tpu.dma_semaphore, #tpu.memory_space<semaphore_mem>>) src(%dma_wait3A_218 : memref<10000x512xbf16, #tpu.memory_space<hbm>>) dst(%arg15 : memref<64x512xbf16, #tpu.memory_space<vmem>>)
          %mul3A_219 = arith.constant 64 : i32
          %mul3A_220 = arith.muli %add3A_185, %mul3A_219 : i32
          %sub3A_221 = arith.subi %reduce_max3A_121, %mul3A_220 : i32
          %min3A_222 = arith.constant 64 : i32
          %min3A_223 = arith.minsi %sub3A_221, %min3A_222 : i32
          %while3A_224 = arith.constant 0 : i32
          %while3A_225 = arith.constant 0 : i32
          %while3A_226 = arith.subi %min3A_223, %while3A_225 : i32
          %while3A_227 = arith.addi %while3A_225, %while3A_226 : i32
          %while3A_228 = arith.constant 1 : i32
          %while3A_229 = arith.divsi %while3A_226, %while3A_228 : i32
          %while3A_230 = arith.muli %while3A_229, %while3A_228 : i32
          %while3A_231 = arith.addi %while3A_225, %while3A_230 : i32
          %while3A_232 = arith.constant 1 : i32
          scf.for %while3A_234 = %while3A_225 to %while3A_231 step %while3A_232  : i32 {
            %mul3A_235 = arith.constant 64 : i32
            %mul3A_236 = arith.muli %add3A_185, %mul3A_235 : i32
            %add3A_237 = arith.addi %mul3A_236, %while3A_234 : i32
            %broadcast_in_dim3A_238 = vector.broadcast %add3A_237 : i32 to vector<16xi32>
            %gather3A = tpu.vector_load_idx %arg10[%broadcast_in_dim3A_238] : memref<3280xi32, #tpu.memory_space<vmem>>[vector<16xi32>], vector<16xi32>,
            %get3A = arith.index_cast %while3A_234 : i32 to index
            %get3A_239 = arith.constant 0 : index
            %get3A_240 = tpu.vector_load %arg15[%get3A, %get3A_239] {strides = array<i32>} : memref<64x512xbf16, #tpu.memory_space<vmem>>, vector<32xbf16>,
            %get3A_241 = arith.index_cast %while3A_234 : i32 to index
            %get3A_242 = arith.constant 32 : index
            %get3A_243 = tpu.vector_load %arg15[%get3A_241, %get3A_242] {strides = array<i32>} : memref<64x512xbf16, #tpu.memory_space<vmem>>, vector<32xbf16>,
            %get3A_244 = arith.index_cast %while3A_234 : i32 to index
            %get3A_245 = arith.constant 64 : index
            %get3A_246 = tpu.vector_load %arg15[%get3A_244, %get3A_245] {strides = array<i32>} : memref<64x512xbf16, #tpu.memory_space<vmem>>, vector<32xbf16>,
            %get3A_247 = arith.index_cast %while3A_234 : i32 to index
            %get3A_248 = arith.constant 96 : index
            %get3A_249 = tpu.vector_load %arg15[%get3A_247, %get3A_248] {strides = array<i32>} : memref<64x512xbf16, #tpu.memory_space<vmem>>, vector<32xbf16>,
            %get3A_250 = arith.index_cast %while3A_234 : i32 to index
            %get3A_251 = arith.constant 128 : index
            %get3A_252 = tpu.vector_load %arg15[%get3A_250, %get3A_251] {strides = array<i32>} : memref<64x512xbf16, #tpu.memory_space<vmem>>, vector<32xbf16>,
            %get3A_253 = arith.index_cast %while3A_234 : i32 to index
            %get3A_254 = arith.constant 160 : index
            %get3A_255 = tpu.vector_load %arg15[%get3A_253, %get3A_254] {strides = array<i32>} : memref<64x512xbf16, #tpu.memory_space<vmem>>, vector<32xbf16>,
            %get3A_256 = arith.index_cast %while3A_234 : i32 to index
            %get3A_257 = arith.constant 192 : index
            %get3A_258 = tpu.vector_load %arg15[%get3A_256, %get3A_257] {strides = array<i32>} : memref<64x512xbf16, #tpu.memory_space<vmem>>, vector<32xbf16>,
            %get3A_259 = arith.index_cast %while3A_234 : i32 to index
            %get3A_260 = arith.constant 224 : index
            %get3A_261 = tpu.vector_load %arg15[%get3A_259, %get3A_260] {strides = array<i32>} : memref<64x512xbf16, #tpu.memory_space<vmem>>, vector<32xbf16>,
            %get3A_262 = arith.index_cast %while3A_234 : i32 to index
            %get3A_263 = arith.constant 256 : index
            %get3A_264 = tpu.vector_load %arg15[%get3A_262, %get3A_263] {strides = array<i32>} : memref<64x512xbf16, #tpu.memory_space<vmem>>, vector<32xbf16>,
            %get3A_265 = arith.index_cast %while3A_234 : i32 to index
            %get3A_266 = arith.constant 288 : index
            %get3A_267 = tpu.vector_load %arg15[%get3A_265, %get3A_266] {strides = array<i32>} : memref<64x512xbf16, #tpu.memory_space<vmem>>, vector<32xbf16>,
            %get3A_268 = arith.index_cast %while3A_234 : i32 to index
            %get3A_269 = arith.constant 320 : index
            %get3A_270 = tpu.vector_load %arg15[%get3A_268, %get3A_269] {strides = array<i32>} : memref<64x512xbf16, #tpu.memory_space<vmem>>, vector<32xbf16>,
            %get3A_271 = arith.index_cast %while3A_234 : i32 to index
            %get3A_272 = arith.constant 352 : index
            %get3A_273 = tpu.vector_load %arg15[%get3A_271, %get3A_272] {strides = array<i32>} : memref<64x512xbf16, #tpu.memory_space<vmem>>, vector<32xbf16>,
            %get3A_274 = arith.index_cast %while3A_234 : i32 to index
            %get3A_275 = arith.constant 384 : index
            %get3A_276 = tpu.vector_load %arg15[%get3A_274, %get3A_275] {strides = array<i32>} : memref<64x512xbf16, #tpu.memory_space<vmem>>, vector<32xbf16>,
            %get3A_277 = arith.index_cast %while3A_234 : i32 to index
            %get3A_278 = arith.constant 416 : index
            %get3A_279 = tpu.vector_load %arg15[%get3A_277, %get3A_278] {strides = array<i32>} : memref<64x512xbf16, #tpu.memory_space<vmem>>, vector<32xbf16>,
            %get3A_280 = arith.index_cast %while3A_234 : i32 to index
            %get3A_281 = arith.constant 448 : index
            %get3A_282 = tpu.vector_load %arg15[%get3A_280, %get3A_281] {strides = array<i32>} : memref<64x512xbf16, #tpu.memory_space<vmem>>, vector<32xbf16>,
            %get3A_283 = arith.index_cast %while3A_234 : i32 to index
            %get3A_284 = arith.constant 480 : index
            %get3A_285 = tpu.vector_load %arg15[%get3A_283, %get3A_284] {strides = array<i32>} : memref<64x512xbf16, #tpu.memory_space<vmem>>, vector<32xbf16>,
            %gather3A_286 = tpu.vector_load_idx %arg6[%gather3A, %add3A_8] : memref<320x256xi32, #tpu.memory_space<vmem>>[vector<16xi32>, vector<16xi32>], vector<16xi32>,
            %bitcast3A_287 = vector.bitcast %gather3A_286 : vector<16xi32> to vector<32xbf16>
            %gather3A_288 = tpu.vector_load_idx %arg6[%gather3A, %add3A_12] : memref<320x256xi32, #tpu.memory_space<vmem>>[vector<16xi32>, vector<16xi32>], vector<16xi32>,
            %bitcast3A_289 = vector.bitcast %gather3A_288 : vector<16xi32> to vector<32xbf16>
            %gather3A_290 = tpu.vector_load_idx %arg6[%gather3A, %add3A_16] : memref<320x256xi32, #tpu.memory_space<vmem>>[vector<16xi32>, vector<16xi32>], vector<16xi32>,
            %bitcast3A_291 = vector.bitcast %gather3A_290 : vector<16xi32> to vector<32xbf16>
            %gather3A_292 = tpu.vector_load_idx %arg6[%gather3A, %add3A_20] : memref<320x256xi32, #tpu.memory_space<vmem>>[vector<16xi32>, vector<16xi32>], vector<16xi32>,
            %bitcast3A_293 = vector.bitcast %gather3A_292 : vector<16xi32> to vector<32xbf16>
            %gather3A_294 = tpu.vector_load_idx %arg6[%gather3A, %add3A_24] : memref<320x256xi32, #tpu.memory_space<vmem>>[vector<16xi32>, vector<16xi32>], vector<16xi32>,
            %bitcast3A_295 = vector.bitcast %gather3A_294 : vector<16xi32> to vector<32xbf16>
            %gather3A_296 = tpu.vector_load_idx %arg6[%gather3A, %add3A_28] : memref<320x256xi32, #tpu.memory_space<vmem>>[vector<16xi32>, vector<16xi32>], vector<16xi32>,
            %bitcast3A_297 = vector.bitcast %gather3A_296 : vector<16xi32> to vector<32xbf16>
            %gather3A_298 = tpu.vector_load_idx %arg6[%gather3A, %add3A_32] : memref<320x256xi32, #tpu.memory_space<vmem>>[vector<16xi32>, vector<16xi32>], vector<16xi32>,
            %bitcast3A_299 = vector.bitcast %gather3A_298 : vector<16xi32> to vector<32xbf16>
            %gather3A_300 = tpu.vector_load_idx %arg6[%gather3A, %add3A_36] : memref<320x256xi32, #tpu.memory_space<vmem>>[vector<16xi32>, vector<16xi32>], vector<16xi32>,
            %bitcast3A_301 = vector.bitcast %gather3A_300 : vector<16xi32> to vector<32xbf16>
            %gather3A_302 = tpu.vector_load_idx %arg6[%gather3A, %add3A_40] : memref<320x256xi32, #tpu.memory_space<vmem>>[vector<16xi32>, vector<16xi32>], vector<16xi32>,
            %bitcast3A_303 = vector.bitcast %gather3A_302 : vector<16xi32> to vector<32xbf16>
            %gather3A_304 = tpu.vector_load_idx %arg6[%gather3A, %add3A_44] : memref<320x256xi32, #tpu.memory_space<vmem>>[vector<16xi32>, vector<16xi32>], vector<16xi32>,
            %bitcast3A_305 = vector.bitcast %gather3A_304 : vector<16xi32> to vector<32xbf16>
            %gather3A_306 = tpu.vector_load_idx %arg6[%gather3A, %add3A_48] : memref<320x256xi32, #tpu.memory_space<vmem>>[vector<16xi32>, vector<16xi32>], vector<16xi32>,
            %bitcast3A_307 = vector.bitcast %gather3A_306 : vector<16xi32> to vector<32xbf16>
            %gather3A_308 = tpu.vector_load_idx %arg6[%gather3A, %add3A_52] : memref<320x256xi32, #tpu.memory_space<vmem>>[vector<16xi32>, vector<16xi32>], vector<16xi32>,
            %bitcast3A_309 = vector.bitcast %gather3A_308 : vector<16xi32> to vector<32xbf16>
            %gather3A_310 = tpu.vector_load_idx %arg6[%gather3A, %add3A_56] : memref<320x256xi32, #tpu.memory_space<vmem>>[vector<16xi32>, vector<16xi32>], vector<16xi32>,
            %bitcast3A_311 = vector.bitcast %gather3A_310 : vector<16xi32> to vector<32xbf16>
            %gather3A_312 = tpu.vector_load_idx %arg6[%gather3A, %add3A_60] : memref<320x256xi32, #tpu.memory_space<vmem>>[vector<16xi32>, vector<16xi32>], vector<16xi32>,
            %bitcast3A_313 = vector.bitcast %gather3A_312 : vector<16xi32> to vector<32xbf16>
            %gather3A_314 = tpu.vector_load_idx %arg6[%gather3A, %add3A_64] : memref<320x256xi32, #tpu.memory_space<vmem>>[vector<16xi32>, vector<16xi32>], vector<16xi32>,
            %bitcast3A_315 = vector.bitcast %gather3A_314 : vector<16xi32> to vector<32xbf16>
            %gather3A_316 = tpu.vector_load_idx %arg6[%gather3A, %add3A_68] : memref<320x256xi32, #tpu.memory_space<vmem>>[vector<16xi32>, vector<16xi32>], vector<16xi32>,
            %bitcast3A_317 = vector.bitcast %gather3A_316 : vector<16xi32> to vector<32xbf16>
            %max3A = arith.maximumf %bitcast3A_287, %get3A_240 : vector<32xbf16>
            %bitcast3A_318 = vector.bitcast %max3A : vector<32xbf16> to vector<16xi32>
            tpu.vector_store_idx %arg6[%gather3A, %add3A_8], %bitcast3A_318 : memref<320x256xi32, #tpu.memory_space<vmem>>[vector<16xi32>, vector<16xi32>], vector<16xi32>,
            %max3A_319 = arith.maximumf %bitcast3A_289, %get3A_243 : vector<32xbf16>
            %bitcast3A_320 = vector.bitcast %max3A_319 : vector<32xbf16> to vector<16xi32>
            tpu.vector_store_idx %arg6[%gather3A, %add3A_12], %bitcast3A_320 : memref<320x256xi32, #tpu.memory_space<vmem>>[vector<16xi32>, vector<16xi32>], vector<16xi32>,
            %max3A_321 = arith.maximumf %bitcast3A_291, %get3A_246 : vector<32xbf16>
            %bitcast3A_322 = vector.bitcast %max3A_321 : vector<32xbf16> to vector<16xi32>
            tpu.vector_store_idx %arg6[%gather3A, %add3A_16], %bitcast3A_322 : memref<320x256xi32, #tpu.memory_space<vmem>>[vector<16xi32>, vector<16xi32>], vector<16xi32>,
            %max3A_323 = arith.maximumf %bitcast3A_293, %get3A_249 : vector<32xbf16>
            %bitcast3A_324 = vector.bitcast %max3A_323 : vector<32xbf16> to vector<16xi32>
            tpu.vector_store_idx %arg6[%gather3A, %add3A_20], %bitcast3A_324 : memref<320x256xi32, #tpu.memory_space<vmem>>[vector<16xi32>, vector<16xi32>], vector<16xi32>,
            %max3A_325 = arith.maximumf %bitcast3A_295, %get3A_252 : vector<32xbf16>
            %bitcast3A_326 = vector.bitcast %max3A_325 : vector<32xbf16> to vector<16xi32>
            tpu.vector_store_idx %arg6[%gather3A, %add3A_24], %bitcast3A_326 : memref<320x256xi32, #tpu.memory_space<vmem>>[vector<16xi32>, vector<16xi32>], vector<16xi32>,
            %max3A_327 = arith.maximumf %bitcast3A_297, %get3A_255 : vector<32xbf16>
            %bitcast3A_328 = vector.bitcast %max3A_327 : vector<32xbf16> to vector<16xi32>
            tpu.vector_store_idx %arg6[%gather3A, %add3A_28], %bitcast3A_328 : memref<320x256xi32, #tpu.memory_space<vmem>>[vector<16xi32>, vector<16xi32>], vector<16xi32>,
            %max3A_329 = arith.maximumf %bitcast3A_299, %get3A_258 : vector<32xbf16>
            %bitcast3A_330 = vector.bitcast %max3A_329 : vector<32xbf16> to vector<16xi32>
            tpu.vector_store_idx %arg6[%gather3A, %add3A_32], %bitcast3A_330 : memref<320x256xi32, #tpu.memory_space<vmem>>[vector<16xi32>, vector<16xi32>], vector<16xi32>,
            %max3A_331 = arith.maximumf %bitcast3A_301, %get3A_261 : vector<32xbf16>
            %bitcast3A_332 = vector.bitcast %max3A_331 : vector<32xbf16> to vector<16xi32>
            tpu.vector_store_idx %arg6[%gather3A, %add3A_36], %bitcast3A_332 : memref<320x256xi32, #tpu.memory_space<vmem>>[vector<16xi32>, vector<16xi32>], vector<16xi32>,
            %max3A_333 = arith.maximumf %bitcast3A_303, %get3A_264 : vector<32xbf16>
            %bitcast3A_334 = vector.bitcast %max3A_333 : vector<32xbf16> to vector<16xi32>
            tpu.vector_store_idx %arg6[%gather3A, %add3A_40], %bitcast3A_334 : memref<320x256xi32, #tpu.memory_space<vmem>>[vector<16xi32>, vector<16xi32>], vector<16xi32>,
            %max3A_335 = arith.maximumf %bitcast3A_305, %get3A_267 : vector<32xbf16>
            %bitcast3A_336 = vector.bitcast %max3A_335 : vector<32xbf16> to vector<16xi32>
            tpu.vector_store_idx %arg6[%gather3A, %add3A_44], %bitcast3A_336 : memref<320x256xi32, #tpu.memory_space<vmem>>[vector<16xi32>, vector<16xi32>], vector<16xi32>,
            %max3A_337 = arith.maximumf %bitcast3A_307, %get3A_270 : vector<32xbf16>
            %bitcast3A_338 = vector.bitcast %max3A_337 : vector<32xbf16> to vector<16xi32>
            tpu.vector_store_idx %arg6[%gather3A, %add3A_48], %bitcast3A_338 : memref<320x256xi32, #tpu.memory_space<vmem>>[vector<16xi32>, vector<16xi32>], vector<16xi32>,
            %max3A_339 = arith.maximumf %bitcast3A_309, %get3A_273 : vector<32xbf16>
            %bitcast3A_340 = vector.bitcast %max3A_339 : vector<32xbf16> to vector<16xi32>
            tpu.vector_store_idx %arg6[%gather3A, %add3A_52], %bitcast3A_340 : memref<320x256xi32, #tpu.memory_space<vmem>>[vector<16xi32>, vector<16xi32>], vector<16xi32>,
            %max3A_341 = arith.maximumf %bitcast3A_311, %get3A_276 : vector<32xbf16>
            %bitcast3A_342 = vector.bitcast %max3A_341 : vector<32xbf16> to vector<16xi32>
            tpu.vector_store_idx %arg6[%gather3A, %add3A_56], %bitcast3A_342 : memref<320x256xi32, #tpu.memory_space<vmem>>[vector<16xi32>, vector<16xi32>], vector<16xi32>,
            %max3A_343 = arith.maximumf %bitcast3A_313, %get3A_279 : vector<32xbf16>
            %bitcast3A_344 = vector.bitcast %max3A_343 : vector<32xbf16> to vector<16xi32>
            tpu.vector_store_idx %arg6[%gather3A, %add3A_60], %bitcast3A_344 : memref<320x256xi32, #tpu.memory_space<vmem>>[vector<16xi32>, vector<16xi32>], vector<16xi32>,
            %max3A_345 = arith.maximumf %bitcast3A_315, %get3A_282 : vector<32xbf16>
            %bitcast3A_346 = vector.bitcast %max3A_345 : vector<32xbf16> to vector<16xi32>
            tpu.vector_store_idx %arg6[%gather3A, %add3A_64], %bitcast3A_346 : memref<320x256xi32, #tpu.memory_space<vmem>>[vector<16xi32>, vector<16xi32>], vector<16xi32>,
            %max3A_347 = arith.maximumf %bitcast3A_317, %get3A_285 : vector<32xbf16>
            %bitcast3A_348 = vector.bitcast %max3A_347 : vector<32xbf16> to vector<16xi32>
            tpu.vector_store_idx %arg6[%gather3A, %add3A_68], %bitcast3A_348 : memref<320x256xi32, #tpu.memory_space<vmem>>[vector<16xi32>, vector<16xi32>], vector<16xi32>,
          }
          %while3A_233 = arith.constant 1 : i32
          scf.for %while3A_234 = %while3A_231 to %while3A_227 step %while3A_233  : i32 {
            %mul3A_235 = arith.constant 64 : i32
            %mul3A_236 = arith.muli %add3A_185, %mul3A_235 : i32
            %add3A_237 = arith.addi %mul3A_236, %while3A_234 : i32
            %broadcast_in_dim3A_238 = vector.broadcast %add3A_237 : i32 to vector<16xi32>
            %gather3A = tpu.vector_load_idx %arg10[%broadcast_in_dim3A_238] : memref<3280xi32, #tpu.memory_space<vmem>>[vector<16xi32>], vector<16xi32>,
            %get3A = arith.index_cast %while3A_234 : i32 to index
            %get3A_239 = arith.constant 0 : index
            %get3A_240 = tpu.vector_load %arg15[%get3A, %get3A_239] {strides = array<i32>} : memref<64x512xbf16, #tpu.memory_space<vmem>>, vector<32xbf16>,
            %get3A_241 = arith.index_cast %while3A_234 : i32 to index
            %get3A_242 = arith.constant 32 : index
            %get3A_243 = tpu.vector_load %arg15[%get3A_241, %get3A_242] {strides = array<i32>} : memref<64x512xbf16, #tpu.memory_space<vmem>>, vector<32xbf16>,
            %get3A_244 = arith.index_cast %while3A_234 : i32 to index
            %get3A_245 = arith.constant 64 : index
            %get3A_246 = tpu.vector_load %arg15[%get3A_244, %get3A_245] {strides = array<i32>} : memref<64x512xbf16, #tpu.memory_space<vmem>>, vector<32xbf16>,
            %get3A_247 = arith.index_cast %while3A_234 : i32 to index
            %get3A_248 = arith.constant 96 : index
            %get3A_249 = tpu.vector_load %arg15[%get3A_247, %get3A_248] {strides = array<i32>} : memref<64x512xbf16, #tpu.memory_space<vmem>>, vector<32xbf16>,
            %get3A_250 = arith.index_cast %while3A_234 : i32 to index
            %get3A_251 = arith.constant 128 : index
            %get3A_252 = tpu.vector_load %arg15[%get3A_250, %get3A_251] {strides = array<i32>} : memref<64x512xbf16, #tpu.memory_space<vmem>>, vector<32xbf16>,
            %get3A_253 = arith.index_cast %while3A_234 : i32 to index
            %get3A_254 = arith.constant 160 : index
            %get3A_255 = tpu.vector_load %arg15[%get3A_253, %get3A_254] {strides = array<i32>} : memref<64x512xbf16, #tpu.memory_space<vmem>>, vector<32xbf16>,
            %get3A_256 = arith.index_cast %while3A_234 : i32 to index
            %get3A_257 = arith.constant 192 : index
            %get3A_258 = tpu.vector_load %arg15[%get3A_256, %get3A_257] {strides = array<i32>} : memref<64x512xbf16, #tpu.memory_space<vmem>>, vector<32xbf16>,
            %get3A_259 = arith.index_cast %while3A_234 : i32 to index
            %get3A_260 = arith.constant 224 : index
            %get3A_261 = tpu.vector_load %arg15[%get3A_259, %get3A_260] {strides = array<i32>} : memref<64x512xbf16, #tpu.memory_space<vmem>>, vector<32xbf16>,
            %get3A_262 = arith.index_cast %while3A_234 : i32 to index
            %get3A_263 = arith.constant 256 : index
            %get3A_264 = tpu.vector_load %arg15[%get3A_262, %get3A_263] {strides = array<i32>} : memref<64x512xbf16, #tpu.memory_space<vmem>>, vector<32xbf16>,
            %get3A_265 = arith.index_cast %while3A_234 : i32 to index
            %get3A_266 = arith.constant 288 : index
            %get3A_267 = tpu.vector_load %arg15[%get3A_265, %get3A_266] {strides = array<i32>} : memref<64x512xbf16, #tpu.memory_space<vmem>>, vector<32xbf16>,
            %get3A_268 = arith.index_cast %while3A_234 : i32 to index
            %get3A_269 = arith.constant 320 : index
            %get3A_270 = tpu.vector_load %arg15[%get3A_268, %get3A_269] {strides = array<i32>} : memref<64x512xbf16, #tpu.memory_space<vmem>>, vector<32xbf16>,
            %get3A_271 = arith.index_cast %while3A_234 : i32 to index
            %get3A_272 = arith.constant 352 : index
            %get3A_273 = tpu.vector_load %arg15[%get3A_271, %get3A_272] {strides = array<i32>} : memref<64x512xbf16, #tpu.memory_space<vmem>>, vector<32xbf16>,
            %get3A_274 = arith.index_cast %while3A_234 : i32 to index
            %get3A_275 = arith.constant 384 : index
            %get3A_276 = tpu.vector_load %arg15[%get3A_274, %get3A_275] {strides = array<i32>} : memref<64x512xbf16, #tpu.memory_space<vmem>>, vector<32xbf16>,
            %get3A_277 = arith.index_cast %while3A_234 : i32 to index
            %get3A_278 = arith.constant 416 : index
            %get3A_279 = tpu.vector_load %arg15[%get3A_277, %get3A_278] {strides = array<i32>} : memref<64x512xbf16, #tpu.memory_space<vmem>>, vector<32xbf16>,
            %get3A_280 = arith.index_cast %while3A_234 : i32 to index
            %get3A_281 = arith.constant 448 : index
            %get3A_282 = tpu.vector_load %arg15[%get3A_280, %get3A_281] {strides = array<i32>} : memref<64x512xbf16, #tpu.memory_space<vmem>>, vector<32xbf16>,
            %get3A_283 = arith.index_cast %while3A_234 : i32 to index
            %get3A_284 = arith.constant 480 : index
            %get3A_285 = tpu.vector_load %arg15[%get3A_283, %get3A_284] {strides = array<i32>} : memref<64x512xbf16, #tpu.memory_space<vmem>>, vector<32xbf16>,
            %gather3A_286 = tpu.vector_load_idx %arg6[%gather3A, %add3A_8] : memref<320x256xi32, #tpu.memory_space<vmem>>[vector<16xi32>, vector<16xi32>], vector<16xi32>,
            %bitcast3A_287 = vector.bitcast %gather3A_286 : vector<16xi32> to vector<32xbf16>
            %gather3A_288 = tpu.vector_load_idx %arg6[%gather3A, %add3A_12] : memref<320x256xi32, #tpu.memory_space<vmem>>[vector<16xi32>, vector<16xi32>], vector<16xi32>,
            %bitcast3A_289 = vector.bitcast %gather3A_288 : vector<16xi32> to vector<32xbf16>
            %gather3A_290 = tpu.vector_load_idx %arg6[%gather3A, %add3A_16] : memref<320x256xi32, #tpu.memory_space<vmem>>[vector<16xi32>, vector<16xi32>], vector<16xi32>,
            %bitcast3A_291 = vector.bitcast %gather3A_290 : vector<16xi32> to vector<32xbf16>
            %gather3A_292 = tpu.vector_load_idx %arg6[%gather3A, %add3A_20] : memref<320x256xi32, #tpu.memory_space<vmem>>[vector<16xi32>, vector<16xi32>], vector<16xi32>,
            %bitcast3A_293 = vector.bitcast %gather3A_292 : vector<16xi32> to vector<32xbf16>
            %gather3A_294 = tpu.vector_load_idx %arg6[%gather3A, %add3A_24] : memref<320x256xi32, #tpu.memory_space<vmem>>[vector<16xi32>, vector<16xi32>], vector<16xi32>,
            %bitcast3A_295 = vector.bitcast %gather3A_294 : vector<16xi32> to vector<32xbf16>
            %gather3A_296 = tpu.vector_load_idx %arg6[%gather3A, %add3A_28] : memref<320x256xi32, #tpu.memory_space<vmem>>[vector<16xi32>, vector<16xi32>], vector<16xi32>,
            %bitcast3A_297 = vector.bitcast %gather3A_296 : vector<16xi32> to vector<32xbf16>
            %gather3A_298 = tpu.vector_load_idx %arg6[%gather3A, %add3A_32] : memref<320x256xi32, #tpu.memory_space<vmem>>[vector<16xi32>, vector<16xi32>], vector<16xi32>,
            %bitcast3A_299 = vector.bitcast %gather3A_298 : vector<16xi32> to vector<32xbf16>
            %gather3A_300 = tpu.vector_load_idx %arg6[%gather3A, %add3A_36] : memref<320x256xi32, #tpu.memory_space<vmem>>[vector<16xi32>, vector<16xi32>], vector<16xi32>,
            %bitcast3A_301 = vector.bitcast %gather3A_300 : vector<16xi32> to vector<32xbf16>
            %gather3A_302 = tpu.vector_load_idx %arg6[%gather3A, %add3A_40] : memref<320x256xi32, #tpu.memory_space<vmem>>[vector<16xi32>, vector<16xi32>], vector<16xi32>,
            %bitcast3A_303 = vector.bitcast %gather3A_302 : vector<16xi32> to vector<32xbf16>
            %gather3A_304 = tpu.vector_load_idx %arg6[%gather3A, %add3A_44] : memref<320x256xi32, #tpu.memory_space<vmem>>[vector<16xi32>, vector<16xi32>], vector<16xi32>,
            %bitcast3A_305 = vector.bitcast %gather3A_304 : vector<16xi32> to vector<32xbf16>
            %gather3A_306 = tpu.vector_load_idx %arg6[%gather3A, %add3A_48] : memref<320x256xi32, #tpu.memory_space<vmem>>[vector<16xi32>, vector<16xi32>], vector<16xi32>,
            %bitcast3A_307 = vector.bitcast %gather3A_306 : vector<16xi32> to vector<32xbf16>
            %gather3A_308 = tpu.vector_load_idx %arg6[%gather3A, %add3A_52] : memref<320x256xi32, #tpu.memory_space<vmem>>[vector<16xi32>, vector<16xi32>], vector<16xi32>,
            %bitcast3A_309 = vector.bitcast %gather3A_308 : vector<16xi32> to vector<32xbf16>
            %gather3A_310 = tpu.vector_load_idx %arg6[%gather3A, %add3A_56] : memref<320x256xi32, #tpu.memory_space<vmem>>[vector<16xi32>, vector<16xi32>], vector<16xi32>,
            %bitcast3A_311 = vector.bitcast %gather3A_310 : vector<16xi32> to vector<32xbf16>
            %gather3A_312 = tpu.vector_load_idx %arg6[%gather3A, %add3A_60] : memref<320x256xi32, #tpu.memory_space<vmem>>[vector<16xi32>, vector<16xi32>], vector<16xi32>,
            %bitcast3A_313 = vector.bitcast %gather3A_312 : vector<16xi32> to vector<32xbf16>
            %gather3A_314 = tpu.vector_load_idx %arg6[%gather3A, %add3A_64] : memref<320x256xi32, #tpu.memory_space<vmem>>[vector<16xi32>, vector<16xi32>], vector<16xi32>,
            %bitcast3A_315 = vector.bitcast %gather3A_314 : vector<16xi32> to vector<32xbf16>
            %gather3A_316 = tpu.vector_load_idx %arg6[%gather3A, %add3A_68] : memref<320x256xi32, #tpu.memory_space<vmem>>[vector<16xi32>, vector<16xi32>], vector<16xi32>,
            %bitcast3A_317 = vector.bitcast %gather3A_316 : vector<16xi32> to vector<32xbf16>
            %max3A = arith.maximumf %bitcast3A_287, %get3A_240 : vector<32xbf16>
            %bitcast3A_318 = vector.bitcast %max3A : vector<32xbf16> to vector<16xi32>
            tpu.vector_store_idx %arg6[%gather3A, %add3A_8], %bitcast3A_318 : memref<320x256xi32, #tpu.memory_space<vmem>>[vector<16xi32>, vector<16xi32>], vector<16xi32>,
            %max3A_319 = arith.maximumf %bitcast3A_289, %get3A_243 : vector<32xbf16>
            %bitcast3A_320 = vector.bitcast %max3A_319 : vector<32xbf16> to vector<16xi32>
            tpu.vector_store_idx %arg6[%gather3A, %add3A_12], %bitcast3A_320 : memref<320x256xi32, #tpu.memory_space<vmem>>[vector<16xi32>, vector<16xi32>], vector<16xi32>,
            %max3A_321 = arith.maximumf %bitcast3A_291, %get3A_246 : vector<32xbf16>
            %bitcast3A_322 = vector.bitcast %max3A_321 : vector<32xbf16> to vector<16xi32>
            tpu.vector_store_idx %arg6[%gather3A, %add3A_16], %bitcast3A_322 : memref<320x256xi32, #tpu.memory_space<vmem>>[vector<16xi32>, vector<16xi32>], vector<16xi32>,
            %max3A_323 = arith.maximumf %bitcast3A_293, %get3A_249 : vector<32xbf16>
            %bitcast3A_324 = vector.bitcast %max3A_323 : vector<32xbf16> to vector<16xi32>
            tpu.vector_store_idx %arg6[%gather3A, %add3A_20], %bitcast3A_324 : memref<320x256xi32, #tpu.memory_space<vmem>>[vector<16xi32>, vector<16xi32>], vector<16xi32>,
            %max3A_325 = arith.maximumf %bitcast3A_295, %get3A_252 : vector<32xbf16>
            %bitcast3A_326 = vector.bitcast %max3A_325 : vector<32xbf16> to vector<16xi32>
            tpu.vector_store_idx %arg6[%gather3A, %add3A_24], %bitcast3A_326 : memref<320x256xi32, #tpu.memory_space<vmem>>[vector<16xi32>, vector<16xi32>], vector<16xi32>,
            %max3A_327 = arith.maximumf %bitcast3A_297, %get3A_255 : vector<32xbf16>
            %bitcast3A_328 = vector.bitcast %max3A_327 : vector<32xbf16> to vector<16xi32>
            tpu.vector_store_idx %arg6[%gather3A, %add3A_28], %bitcast3A_328 : memref<320x256xi32, #tpu.memory_space<vmem>>[vector<16xi32>, vector<16xi32>], vector<16xi32>,
            %max3A_329 = arith.maximumf %bitcast3A_299, %get3A_258 : vector<32xbf16>
            %bitcast3A_330 = vector.bitcast %max3A_329 : vector<32xbf16> to vector<16xi32>
            tpu.vector_store_idx %arg6[%gather3A, %add3A_32], %bitcast3A_330 : memref<320x256xi32, #tpu.memory_space<vmem>>[vector<16xi32>, vector<16xi32>], vector<16xi32>,
            %max3A_331 = arith.maximumf %bitcast3A_301, %get3A_261 : vector<32xbf16>
            %bitcast3A_332 = vector.bitcast %max3A_331 : vector<32xbf16> to vector<16xi32>
            tpu.vector_store_idx %arg6[%gather3A, %add3A_36], %bitcast3A_332 : memref<320x256xi32, #tpu.memory_space<vmem>>[vector<16xi32>, vector<16xi32>], vector<16xi32>,
            %max3A_333 = arith.maximumf %bitcast3A_303, %get3A_264 : vector<32xbf16>
            %bitcast3A_334 = vector.bitcast %max3A_333 : vector<32xbf16> to vector<16xi32>
            tpu.vector_store_idx %arg6[%gather3A, %add3A_40], %bitcast3A_334 : memref<320x256xi32, #tpu.memory_space<vmem>>[vector<16xi32>, vector<16xi32>], vector<16xi32>,
            %max3A_335 = arith.maximumf %bitcast3A_305, %get3A_267 : vector<32xbf16>
            %bitcast3A_336 = vector.bitcast %max3A_335 : vector<32xbf16> to vector<16xi32>
            tpu.vector_store_idx %arg6[%gather3A, %add3A_44], %bitcast3A_336 : memref<320x256xi32, #tpu.memory_space<vmem>>[vector<16xi32>, vector<16xi32>], vector<16xi32>,
            %max3A_337 = arith.maximumf %bitcast3A_307, %get3A_270 : vector<32xbf16>
            %bitcast3A_338 = vector.bitcast %max3A_337 : vector<32xbf16> to vector<16xi32>
            tpu.vector_store_idx %arg6[%gather3A, %add3A_48], %bitcast3A_338 : memref<320x256xi32, #tpu.memory_space<vmem>>[vector<16xi32>, vector<16xi32>], vector<16xi32>,
            %max3A_339 = arith.maximumf %bitcast3A_309, %get3A_273 : vector<32xbf16>
            %bitcast3A_340 = vector.bitcast %max3A_339 : vector<32xbf16> to vector<16xi32>
            tpu.vector_store_idx %arg6[%gather3A, %add3A_52], %bitcast3A_340 : memref<320x256xi32, #tpu.memory_space<vmem>>[vector<16xi32>, vector<16xi32>], vector<16xi32>,
            %max3A_341 = arith.maximumf %bitcast3A_311, %get3A_276 : vector<32xbf16>
            %bitcast3A_342 = vector.bitcast %max3A_341 : vector<32xbf16> to vector<16xi32>
            tpu.vector_store_idx %arg6[%gather3A, %add3A_56], %bitcast3A_342 : memref<320x256xi32, #tpu.memory_space<vmem>>[vector<16xi32>, vector<16xi32>], vector<16xi32>,
            %max3A_343 = arith.maximumf %bitcast3A_313, %get3A_279 : vector<32xbf16>
            %bitcast3A_344 = vector.bitcast %max3A_343 : vector<32xbf16> to vector<16xi32>
            tpu.vector_store_idx %arg6[%gather3A, %add3A_60], %bitcast3A_344 : memref<320x256xi32, #tpu.memory_space<vmem>>[vector<16xi32>, vector<16xi32>], vector<16xi32>,
            %max3A_345 = arith.maximumf %bitcast3A_315, %get3A_282 : vector<32xbf16>
            %bitcast3A_346 = vector.bitcast %max3A_345 : vector<32xbf16> to vector<16xi32>
            tpu.vector_store_idx %arg6[%gather3A, %add3A_64], %bitcast3A_346 : memref<320x256xi32, #tpu.memory_space<vmem>>[vector<16xi32>, vector<16xi32>], vector<16xi32>,
            %max3A_347 = arith.maximumf %bitcast3A_317, %get3A_285 : vector<32xbf16>
            %bitcast3A_348 = vector.bitcast %max3A_347 : vector<32xbf16> to vector<16xi32>
            tpu.vector_store_idx %arg6[%gather3A, %add3A_68], %bitcast3A_348 : memref<320x256xi32, #tpu.memory_space<vmem>>[vector<16xi32>, vector<16xi32>], vector<16xi32>,
          }
        } else {
        }
      }
      %while3A_180 = arith.constant 1 : i32
      scf.for %while3A_181 = %while3A_178 to %while3A_174 step %while3A_180  : i32 {
        %mul3A_182 = arith.constant 2 : i32
        %mul3A_183 = arith.muli %mul3A_182, %while3A_181 : i32
        %add3A_184 = arith.constant 1 : i32
        %add3A_185 = arith.addi %mul3A_183, %add3A_184 : i32
        %lt3A_186 = arith.cmpi slt, %add3A_185, %select_n3A : i32
        %convert_element_type3A_187 = arith.extui %lt3A_186 : i1 to i32
        %cond3A_188 = arith.constant 0 : i32
        %cond3A_189 = arith.cmpi ne, %convert_element_type3A_187, %cond3A_188 : i32
        scf.if %cond3A_189 {
          %mul3A_216 = arith.constant 64 : i32
          %mul3A_217 = arith.muli %add3A_185, %mul3A_216 : i32
          %add3A_218 = arith.constant 0 : i32
          %add3A_219 = arith.addi %mul3A_217, %add3A_218 : i32
          %get3A = arith.index_cast %add3A_219 : i32 to index
          %get3A_220 = tpu.vector_load %arg9[%get3A] {strides = array<i32>} : memref<3264xi32, #tpu.memory_space<vmem>>, vector<16xi32>,
          %swap3A = arith.constant 0 : index
          %swap3A_221 = tpu.vector_load %arg14[%swap3A] {strides = array<i32>} : memref<64xi32, #tpu.memory_space<vmem>>, vector<16xi32>,
          tpu.vector_store %arg14[%swap3A], %get3A_220 {strides = array<i32>} : memref<64xi32, #tpu.memory_space<vmem>>, vector<16xi32>,
          %mul3A_222 = arith.constant 64 : i32
          %mul3A_223 = arith.muli %add3A_185, %mul3A_222 : i32
          %add3A_224 = arith.constant 16 : i32
          %add3A_225 = arith.addi %mul3A_223, %add3A_224 : i32
          %get3A_226 = arith.index_cast %add3A_225 : i32 to index
          %get3A_227 = tpu.vector_load %arg9[%get3A_226] {strides = array<i32>} : memref<3264xi32, #tpu.memory_space<vmem>>, vector<16xi32>,
          %swap3A_228 = arith.constant 16 : index
          %swap3A_229 = tpu.vector_load %arg14[%swap3A_228] {strides = array<i32>} : memref<64xi32, #tpu.memory_space<vmem>>, vector<16xi32>,
          tpu.vector_store %arg14[%swap3A_228], %get3A_227 {strides = array<i32>} : memref<64xi32, #tpu.memory_space<vmem>>, vector<16xi32>,
          %mul3A_230 = arith.constant 64 : i32
          %mul3A_231 = arith.muli %add3A_185, %mul3A_230 : i32
          %add3A_232 = arith.constant 32 : i32
          %add3A_233 = arith.addi %mul3A_231, %add3A_232 : i32
          %get3A_234 = arith.index_cast %add3A_233 : i32 to index
          %get3A_235 = tpu.vector_load %arg9[%get3A_234] {strides = array<i32>} : memref<3264xi32, #tpu.memory_space<vmem>>, vector<16xi32>,
          %swap3A_236 = arith.constant 32 : index
          %swap3A_237 = tpu.vector_load %arg14[%swap3A_236] {strides = array<i32>} : memref<64xi32, #tpu.memory_space<vmem>>, vector<16xi32>,
          tpu.vector_store %arg14[%swap3A_236], %get3A_235 {strides = array<i32>} : memref<64xi32, #tpu.memory_space<vmem>>, vector<16xi32>,
          %mul3A_238 = arith.constant 64 : i32
          %mul3A_239 = arith.muli %add3A_185, %mul3A_238 : i32
          %add3A_240 = arith.constant 48 : i32
          %add3A_241 = arith.addi %mul3A_239, %add3A_240 : i32
          %get3A_242 = arith.index_cast %add3A_241 : i32 to index
          %get3A_243 = tpu.vector_load %arg9[%get3A_242] {strides = array<i32>} : memref<3264xi32, #tpu.memory_space<vmem>>, vector<16xi32>,
          %swap3A_244 = arith.constant 48 : index
          %swap3A_245 = tpu.vector_load %arg14[%swap3A_244] {strides = array<i32>} : memref<64xi32, #tpu.memory_space<vmem>>, vector<16xi32>,
          tpu.vector_store %arg14[%swap3A_244], %get3A_243 {strides = array<i32>} : memref<64xi32, #tpu.memory_space<vmem>>, vector<16xi32>,
          %dma_start3A = arith.constant 0 : i32
          %dma_start3A_246 = arith.constant 0 : i32
          %dma_start3A_247 = tpu.memref_slice %arg4[%dma_start3A, %dma_start3A_246] : memref<10000x512xbf16, #tpu.memory_space<hbm>> -> memref<10000x512xbf16, #tpu.memory_space<hbm>>
          tpu.enqueue_indirect_dma source(%dma_start3A_247 : memref<10000x512xbf16, #tpu.memory_space<hbm>>) target(%arg15 : memref<64x512xbf16, #tpu.memory_space<vmem>>) offsets(%arg14 : memref<64xi32, #tpu.memory_space<vmem>>) semaphore(%arg16 : memref<!tpu.dma_semaphore, #tpu.memory_space<semaphore_mem>>)
        } else {
        }
        %dma_wait3A = arith.constant 0 : i32
        %dma_wait3A_190 = arith.constant 0 : i32
        %dma_wait3A_191 = tpu.memref_slice %arg4[%dma_wait3A, %dma_wait3A_190] : memref<10000x512xbf16, #tpu.memory_space<hbm>> -> memref<10000x512xbf16, #tpu.memory_space<hbm>>
        tpu.wait_indirect_dma semaphore(%arg13 : memref<!tpu.dma_semaphore, #tpu.memory_space<semaphore_mem>>) src(%dma_wait3A_191 : memref<10000x512xbf16, #tpu.memory_space<hbm>>) dst(%arg12 : memref<64x512xbf16, #tpu.memory_space<vmem>>)
        %mul3A_192 = arith.constant 64 : i32
        %mul3A_193 = arith.muli %mul3A_183, %mul3A_192 : i32
        %sub3A_194 = arith.subi %reduce_max3A_121, %mul3A_193 : i32
        %min3A = arith.constant 64 : i32
        %min3A_195 = arith.minsi %sub3A_194, %min3A : i32
        %while3A_196 = arith.constant 0 : i32
        %while3A_197 = arith.constant 0 : i32
        %while3A_198 = arith.subi %min3A_195, %while3A_197 : i32
        %while3A_199 = arith.addi %while3A_197, %while3A_198 : i32
        %while3A_200 = arith.constant 1 : i32
        %while3A_201 = arith.divsi %while3A_198, %while3A_200 : i32
        %while3A_202 = arith.muli %while3A_201, %while3A_200 : i32
        %while3A_203 = arith.addi %while3A_197, %while3A_202 : i32
        %while3A_204 = arith.constant 1 : i32
        scf.for %while3A_216 = %while3A_197 to %while3A_203 step %while3A_204  : i32 {
          %mul3A_217 = arith.constant 64 : i32
          %mul3A_218 = arith.muli %mul3A_183, %mul3A_217 : i32
          %add3A_219 = arith.addi %mul3A_218, %while3A_216 : i32
          %broadcast_in_dim3A_220 = vector.broadcast %add3A_219 : i32 to vector<16xi32>
          %gather3A = tpu.vector_load_idx %arg10[%broadcast_in_dim3A_220] : memref<3280xi32, #tpu.memory_space<vmem>>[vector<16xi32>], vector<16xi32>,
          %get3A = arith.index_cast %while3A_216 : i32 to index
          %get3A_221 = arith.constant 0 : index
          %get3A_222 = tpu.vector_load %arg12[%get3A, %get3A_221] {strides = array<i32>} : memref<64x512xbf16, #tpu.memory_space<vmem>>, vector<32xbf16>,
          %get3A_223 = arith.index_cast %while3A_216 : i32 to index
          %get3A_224 = arith.constant 32 : index
          %get3A_225 = tpu.vector_load %arg12[%get3A_223, %get3A_224] {strides = array<i32>} : memref<64x512xbf16, #tpu.memory_space<vmem>>, vector<32xbf16>,
          %get3A_226 = arith.index_cast %while3A_216 : i32 to index
          %get3A_227 = arith.constant 64 : index
          %get3A_228 = tpu.vector_load %arg12[%get3A_226, %get3A_227] {strides = array<i32>} : memref<64x512xbf16, #tpu.memory_space<vmem>>, vector<32xbf16>,
          %get3A_229 = arith.index_cast %while3A_216 : i32 to index
          %get3A_230 = arith.constant 96 : index
          %get3A_231 = tpu.vector_load %arg12[%get3A_229, %get3A_230] {strides = array<i32>} : memref<64x512xbf16, #tpu.memory_space<vmem>>, vector<32xbf16>,
          %get3A_232 = arith.index_cast %while3A_216 : i32 to index
          %get3A_233 = arith.constant 128 : index
          %get3A_234 = tpu.vector_load %arg12[%get3A_232, %get3A_233] {strides = array<i32>} : memref<64x512xbf16, #tpu.memory_space<vmem>>, vector<32xbf16>,
          %get3A_235 = arith.index_cast %while3A_216 : i32 to index
          %get3A_236 = arith.constant 160 : index
          %get3A_237 = tpu.vector_load %arg12[%get3A_235, %get3A_236] {strides = array<i32>} : memref<64x512xbf16, #tpu.memory_space<vmem>>, vector<32xbf16>,
          %get3A_238 = arith.index_cast %while3A_216 : i32 to index
          %get3A_239 = arith.constant 192 : index
          %get3A_240 = tpu.vector_load %arg12[%get3A_238, %get3A_239] {strides = array<i32>} : memref<64x512xbf16, #tpu.memory_space<vmem>>, vector<32xbf16>,
          %get3A_241 = arith.index_cast %while3A_216 : i32 to index
          %get3A_242 = arith.constant 224 : index
          %get3A_243 = tpu.vector_load %arg12[%get3A_241, %get3A_242] {strides = array<i32>} : memref<64x512xbf16, #tpu.memory_space<vmem>>, vector<32xbf16>,
          %get3A_244 = arith.index_cast %while3A_216 : i32 to index
          %get3A_245 = arith.constant 256 : index
          %get3A_246 = tpu.vector_load %arg12[%get3A_244, %get3A_245] {strides = array<i32>} : memref<64x512xbf16, #tpu.memory_space<vmem>>, vector<32xbf16>,
          %get3A_247 = arith.index_cast %while3A_216 : i32 to index
          %get3A_248 = arith.constant 288 : index
          %get3A_249 = tpu.vector_load %arg12[%get3A_247, %get3A_248] {strides = array<i32>} : memref<64x512xbf16, #tpu.memory_space<vmem>>, vector<32xbf16>,
          %get3A_250 = arith.index_cast %while3A_216 : i32 to index
          %get3A_251 = arith.constant 320 : index
          %get3A_252 = tpu.vector_load %arg12[%get3A_250, %get3A_251] {strides = array<i32>} : memref<64x512xbf16, #tpu.memory_space<vmem>>, vector<32xbf16>,
          %get3A_253 = arith.index_cast %while3A_216 : i32 to index
          %get3A_254 = arith.constant 352 : index
          %get3A_255 = tpu.vector_load %arg12[%get3A_253, %get3A_254] {strides = array<i32>} : memref<64x512xbf16, #tpu.memory_space<vmem>>, vector<32xbf16>,
          %get3A_256 = arith.index_cast %while3A_216 : i32 to index
          %get3A_257 = arith.constant 384 : index
          %get3A_258 = tpu.vector_load %arg12[%get3A_256, %get3A_257] {strides = array<i32>} : memref<64x512xbf16, #tpu.memory_space<vmem>>, vector<32xbf16>,
          %get3A_259 = arith.index_cast %while3A_216 : i32 to index
          %get3A_260 = arith.constant 416 : index
          %get3A_261 = tpu.vector_load %arg12[%get3A_259, %get3A_260] {strides = array<i32>} : memref<64x512xbf16, #tpu.memory_space<vmem>>, vector<32xbf16>,
          %get3A_262 = arith.index_cast %while3A_216 : i32 to index
          %get3A_263 = arith.constant 448 : index
          %get3A_264 = tpu.vector_load %arg12[%get3A_262, %get3A_263] {strides = array<i32>} : memref<64x512xbf16, #tpu.memory_space<vmem>>, vector<32xbf16>,
          %get3A_265 = arith.index_cast %while3A_216 : i32 to index
          %get3A_266 = arith.constant 480 : index
          %get3A_267 = tpu.vector_load %arg12[%get3A_265, %get3A_266] {strides = array<i32>} : memref<64x512xbf16, #tpu.memory_space<vmem>>, vector<32xbf16>,
          %gather3A_268 = tpu.vector_load_idx %arg6[%gather3A, %add3A_8] : memref<320x256xi32, #tpu.memory_space<vmem>>[vector<16xi32>, vector<16xi32>], vector<16xi32>,
          %bitcast3A_269 = vector.bitcast %gather3A_268 : vector<16xi32> to vector<32xbf16>
          %gather3A_270 = tpu.vector_load_idx %arg6[%gather3A, %add3A_12] : memref<320x256xi32, #tpu.memory_space<vmem>>[vector<16xi32>, vector<16xi32>], vector<16xi32>,
          %bitcast3A_271 = vector.bitcast %gather3A_270 : vector<16xi32> to vector<32xbf16>
          %gather3A_272 = tpu.vector_load_idx %arg6[%gather3A, %add3A_16] : memref<320x256xi32, #tpu.memory_space<vmem>>[vector<16xi32>, vector<16xi32>], vector<16xi32>,
          %bitcast3A_273 = vector.bitcast %gather3A_272 : vector<16xi32> to vector<32xbf16>
          %gather3A_274 = tpu.vector_load_idx %arg6[%gather3A, %add3A_20] : memref<320x256xi32, #tpu.memory_space<vmem>>[vector<16xi32>, vector<16xi32>], vector<16xi32>,
          %bitcast3A_275 = vector.bitcast %gather3A_274 : vector<16xi32> to vector<32xbf16>
          %gather3A_276 = tpu.vector_load_idx %arg6[%gather3A, %add3A_24] : memref<320x256xi32, #tpu.memory_space<vmem>>[vector<16xi32>, vector<16xi32>], vector<16xi32>,
          %bitcast3A_277 = vector.bitcast %gather3A_276 : vector<16xi32> to vector<32xbf16>
          %gather3A_278 = tpu.vector_load_idx %arg6[%gather3A, %add3A_28] : memref<320x256xi32, #tpu.memory_space<vmem>>[vector<16xi32>, vector<16xi32>], vector<16xi32>,
          %bitcast3A_279 = vector.bitcast %gather3A_278 : vector<16xi32> to vector<32xbf16>
          %gather3A_280 = tpu.vector_load_idx %arg6[%gather3A, %add3A_32] : memref<320x256xi32, #tpu.memory_space<vmem>>[vector<16xi32>, vector<16xi32>], vector<16xi32>,
          %bitcast3A_281 = vector.bitcast %gather3A_280 : vector<16xi32> to vector<32xbf16>
          %gather3A_282 = tpu.vector_load_idx %arg6[%gather3A, %add3A_36] : memref<320x256xi32, #tpu.memory_space<vmem>>[vector<16xi32>, vector<16xi32>], vector<16xi32>,
          %bitcast3A_283 = vector.bitcast %gather3A_282 : vector<16xi32> to vector<32xbf16>
          %gather3A_284 = tpu.vector_load_idx %arg6[%gather3A, %add3A_40] : memref<320x256xi32, #tpu.memory_space<vmem>>[vector<16xi32>, vector<16xi32>], vector<16xi32>,
          %bitcast3A_285 = vector.bitcast %gather3A_284 : vector<16xi32> to vector<32xbf16>
          %gather3A_286 = tpu.vector_load_idx %arg6[%gather3A, %add3A_44] : memref<320x256xi32, #tpu.memory_space<vmem>>[vector<16xi32>, vector<16xi32>], vector<16xi32>,
          %bitcast3A_287 = vector.bitcast %gather3A_286 : vector<16xi32> to vector<32xbf16>
          %gather3A_288 = tpu.vector_load_idx %arg6[%gather3A, %add3A_48] : memref<320x256xi32, #tpu.memory_space<vmem>>[vector<16xi32>, vector<16xi32>], vector<16xi32>,
          %bitcast3A_289 = vector.bitcast %gather3A_288 : vector<16xi32> to vector<32xbf16>
          %gather3A_290 = tpu.vector_load_idx %arg6[%gather3A, %add3A_52] : memref<320x256xi32, #tpu.memory_space<vmem>>[vector<16xi32>, vector<16xi32>], vector<16xi32>,
          %bitcast3A_291 = vector.bitcast %gather3A_290 : vector<16xi32> to vector<32xbf16>
          %gather3A_292 = tpu.vector_load_idx %arg6[%gather3A, %add3A_56] : memref<320x256xi32, #tpu.memory_space<vmem>>[vector<16xi32>, vector<16xi32>], vector<16xi32>,
          %bitcast3A_293 = vector.bitcast %gather3A_292 : vector<16xi32> to vector<32xbf16>
          %gather3A_294 = tpu.vector_load_idx %arg6[%gather3A, %add3A_60] : memref<320x256xi32, #tpu.memory_space<vmem>>[vector<16xi32>, vector<16xi32>], vector<16xi32>,
          %bitcast3A_295 = vector.bitcast %gather3A_294 : vector<16xi32> to vector<32xbf16>
          %gather3A_296 = tpu.vector_load_idx %arg6[%gather3A, %add3A_64] : memref<320x256xi32, #tpu.memory_space<vmem>>[vector<16xi32>, vector<16xi32>], vector<16xi32>,
          %bitcast3A_297 = vector.bitcast %gather3A_296 : vector<16xi32> to vector<32xbf16>
          %gather3A_298 = tpu.vector_load_idx %arg6[%gather3A, %add3A_68] : memref<320x256xi32, #tpu.memory_space<vmem>>[vector<16xi32>, vector<16xi32>], vector<16xi32>,
          %bitcast3A_299 = vector.bitcast %gather3A_298 : vector<16xi32> to vector<32xbf16>
          %max3A = arith.maximumf %bitcast3A_269, %get3A_222 : vector<32xbf16>
          %bitcast3A_300 = vector.bitcast %max3A : vector<32xbf16> to vector<16xi32>
          tpu.vector_store_idx %arg6[%gather3A, %add3A_8], %bitcast3A_300 : memref<320x256xi32, #tpu.memory_space<vmem>>[vector<16xi32>, vector<16xi32>], vector<16xi32>,
          %max3A_301 = arith.maximumf %bitcast3A_271, %get3A_225 : vector<32xbf16>
          %bitcast3A_302 = vector.bitcast %max3A_301 : vector<32xbf16> to vector<16xi32>
          tpu.vector_store_idx %arg6[%gather3A, %add3A_12], %bitcast3A_302 : memref<320x256xi32, #tpu.memory_space<vmem>>[vector<16xi32>, vector<16xi32>], vector<16xi32>,
          %max3A_303 = arith.maximumf %bitcast3A_273, %get3A_228 : vector<32xbf16>
          %bitcast3A_304 = vector.bitcast %max3A_303 : vector<32xbf16> to vector<16xi32>
          tpu.vector_store_idx %arg6[%gather3A, %add3A_16], %bitcast3A_304 : memref<320x256xi32, #tpu.memory_space<vmem>>[vector<16xi32>, vector<16xi32>], vector<16xi32>,
          %max3A_305 = arith.maximumf %bitcast3A_275, %get3A_231 : vector<32xbf16>
          %bitcast3A_306 = vector.bitcast %max3A_305 : vector<32xbf16> to vector<16xi32>
          tpu.vector_store_idx %arg6[%gather3A, %add3A_20], %bitcast3A_306 : memref<320x256xi32, #tpu.memory_space<vmem>>[vector<16xi32>, vector<16xi32>], vector<16xi32>,
          %max3A_307 = arith.maximumf %bitcast3A_277, %get3A_234 : vector<32xbf16>
          %bitcast3A_308 = vector.bitcast %max3A_307 : vector<32xbf16> to vector<16xi32>
          tpu.vector_store_idx %arg6[%gather3A, %add3A_24], %bitcast3A_308 : memref<320x256xi32, #tpu.memory_space<vmem>>[vector<16xi32>, vector<16xi32>], vector<16xi32>,
          %max3A_309 = arith.maximumf %bitcast3A_279, %get3A_237 : vector<32xbf16>
          %bitcast3A_310 = vector.bitcast %max3A_309 : vector<32xbf16> to vector<16xi32>
          tpu.vector_store_idx %arg6[%gather3A, %add3A_28], %bitcast3A_310 : memref<320x256xi32, #tpu.memory_space<vmem>>[vector<16xi32>, vector<16xi32>], vector<16xi32>,
          %max3A_311 = arith.maximumf %bitcast3A_281, %get3A_240 : vector<32xbf16>
          %bitcast3A_312 = vector.bitcast %max3A_311 : vector<32xbf16> to vector<16xi32>
          tpu.vector_store_idx %arg6[%gather3A, %add3A_32], %bitcast3A_312 : memref<320x256xi32, #tpu.memory_space<vmem>>[vector<16xi32>, vector<16xi32>], vector<16xi32>,
          %max3A_313 = arith.maximumf %bitcast3A_283, %get3A_243 : vector<32xbf16>
          %bitcast3A_314 = vector.bitcast %max3A_313 : vector<32xbf16> to vector<16xi32>
          tpu.vector_store_idx %arg6[%gather3A, %add3A_36], %bitcast3A_314 : memref<320x256xi32, #tpu.memory_space<vmem>>[vector<16xi32>, vector<16xi32>], vector<16xi32>,
          %max3A_315 = arith.maximumf %bitcast3A_285, %get3A_246 : vector<32xbf16>
          %bitcast3A_316 = vector.bitcast %max3A_315 : vector<32xbf16> to vector<16xi32>
          tpu.vector_store_idx %arg6[%gather3A, %add3A_40], %bitcast3A_316 : memref<320x256xi32, #tpu.memory_space<vmem>>[vector<16xi32>, vector<16xi32>], vector<16xi32>,
          %max3A_317 = arith.maximumf %bitcast3A_287, %get3A_249 : vector<32xbf16>
          %bitcast3A_318 = vector.bitcast %max3A_317 : vector<32xbf16> to vector<16xi32>
          tpu.vector_store_idx %arg6[%gather3A, %add3A_44], %bitcast3A_318 : memref<320x256xi32, #tpu.memory_space<vmem>>[vector<16xi32>, vector<16xi32>], vector<16xi32>,
          %max3A_319 = arith.maximumf %bitcast3A_289, %get3A_252 : vector<32xbf16>
          %bitcast3A_320 = vector.bitcast %max3A_319 : vector<32xbf16> to vector<16xi32>
          tpu.vector_store_idx %arg6[%gather3A, %add3A_48], %bitcast3A_320 : memref<320x256xi32, #tpu.memory_space<vmem>>[vector<16xi32>, vector<16xi32>], vector<16xi32>,
          %max3A_321 = arith.maximumf %bitcast3A_291, %get3A_255 : vector<32xbf16>
          %bitcast3A_322 = vector.bitcast %max3A_321 : vector<32xbf16> to vector<16xi32>
          tpu.vector_store_idx %arg6[%gather3A, %add3A_52], %bitcast3A_322 : memref<320x256xi32, #tpu.memory_space<vmem>>[vector<16xi32>, vector<16xi32>], vector<16xi32>,
          %max3A_323 = arith.maximumf %bitcast3A_293, %get3A_258 : vector<32xbf16>
          %bitcast3A_324 = vector.bitcast %max3A_323 : vector<32xbf16> to vector<16xi32>
          tpu.vector_store_idx %arg6[%gather3A, %add3A_56], %bitcast3A_324 : memref<320x256xi32, #tpu.memory_space<vmem>>[vector<16xi32>, vector<16xi32>], vector<16xi32>,
          %max3A_325 = arith.maximumf %bitcast3A_295, %get3A_261 : vector<32xbf16>
          %bitcast3A_326 = vector.bitcast %max3A_325 : vector<32xbf16> to vector<16xi32>
          tpu.vector_store_idx %arg6[%gather3A, %add3A_60], %bitcast3A_326 : memref<320x256xi32, #tpu.memory_space<vmem>>[vector<16xi32>, vector<16xi32>], vector<16xi32>,
          %max3A_327 = arith.maximumf %bitcast3A_297, %get3A_264 : vector<32xbf16>
          %bitcast3A_328 = vector.bitcast %max3A_327 : vector<32xbf16> to vector<16xi32>
          tpu.vector_store_idx %arg6[%gather3A, %add3A_64], %bitcast3A_328 : memref<320x256xi32, #tpu.memory_space<vmem>>[vector<16xi32>, vector<16xi32>], vector<16xi32>,
          %max3A_329 = arith.maximumf %bitcast3A_299, %get3A_267 : vector<32xbf16>
          %bitcast3A_330 = vector.bitcast %max3A_329 : vector<32xbf16> to vector<16xi32>
          tpu.vector_store_idx %arg6[%gather3A, %add3A_68], %bitcast3A_330 : memref<320x256xi32, #tpu.memory_space<vmem>>[vector<16xi32>, vector<16xi32>], vector<16xi32>,
        }
        %while3A_205 = arith.constant 1 : i32
        scf.for %while3A_216 = %while3A_203 to %while3A_199 step %while3A_205  : i32 {
          %mul3A_217 = arith.constant 64 : i32
          %mul3A_218 = arith.muli %mul3A_183, %mul3A_217 : i32
          %add3A_219 = arith.addi %mul3A_218, %while3A_216 : i32
          %broadcast_in_dim3A_220 = vector.broadcast %add3A_219 : i32 to vector<16xi32>
          %gather3A = tpu.vector_load_idx %arg10[%broadcast_in_dim3A_220] : memref<3280xi32, #tpu.memory_space<vmem>>[vector<16xi32>], vector<16xi32>,
          %get3A = arith.index_cast %while3A_216 : i32 to index
          %get3A_221 = arith.constant 0 : index
          %get3A_222 = tpu.vector_load %arg12[%get3A, %get3A_221] {strides = array<i32>} : memref<64x512xbf16, #tpu.memory_space<vmem>>, vector<32xbf16>,
          %get3A_223 = arith.index_cast %while3A_216 : i32 to index
          %get3A_224 = arith.constant 32 : index
          %get3A_225 = tpu.vector_load %arg12[%get3A_223, %get3A_224] {strides = array<i32>} : memref<64x512xbf16, #tpu.memory_space<vmem>>, vector<32xbf16>,
          %get3A_226 = arith.index_cast %while3A_216 : i32 to index
          %get3A_227 = arith.constant 64 : index
          %get3A_228 = tpu.vector_load %arg12[%get3A_226, %get3A_227] {strides = array<i32>} : memref<64x512xbf16, #tpu.memory_space<vmem>>, vector<32xbf16>,
          %get3A_229 = arith.index_cast %while3A_216 : i32 to index
          %get3A_230 = arith.constant 96 : index
          %get3A_231 = tpu.vector_load %arg12[%get3A_229, %get3A_230] {strides = array<i32>} : memref<64x512xbf16, #tpu.memory_space<vmem>>, vector<32xbf16>,
          %get3A_232 = arith.index_cast %while3A_216 : i32 to index
          %get3A_233 = arith.constant 128 : index
          %get3A_234 = tpu.vector_load %arg12[%get3A_232, %get3A_233] {strides = array<i32>} : memref<64x512xbf16, #tpu.memory_space<vmem>>, vector<32xbf16>,
          %get3A_235 = arith.index_cast %while3A_216 : i32 to index
          %get3A_236 = arith.constant 160 : index
          %get3A_237 = tpu.vector_load %arg12[%get3A_235, %get3A_236] {strides = array<i32>} : memref<64x512xbf16, #tpu.memory_space<vmem>>, vector<32xbf16>,
          %get3A_238 = arith.index_cast %while3A_216 : i32 to index
          %get3A_239 = arith.constant 192 : index
          %get3A_240 = tpu.vector_load %arg12[%get3A_238, %get3A_239] {strides = array<i32>} : memref<64x512xbf16, #tpu.memory_space<vmem>>, vector<32xbf16>,
          %get3A_241 = arith.index_cast %while3A_216 : i32 to index
          %get3A_242 = arith.constant 224 : index
          %get3A_243 = tpu.vector_load %arg12[%get3A_241, %get3A_242] {strides = array<i32>} : memref<64x512xbf16, #tpu.memory_space<vmem>>, vector<32xbf16>,
          %get3A_244 = arith.index_cast %while3A_216 : i32 to index
          %get3A_245 = arith.constant 256 : index
          %get3A_246 = tpu.vector_load %arg12[%get3A_244, %get3A_245] {strides = array<i32>} : memref<64x512xbf16, #tpu.memory_space<vmem>>, vector<32xbf16>,
          %get3A_247 = arith.index_cast %while3A_216 : i32 to index
          %get3A_248 = arith.constant 288 : index
          %get3A_249 = tpu.vector_load %arg12[%get3A_247, %get3A_248] {strides = array<i32>} : memref<64x512xbf16, #tpu.memory_space<vmem>>, vector<32xbf16>,
          %get3A_250 = arith.index_cast %while3A_216 : i32 to index
          %get3A_251 = arith.constant 320 : index
          %get3A_252 = tpu.vector_load %arg12[%get3A_250, %get3A_251] {strides = array<i32>} : memref<64x512xbf16, #tpu.memory_space<vmem>>, vector<32xbf16>,
          %get3A_253 = arith.index_cast %while3A_216 : i32 to index
          %get3A_254 = arith.constant 352 : index
          %get3A_255 = tpu.vector_load %arg12[%get3A_253, %get3A_254] {strides = array<i32>} : memref<64x512xbf16, #tpu.memory_space<vmem>>, vector<32xbf16>,
          %get3A_256 = arith.index_cast %while3A_216 : i32 to index
          %get3A_257 = arith.constant 384 : index
          %get3A_258 = tpu.vector_load %arg12[%get3A_256, %get3A_257] {strides = array<i32>} : memref<64x512xbf16, #tpu.memory_space<vmem>>, vector<32xbf16>,
          %get3A_259 = arith.index_cast %while3A_216 : i32 to index
          %get3A_260 = arith.constant 416 : index
          %get3A_261 = tpu.vector_load %arg12[%get3A_259, %get3A_260] {strides = array<i32>} : memref<64x512xbf16, #tpu.memory_space<vmem>>, vector<32xbf16>,
          %get3A_262 = arith.index_cast %while3A_216 : i32 to index
          %get3A_263 = arith.constant 448 : index
          %get3A_264 = tpu.vector_load %arg12[%get3A_262, %get3A_263] {strides = array<i32>} : memref<64x512xbf16, #tpu.memory_space<vmem>>, vector<32xbf16>,
          %get3A_265 = arith.index_cast %while3A_216 : i32 to index
          %get3A_266 = arith.constant 480 : index
          %get3A_267 = tpu.vector_load %arg12[%get3A_265, %get3A_266] {strides = array<i32>} : memref<64x512xbf16, #tpu.memory_space<vmem>>, vector<32xbf16>,
          %gather3A_268 = tpu.vector_load_idx %arg6[%gather3A, %add3A_8] : memref<320x256xi32, #tpu.memory_space<vmem>>[vector<16xi32>, vector<16xi32>], vector<16xi32>,
          %bitcast3A_269 = vector.bitcast %gather3A_268 : vector<16xi32> to vector<32xbf16>
          %gather3A_270 = tpu.vector_load_idx %arg6[%gather3A, %add3A_12] : memref<320x256xi32, #tpu.memory_space<vmem>>[vector<16xi32>, vector<16xi32>], vector<16xi32>,
          %bitcast3A_271 = vector.bitcast %gather3A_270 : vector<16xi32> to vector<32xbf16>
          %gather3A_272 = tpu.vector_load_idx %arg6[%gather3A, %add3A_16] : memref<320x256xi32, #tpu.memory_space<vmem>>[vector<16xi32>, vector<16xi32>], vector<16xi32>,
          %bitcast3A_273 = vector.bitcast %gather3A_272 : vector<16xi32> to vector<32xbf16>
          %gather3A_274 = tpu.vector_load_idx %arg6[%gather3A, %add3A_20] : memref<320x256xi32, #tpu.memory_space<vmem>>[vector<16xi32>, vector<16xi32>], vector<16xi32>,
          %bitcast3A_275 = vector.bitcast %gather3A_274 : vector<16xi32> to vector<32xbf16>
          %gather3A_276 = tpu.vector_load_idx %arg6[%gather3A, %add3A_24] : memref<320x256xi32, #tpu.memory_space<vmem>>[vector<16xi32>, vector<16xi32>], vector<16xi32>,
          %bitcast3A_277 = vector.bitcast %gather3A_276 : vector<16xi32> to vector<32xbf16>
          %gather3A_278 = tpu.vector_load_idx %arg6[%gather3A, %add3A_28] : memref<320x256xi32, #tpu.memory_space<vmem>>[vector<16xi32>, vector<16xi32>], vector<16xi32>,
          %bitcast3A_279 = vector.bitcast %gather3A_278 : vector<16xi32> to vector<32xbf16>
          %gather3A_280 = tpu.vector_load_idx %arg6[%gather3A, %add3A_32] : memref<320x256xi32, #tpu.memory_space<vmem>>[vector<16xi32>, vector<16xi32>], vector<16xi32>,
          %bitcast3A_281 = vector.bitcast %gather3A_280 : vector<16xi32> to vector<32xbf16>
          %gather3A_282 = tpu.vector_load_idx %arg6[%gather3A, %add3A_36] : memref<320x256xi32, #tpu.memory_space<vmem>>[vector<16xi32>, vector<16xi32>], vector<16xi32>,
          %bitcast3A_283 = vector.bitcast %gather3A_282 : vector<16xi32> to vector<32xbf16>
          %gather3A_284 = tpu.vector_load_idx %arg6[%gather3A, %add3A_40] : memref<320x256xi32, #tpu.memory_space<vmem>>[vector<16xi32>, vector<16xi32>], vector<16xi32>,
          %bitcast3A_285 = vector.bitcast %gather3A_284 : vector<16xi32> to vector<32xbf16>
          %gather3A_286 = tpu.vector_load_idx %arg6[%gather3A, %add3A_44] : memref<320x256xi32, #tpu.memory_space<vmem>>[vector<16xi32>, vector<16xi32>], vector<16xi32>,
          %bitcast3A_287 = vector.bitcast %gather3A_286 : vector<16xi32> to vector<32xbf16>
          %gather3A_288 = tpu.vector_load_idx %arg6[%gather3A, %add3A_48] : memref<320x256xi32, #tpu.memory_space<vmem>>[vector<16xi32>, vector<16xi32>], vector<16xi32>,
          %bitcast3A_289 = vector.bitcast %gather3A_288 : vector<16xi32> to vector<32xbf16>
          %gather3A_290 = tpu.vector_load_idx %arg6[%gather3A, %add3A_52] : memref<320x256xi32, #tpu.memory_space<vmem>>[vector<16xi32>, vector<16xi32>], vector<16xi32>,
          %bitcast3A_291 = vector.bitcast %gather3A_290 : vector<16xi32> to vector<32xbf16>
          %gather3A_292 = tpu.vector_load_idx %arg6[%gather3A, %add3A_56] : memref<320x256xi32, #tpu.memory_space<vmem>>[vector<16xi32>, vector<16xi32>], vector<16xi32>,
          %bitcast3A_293 = vector.bitcast %gather3A_292 : vector<16xi32> to vector<32xbf16>
          %gather3A_294 = tpu.vector_load_idx %arg6[%gather3A, %add3A_60] : memref<320x256xi32, #tpu.memory_space<vmem>>[vector<16xi32>, vector<16xi32>], vector<16xi32>,
          %bitcast3A_295 = vector.bitcast %gather3A_294 : vector<16xi32> to vector<32xbf16>
          %gather3A_296 = tpu.vector_load_idx %arg6[%gather3A, %add3A_64] : memref<320x256xi32, #tpu.memory_space<vmem>>[vector<16xi32>, vector<16xi32>], vector<16xi32>,
          %bitcast3A_297 = vector.bitcast %gather3A_296 : vector<16xi32> to vector<32xbf16>
          %gather3A_298 = tpu.vector_load_idx %arg6[%gather3A, %add3A_68] : memref<320x256xi32, #tpu.memory_space<vmem>>[vector<16xi32>, vector<16xi32>], vector<16xi32>,
          %bitcast3A_299 = vector.bitcast %gather3A_298 : vector<16xi32> to vector<32xbf16>
          %max3A = arith.maximumf %bitcast3A_269, %get3A_222 : vector<32xbf16>
          %bitcast3A_300 = vector.bitcast %max3A : vector<32xbf16> to vector<16xi32>
          tpu.vector_store_idx %arg6[%gather3A, %add3A_8], %bitcast3A_300 : memref<320x256xi32, #tpu.memory_space<vmem>>[vector<16xi32>, vector<16xi32>], vector<16xi32>,
          %max3A_301 = arith.maximumf %bitcast3A_271, %get3A_225 : vector<32xbf16>
          %bitcast3A_302 = vector.bitcast %max3A_301 : vector<32xbf16> to vector<16xi32>
          tpu.vector_store_idx %arg6[%gather3A, %add3A_12], %bitcast3A_302 : memref<320x256xi32, #tpu.memory_space<vmem>>[vector<16xi32>, vector<16xi32>], vector<16xi32>,
          %max3A_303 = arith.maximumf %bitcast3A_273, %get3A_228 : vector<32xbf16>
          %bitcast3A_304 = vector.bitcast %max3A_303 : vector<32xbf16> to vector<16xi32>
          tpu.vector_store_idx %arg6[%gather3A, %add3A_16], %bitcast3A_304 : memref<320x256xi32, #tpu.memory_space<vmem>>[vector<16xi32>, vector<16xi32>], vector<16xi32>,
          %max3A_305 = arith.maximumf %bitcast3A_275, %get3A_231 : vector<32xbf16>
          %bitcast3A_306 = vector.bitcast %max3A_305 : vector<32xbf16> to vector<16xi32>
          tpu.vector_store_idx %arg6[%gather3A, %add3A_20], %bitcast3A_306 : memref<320x256xi32, #tpu.memory_space<vmem>>[vector<16xi32>, vector<16xi32>], vector<16xi32>,
          %max3A_307 = arith.maximumf %bitcast3A_277, %get3A_234 : vector<32xbf16>
          %bitcast3A_308 = vector.bitcast %max3A_307 : vector<32xbf16> to vector<16xi32>
          tpu.vector_store_idx %arg6[%gather3A, %add3A_24], %bitcast3A_308 : memref<320x256xi32, #tpu.memory_space<vmem>>[vector<16xi32>, vector<16xi32>], vector<16xi32>,
          %max3A_309 = arith.maximumf %bitcast3A_279, %get3A_237 : vector<32xbf16>
          %bitcast3A_310 = vector.bitcast %max3A_309 : vector<32xbf16> to vector<16xi32>
          tpu.vector_store_idx %arg6[%gather3A, %add3A_28], %bitcast3A_310 : memref<320x256xi32, #tpu.memory_space<vmem>>[vector<16xi32>, vector<16xi32>], vector<16xi32>,
          %max3A_311 = arith.maximumf %bitcast3A_281, %get3A_240 : vector<32xbf16>
          %bitcast3A_312 = vector.bitcast %max3A_311 : vector<32xbf16> to vector<16xi32>
          tpu.vector_store_idx %arg6[%gather3A, %add3A_32], %bitcast3A_312 : memref<320x256xi32, #tpu.memory_space<vmem>>[vector<16xi32>, vector<16xi32>], vector<16xi32>,
          %max3A_313 = arith.maximumf %bitcast3A_283, %get3A_243 : vector<32xbf16>
          %bitcast3A_314 = vector.bitcast %max3A_313 : vector<32xbf16> to vector<16xi32>
          tpu.vector_store_idx %arg6[%gather3A, %add3A_36], %bitcast3A_314 : memref<320x256xi32, #tpu.memory_space<vmem>>[vector<16xi32>, vector<16xi32>], vector<16xi32>,
          %max3A_315 = arith.maximumf %bitcast3A_285, %get3A_246 : vector<32xbf16>
          %bitcast3A_316 = vector.bitcast %max3A_315 : vector<32xbf16> to vector<16xi32>
          tpu.vector_store_idx %arg6[%gather3A, %add3A_40], %bitcast3A_316 : memref<320x256xi32, #tpu.memory_space<vmem>>[vector<16xi32>, vector<16xi32>], vector<16xi32>,
          %max3A_317 = arith.maximumf %bitcast3A_287, %get3A_249 : vector<32xbf16>
          %bitcast3A_318 = vector.bitcast %max3A_317 : vector<32xbf16> to vector<16xi32>
          tpu.vector_store_idx %arg6[%gather3A, %add3A_44], %bitcast3A_318 : memref<320x256xi32, #tpu.memory_space<vmem>>[vector<16xi32>, vector<16xi32>], vector<16xi32>,
          %max3A_319 = arith.maximumf %bitcast3A_289, %get3A_252 : vector<32xbf16>
          %bitcast3A_320 = vector.bitcast %max3A_319 : vector<32xbf16> to vector<16xi32>
          tpu.vector_store_idx %arg6[%gather3A, %add3A_48], %bitcast3A_320 : memref<320x256xi32, #tpu.memory_space<vmem>>[vector<16xi32>, vector<16xi32>], vector<16xi32>,
          %max3A_321 = arith.maximumf %bitcast3A_291, %get3A_255 : vector<32xbf16>
          %bitcast3A_322 = vector.bitcast %max3A_321 : vector<32xbf16> to vector<16xi32>
          tpu.vector_store_idx %arg6[%gather3A, %add3A_52], %bitcast3A_322 : memref<320x256xi32, #tpu.memory_space<vmem>>[vector<16xi32>, vector<16xi32>], vector<16xi32>,
          %max3A_323 = arith.maximumf %bitcast3A_293, %get3A_258 : vector<32xbf16>
          %bitcast3A_324 = vector.bitcast %max3A_323 : vector<32xbf16> to vector<16xi32>
          tpu.vector_store_idx %arg6[%gather3A, %add3A_56], %bitcast3A_324 : memref<320x256xi32, #tpu.memory_space<vmem>>[vector<16xi32>, vector<16xi32>], vector<16xi32>,
          %max3A_325 = arith.maximumf %bitcast3A_295, %get3A_261 : vector<32xbf16>
          %bitcast3A_326 = vector.bitcast %max3A_325 : vector<32xbf16> to vector<16xi32>
          tpu.vector_store_idx %arg6[%gather3A, %add3A_60], %bitcast3A_326 : memref<320x256xi32, #tpu.memory_space<vmem>>[vector<16xi32>, vector<16xi32>], vector<16xi32>,
          %max3A_327 = arith.maximumf %bitcast3A_297, %get3A_264 : vector<32xbf16>
          %bitcast3A_328 = vector.bitcast %max3A_327 : vector<32xbf16> to vector<16xi32>
          tpu.vector_store_idx %arg6[%gather3A, %add3A_64], %bitcast3A_328 : memref<320x256xi32, #tpu.memory_space<vmem>>[vector<16xi32>, vector<16xi32>], vector<16xi32>,
          %max3A_329 = arith.maximumf %bitcast3A_299, %get3A_267 : vector<32xbf16>
          %bitcast3A_330 = vector.bitcast %max3A_329 : vector<32xbf16> to vector<16xi32>
          tpu.vector_store_idx %arg6[%gather3A, %add3A_68], %bitcast3A_330 : memref<320x256xi32, #tpu.memory_space<vmem>>[vector<16xi32>, vector<16xi32>], vector<16xi32>,
        }
        %add3A_206 = arith.constant 2 : i32
        %add3A_207 = arith.addi %mul3A_183, %add3A_206 : i32
        %lt3A_208 = arith.cmpi slt, %add3A_207, %select_n3A : i32
        %convert_element_type3A_209 = arith.extui %lt3A_208 : i1 to i32
        %cond3A_210 = arith.constant 0 : i32
        %cond3A_211 = arith.cmpi ne, %convert_element_type3A_209, %cond3A_210 : i32
        scf.if %cond3A_211 {
          %add3A_216 = arith.constant 2 : i32
          %add3A_217 = arith.addi %mul3A_183, %add3A_216 : i32
          %mul3A_218 = arith.constant 64 : i32
          %mul3A_219 = arith.muli %add3A_217, %mul3A_218 : i32
          %add3A_220 = arith.constant 0 : i32
          %add3A_221 = arith.addi %mul3A_219, %add3A_220 : i32
          %get3A = arith.index_cast %add3A_221 : i32 to index
          %get3A_222 = tpu.vector_load %arg9[%get3A] {strides = array<i32>} : memref<3264xi32, #tpu.memory_space<vmem>>, vector<16xi32>,
          %swap3A = arith.constant 0 : index
          %swap3A_223 = tpu.vector_load %arg11[%swap3A] {strides = array<i32>} : memref<64xi32, #tpu.memory_space<vmem>>, vector<16xi32>,
          tpu.vector_store %arg11[%swap3A], %get3A_222 {strides = array<i32>} : memref<64xi32, #tpu.memory_space<vmem>>, vector<16xi32>,
          %mul3A_224 = arith.constant 64 : i32
          %mul3A_225 = arith.muli %add3A_217, %mul3A_224 : i32
          %add3A_226 = arith.constant 16 : i32
          %add3A_227 = arith.addi %mul3A_225, %add3A_226 : i32
          %get3A_228 = arith.index_cast %add3A_227 : i32 to index
          %get3A_229 = tpu.vector_load %arg9[%get3A_228] {strides = array<i32>} : memref<3264xi32, #tpu.memory_space<vmem>>, vector<16xi32>,
          %swap3A_230 = arith.constant 16 : index
          %swap3A_231 = tpu.vector_load %arg11[%swap3A_230] {strides = array<i32>} : memref<64xi32, #tpu.memory_space<vmem>>, vector<16xi32>,
          tpu.vector_store %arg11[%swap3A_230], %get3A_229 {strides = array<i32>} : memref<64xi32, #tpu.memory_space<vmem>>, vector<16xi32>,
          %mul3A_232 = arith.constant 64 : i32
          %mul3A_233 = arith.muli %add3A_217, %mul3A_232 : i32
          %add3A_234 = arith.constant 32 : i32
          %add3A_235 = arith.addi %mul3A_233, %add3A_234 : i32
          %get3A_236 = arith.index_cast %add3A_235 : i32 to index
          %get3A_237 = tpu.vector_load %arg9[%get3A_236] {strides = array<i32>} : memref<3264xi32, #tpu.memory_space<vmem>>, vector<16xi32>,
          %swap3A_238 = arith.constant 32 : index
          %swap3A_239 = tpu.vector_load %arg11[%swap3A_238] {strides = array<i32>} : memref<64xi32, #tpu.memory_space<vmem>>, vector<16xi32>,
          tpu.vector_store %arg11[%swap3A_238], %get3A_237 {strides = array<i32>} : memref<64xi32, #tpu.memory_space<vmem>>, vector<16xi32>,
          %mul3A_240 = arith.constant 64 : i32
          %mul3A_241 = arith.muli %add3A_217, %mul3A_240 : i32
          %add3A_242 = arith.constant 48 : i32
          %add3A_243 = arith.addi %mul3A_241, %add3A_242 : i32
          %get3A_244 = arith.index_cast %add3A_243 : i32 to index
          %get3A_245 = tpu.vector_load %arg9[%get3A_244] {strides = array<i32>} : memref<3264xi32, #tpu.memory_space<vmem>>, vector<16xi32>,
          %swap3A_246 = arith.constant 48 : index
          %swap3A_247 = tpu.vector_load %arg11[%swap3A_246] {strides = array<i32>} : memref<64xi32, #tpu.memory_space<vmem>>, vector<16xi32>,
          tpu.vector_store %arg11[%swap3A_246], %get3A_245 {strides = array<i32>} : memref<64xi32, #tpu.memory_space<vmem>>, vector<16xi32>,
          %dma_start3A = arith.constant 0 : i32
          %dma_start3A_248 = arith.constant 0 : i32
          %dma_start3A_249 = tpu.memref_slice %arg4[%dma_start3A, %dma_start3A_248] : memref<10000x512xbf16, #tpu.memory_space<hbm>> -> memref<10000x512xbf16, #tpu.memory_space<hbm>>
          tpu.enqueue_indirect_dma source(%dma_start3A_249 : memref<10000x512xbf16, #tpu.memory_space<hbm>>) target(%arg12 : memref<64x512xbf16, #tpu.memory_space<vmem>>) offsets(%arg11 : memref<64xi32, #tpu.memory_space<vmem>>) semaphore(%arg13 : memref<!tpu.dma_semaphore, #tpu.memory_space<semaphore_mem>>)
        } else {
        }
        %lt3A_212 = arith.cmpi slt, %add3A_185, %select_n3A : i32
        %convert_element_type3A_213 = arith.extui %lt3A_212 : i1 to i32
        %cond3A_214 = arith.constant 0 : i32
        %cond3A_215 = arith.cmpi ne, %convert_element_type3A_213, %cond3A_214 : i32
        scf.if %cond3A_215 {
          %dma_wait3A_216 = arith.constant 0 : i32
          %dma_wait3A_217 = arith.constant 0 : i32
          %dma_wait3A_218 = tpu.memref_slice %arg4[%dma_wait3A_216, %dma_wait3A_217] : memref<10000x512xbf16, #tpu.memory_space<hbm>> -> memref<10000x512xbf16, #tpu.memory_space<hbm>>
          tpu.wait_indirect_dma semaphore(%arg16 : memref<!tpu.dma_semaphore, #tpu.memory_space<semaphore_mem>>) src(%dma_wait3A_218 : memref<10000x512xbf16, #tpu.memory_space<hbm>>) dst(%arg15 : memref<64x512xbf16, #tpu.memory_space<vmem>>)
          %mul3A_219 = arith.constant 64 : i32
          %mul3A_220 = arith.muli %add3A_185, %mul3A_219 : i32
          %sub3A_221 = arith.subi %reduce_max3A_121, %mul3A_220 : i32
          %min3A_222 = arith.constant 64 : i32
          %min3A_223 = arith.minsi %sub3A_221, %min3A_222 : i32
          %while3A_224 = arith.constant 0 : i32
          %while3A_225 = arith.constant 0 : i32
          %while3A_226 = arith.subi %min3A_223, %while3A_225 : i32
          %while3A_227 = arith.addi %while3A_225, %while3A_226 : i32
          %while3A_228 = arith.constant 1 : i32
          %while3A_229 = arith.divsi %while3A_226, %while3A_228 : i32
          %while3A_230 = arith.muli %while3A_229, %while3A_228 : i32
          %while3A_231 = arith.addi %while3A_225, %while3A_230 : i32
          %while3A_232 = arith.constant 1 : i32
          scf.for %while3A_234 = %while3A_225 to %while3A_231 step %while3A_232  : i32 {
            %mul3A_235 = arith.constant 64 : i32
            %mul3A_236 = arith.muli %add3A_185, %mul3A_235 : i32
            %add3A_237 = arith.addi %mul3A_236, %while3A_234 : i32
            %broadcast_in_dim3A_238 = vector.broadcast %add3A_237 : i32 to vector<16xi32>
            %gather3A = tpu.vector_load_idx %arg10[%broadcast_in_dim3A_238] : memref<3280xi32, #tpu.memory_space<vmem>>[vector<16xi32>], vector<16xi32>,
            %get3A = arith.index_cast %while3A_234 : i32 to index
            %get3A_239 = arith.constant 0 : index
            %get3A_240 = tpu.vector_load %arg15[%get3A, %get3A_239] {strides = array<i32>} : memref<64x512xbf16, #tpu.memory_space<vmem>>, vector<32xbf16>,
            %get3A_241 = arith.index_cast %while3A_234 : i32 to index
            %get3A_242 = arith.constant 32 : index
            %get3A_243 = tpu.vector_load %arg15[%get3A_241, %get3A_242] {strides = array<i32>} : memref<64x512xbf16, #tpu.memory_space<vmem>>, vector<32xbf16>,
            %get3A_244 = arith.index_cast %while3A_234 : i32 to index
            %get3A_245 = arith.constant 64 : index
            %get3A_246 = tpu.vector_load %arg15[%get3A_244, %get3A_245] {strides = array<i32>} : memref<64x512xbf16, #tpu.memory_space<vmem>>, vector<32xbf16>,
            %get3A_247 = arith.index_cast %while3A_234 : i32 to index
            %get3A_248 = arith.constant 96 : index
            %get3A_249 = tpu.vector_load %arg15[%get3A_247, %get3A_248] {strides = array<i32>} : memref<64x512xbf16, #tpu.memory_space<vmem>>, vector<32xbf16>,
            %get3A_250 = arith.index_cast %while3A_234 : i32 to index
            %get3A_251 = arith.constant 128 : index
            %get3A_252 = tpu.vector_load %arg15[%get3A_250, %get3A_251] {strides = array<i32>} : memref<64x512xbf16, #tpu.memory_space<vmem>>, vector<32xbf16>,
            %get3A_253 = arith.index_cast %while3A_234 : i32 to index
            %get3A_254 = arith.constant 160 : index
            %get3A_255 = tpu.vector_load %arg15[%get3A_253, %get3A_254] {strides = array<i32>} : memref<64x512xbf16, #tpu.memory_space<vmem>>, vector<32xbf16>,
            %get3A_256 = arith.index_cast %while3A_234 : i32 to index
            %get3A_257 = arith.constant 192 : index
            %get3A_258 = tpu.vector_load %arg15[%get3A_256, %get3A_257] {strides = array<i32>} : memref<64x512xbf16, #tpu.memory_space<vmem>>, vector<32xbf16>,
            %get3A_259 = arith.index_cast %while3A_234 : i32 to index
            %get3A_260 = arith.constant 224 : index
            %get3A_261 = tpu.vector_load %arg15[%get3A_259, %get3A_260] {strides = array<i32>} : memref<64x512xbf16, #tpu.memory_space<vmem>>, vector<32xbf16>,
            %get3A_262 = arith.index_cast %while3A_234 : i32 to index
            %get3A_263 = arith.constant 256 : index
            %get3A_264 = tpu.vector_load %arg15[%get3A_262, %get3A_263] {strides = array<i32>} : memref<64x512xbf16, #tpu.memory_space<vmem>>, vector<32xbf16>,
            %get3A_265 = arith.index_cast %while3A_234 : i32 to index
            %get3A_266 = arith.constant 288 : index
            %get3A_267 = tpu.vector_load %arg15[%get3A_265, %get3A_266] {strides = array<i32>} : memref<64x512xbf16, #tpu.memory_space<vmem>>, vector<32xbf16>,
            %get3A_268 = arith.index_cast %while3A_234 : i32 to index
            %get3A_269 = arith.constant 320 : index
            %get3A_270 = tpu.vector_load %arg15[%get3A_268, %get3A_269] {strides = array<i32>} : memref<64x512xbf16, #tpu.memory_space<vmem>>, vector<32xbf16>,
            %get3A_271 = arith.index_cast %while3A_234 : i32 to index
            %get3A_272 = arith.constant 352 : index
            %get3A_273 = tpu.vector_load %arg15[%get3A_271, %get3A_272] {strides = array<i32>} : memref<64x512xbf16, #tpu.memory_space<vmem>>, vector<32xbf16>,
            %get3A_274 = arith.index_cast %while3A_234 : i32 to index
            %get3A_275 = arith.constant 384 : index
            %get3A_276 = tpu.vector_load %arg15[%get3A_274, %get3A_275] {strides = array<i32>} : memref<64x512xbf16, #tpu.memory_space<vmem>>, vector<32xbf16>,
            %get3A_277 = arith.index_cast %while3A_234 : i32 to index
            %get3A_278 = arith.constant 416 : index
            %get3A_279 = tpu.vector_load %arg15[%get3A_277, %get3A_278] {strides = array<i32>} : memref<64x512xbf16, #tpu.memory_space<vmem>>, vector<32xbf16>,
            %get3A_280 = arith.index_cast %while3A_234 : i32 to index
            %get3A_281 = arith.constant 448 : index
            %get3A_282 = tpu.vector_load %arg15[%get3A_280, %get3A_281] {strides = array<i32>} : memref<64x512xbf16, #tpu.memory_space<vmem>>, vector<32xbf16>,
            %get3A_283 = arith.index_cast %while3A_234 : i32 to index
            %get3A_284 = arith.constant 480 : index
            %get3A_285 = tpu.vector_load %arg15[%get3A_283, %get3A_284] {strides = array<i32>} : memref<64x512xbf16, #tpu.memory_space<vmem>>, vector<32xbf16>,
            %gather3A_286 = tpu.vector_load_idx %arg6[%gather3A, %add3A_8] : memref<320x256xi32, #tpu.memory_space<vmem>>[vector<16xi32>, vector<16xi32>], vector<16xi32>,
            %bitcast3A_287 = vector.bitcast %gather3A_286 : vector<16xi32> to vector<32xbf16>
            %gather3A_288 = tpu.vector_load_idx %arg6[%gather3A, %add3A_12] : memref<320x256xi32, #tpu.memory_space<vmem>>[vector<16xi32>, vector<16xi32>], vector<16xi32>,
            %bitcast3A_289 = vector.bitcast %gather3A_288 : vector<16xi32> to vector<32xbf16>
            %gather3A_290 = tpu.vector_load_idx %arg6[%gather3A, %add3A_16] : memref<320x256xi32, #tpu.memory_space<vmem>>[vector<16xi32>, vector<16xi32>], vector<16xi32>,
            %bitcast3A_291 = vector.bitcast %gather3A_290 : vector<16xi32> to vector<32xbf16>
            %gather3A_292 = tpu.vector_load_idx %arg6[%gather3A, %add3A_20] : memref<320x256xi32, #tpu.memory_space<vmem>>[vector<16xi32>, vector<16xi32>], vector<16xi32>,
            %bitcast3A_293 = vector.bitcast %gather3A_292 : vector<16xi32> to vector<32xbf16>
            %gather3A_294 = tpu.vector_load_idx %arg6[%gather3A, %add3A_24] : memref<320x256xi32, #tpu.memory_space<vmem>>[vector<16xi32>, vector<16xi32>], vector<16xi32>,
            %bitcast3A_295 = vector.bitcast %gather3A_294 : vector<16xi32> to vector<32xbf16>
            %gather3A_296 = tpu.vector_load_idx %arg6[%gather3A, %add3A_28] : memref<320x256xi32, #tpu.memory_space<vmem>>[vector<16xi32>, vector<16xi32>], vector<16xi32>,
            %bitcast3A_297 = vector.bitcast %gather3A_296 : vector<16xi32> to vector<32xbf16>
            %gather3A_298 = tpu.vector_load_idx %arg6[%gather3A, %add3A_32] : memref<320x256xi32, #tpu.memory_space<vmem>>[vector<16xi32>, vector<16xi32>], vector<16xi32>,
            %bitcast3A_299 = vector.bitcast %gather3A_298 : vector<16xi32> to vector<32xbf16>
            %gather3A_300 = tpu.vector_load_idx %arg6[%gather3A, %add3A_36] : memref<320x256xi32, #tpu.memory_space<vmem>>[vector<16xi32>, vector<16xi32>], vector<16xi32>,
            %bitcast3A_301 = vector.bitcast %gather3A_300 : vector<16xi32> to vector<32xbf16>
            %gather3A_302 = tpu.vector_load_idx %arg6[%gather3A, %add3A_40] : memref<320x256xi32, #tpu.memory_space<vmem>>[vector<16xi32>, vector<16xi32>], vector<16xi32>,
            %bitcast3A_303 = vector.bitcast %gather3A_302 : vector<16xi32> to vector<32xbf16>
            %gather3A_304 = tpu.vector_load_idx %arg6[%gather3A, %add3A_44] : memref<320x256xi32, #tpu.memory_space<vmem>>[vector<16xi32>, vector<16xi32>], vector<16xi32>,
            %bitcast3A_305 = vector.bitcast %gather3A_304 : vector<16xi32> to vector<32xbf16>
            %gather3A_306 = tpu.vector_load_idx %arg6[%gather3A, %add3A_48] : memref<320x256xi32, #tpu.memory_space<vmem>>[vector<16xi32>, vector<16xi32>], vector<16xi32>,
            %bitcast3A_307 = vector.bitcast %gather3A_306 : vector<16xi32> to vector<32xbf16>
            %gather3A_308 = tpu.vector_load_idx %arg6[%gather3A, %add3A_52] : memref<320x256xi32, #tpu.memory_space<vmem>>[vector<16xi32>, vector<16xi32>], vector<16xi32>,
            %bitcast3A_309 = vector.bitcast %gather3A_308 : vector<16xi32> to vector<32xbf16>
            %gather3A_310 = tpu.vector_load_idx %arg6[%gather3A, %add3A_56] : memref<320x256xi32, #tpu.memory_space<vmem>>[vector<16xi32>, vector<16xi32>], vector<16xi32>,
            %bitcast3A_311 = vector.bitcast %gather3A_310 : vector<16xi32> to vector<32xbf16>
            %gather3A_312 = tpu.vector_load_idx %arg6[%gather3A, %add3A_60] : memref<320x256xi32, #tpu.memory_space<vmem>>[vector<16xi32>, vector<16xi32>], vector<16xi32>,
            %bitcast3A_313 = vector.bitcast %gather3A_312 : vector<16xi32> to vector<32xbf16>
            %gather3A_314 = tpu.vector_load_idx %arg6[%gather3A, %add3A_64] : memref<320x256xi32, #tpu.memory_space<vmem>>[vector<16xi32>, vector<16xi32>], vector<16xi32>,
            %bitcast3A_315 = vector.bitcast %gather3A_314 : vector<16xi32> to vector<32xbf16>
            %gather3A_316 = tpu.vector_load_idx %arg6[%gather3A, %add3A_68] : memref<320x256xi32, #tpu.memory_space<vmem>>[vector<16xi32>, vector<16xi32>], vector<16xi32>,
            %bitcast3A_317 = vector.bitcast %gather3A_316 : vector<16xi32> to vector<32xbf16>
            %max3A = arith.maximumf %bitcast3A_287, %get3A_240 : vector<32xbf16>
            %bitcast3A_318 = vector.bitcast %max3A : vector<32xbf16> to vector<16xi32>
            tpu.vector_store_idx %arg6[%gather3A, %add3A_8], %bitcast3A_318 : memref<320x256xi32, #tpu.memory_space<vmem>>[vector<16xi32>, vector<16xi32>], vector<16xi32>,
            %max3A_319 = arith.maximumf %bitcast3A_289, %get3A_243 : vector<32xbf16>
            %bitcast3A_320 = vector.bitcast %max3A_319 : vector<32xbf16> to vector<16xi32>
            tpu.vector_store_idx %arg6[%gather3A, %add3A_12], %bitcast3A_320 : memref<320x256xi32, #tpu.memory_space<vmem>>[vector<16xi32>, vector<16xi32>], vector<16xi32>,
            %max3A_321 = arith.maximumf %bitcast3A_291, %get3A_246 : vector<32xbf16>
            %bitcast3A_322 = vector.bitcast %max3A_321 : vector<32xbf16> to vector<16xi32>
            tpu.vector_store_idx %arg6[%gather3A, %add3A_16], %bitcast3A_322 : memref<320x256xi32, #tpu.memory_space<vmem>>[vector<16xi32>, vector<16xi32>], vector<16xi32>,
            %max3A_323 = arith.maximumf %bitcast3A_293, %get3A_249 : vector<32xbf16>
            %bitcast3A_324 = vector.bitcast %max3A_323 : vector<32xbf16> to vector<16xi32>
            tpu.vector_store_idx %arg6[%gather3A, %add3A_20], %bitcast3A_324 : memref<320x256xi32, #tpu.memory_space<vmem>>[vector<16xi32>, vector<16xi32>], vector<16xi32>,
            %max3A_325 = arith.maximumf %bitcast3A_295, %get3A_252 : vector<32xbf16>
            %bitcast3A_326 = vector.bitcast %max3A_325 : vector<32xbf16> to vector<16xi32>
            tpu.vector_store_idx %arg6[%gather3A, %add3A_24], %bitcast3A_326 : memref<320x256xi32, #tpu.memory_space<vmem>>[vector<16xi32>, vector<16xi32>], vector<16xi32>,
            %max3A_327 = arith.maximumf %bitcast3A_297, %get3A_255 : vector<32xbf16>
            %bitcast3A_328 = vector.bitcast %max3A_327 : vector<32xbf16> to vector<16xi32>
            tpu.vector_store_idx %arg6[%gather3A, %add3A_28], %bitcast3A_328 : memref<320x256xi32, #tpu.memory_space<vmem>>[vector<16xi32>, vector<16xi32>], vector<16xi32>,
            %max3A_329 = arith.maximumf %bitcast3A_299, %get3A_258 : vector<32xbf16>
            %bitcast3A_330 = vector.bitcast %max3A_329 : vector<32xbf16> to vector<16xi32>
            tpu.vector_store_idx %arg6[%gather3A, %add3A_32], %bitcast3A_330 : memref<320x256xi32, #tpu.memory_space<vmem>>[vector<16xi32>, vector<16xi32>], vector<16xi32>,
            %max3A_331 = arith.maximumf %bitcast3A_301, %get3A_261 : vector<32xbf16>
            %bitcast3A_332 = vector.bitcast %max3A_331 : vector<32xbf16> to vector<16xi32>
            tpu.vector_store_idx %arg6[%gather3A, %add3A_36], %bitcast3A_332 : memref<320x256xi32, #tpu.memory_space<vmem>>[vector<16xi32>, vector<16xi32>], vector<16xi32>,
            %max3A_333 = arith.maximumf %bitcast3A_303, %get3A_264 : vector<32xbf16>
            %bitcast3A_334 = vector.bitcast %max3A_333 : vector<32xbf16> to vector<16xi32>
            tpu.vector_store_idx %arg6[%gather3A, %add3A_40], %bitcast3A_334 : memref<320x256xi32, #tpu.memory_space<vmem>>[vector<16xi32>, vector<16xi32>], vector<16xi32>,
            %max3A_335 = arith.maximumf %bitcast3A_305, %get3A_267 : vector<32xbf16>
            %bitcast3A_336 = vector.bitcast %max3A_335 : vector<32xbf16> to vector<16xi32>
            tpu.vector_store_idx %arg6[%gather3A, %add3A_44], %bitcast3A_336 : memref<320x256xi32, #tpu.memory_space<vmem>>[vector<16xi32>, vector<16xi32>], vector<16xi32>,
            %max3A_337 = arith.maximumf %bitcast3A_307, %get3A_270 : vector<32xbf16>
            %bitcast3A_338 = vector.bitcast %max3A_337 : vector<32xbf16> to vector<16xi32>
            tpu.vector_store_idx %arg6[%gather3A, %add3A_48], %bitcast3A_338 : memref<320x256xi32, #tpu.memory_space<vmem>>[vector<16xi32>, vector<16xi32>], vector<16xi32>,
            %max3A_339 = arith.maximumf %bitcast3A_309, %get3A_273 : vector<32xbf16>
            %bitcast3A_340 = vector.bitcast %max3A_339 : vector<32xbf16> to vector<16xi32>
            tpu.vector_store_idx %arg6[%gather3A, %add3A_52], %bitcast3A_340 : memref<320x256xi32, #tpu.memory_space<vmem>>[vector<16xi32>, vector<16xi32>], vector<16xi32>,
            %max3A_341 = arith.maximumf %bitcast3A_311, %get3A_276 : vector<32xbf16>
            %bitcast3A_342 = vector.bitcast %max3A_341 : vector<32xbf16> to vector<16xi32>
            tpu.vector_store_idx %arg6[%gather3A, %add3A_56], %bitcast3A_342 : memref<320x256xi32, #tpu.memory_space<vmem>>[vector<16xi32>, vector<16xi32>], vector<16xi32>,
            %max3A_343 = arith.maximumf %bitcast3A_313, %get3A_279 : vector<32xbf16>
            %bitcast3A_344 = vector.bitcast %max3A_343 : vector<32xbf16> to vector<16xi32>
            tpu.vector_store_idx %arg6[%gather3A, %add3A_60], %bitcast3A_344 : memref<320x256xi32, #tpu.memory_space<vmem>>[vector<16xi32>, vector<16xi32>], vector<16xi32>,
            %max3A_345 = arith.maximumf %bitcast3A_315, %get3A_282 : vector<32xbf16>
            %bitcast3A_346 = vector.bitcast %max3A_345 : vector<32xbf16> to vector<16xi32>
            tpu.vector_store_idx %arg6[%gather3A, %add3A_64], %bitcast3A_346 : memref<320x256xi32, #tpu.memory_space<vmem>>[vector<16xi32>, vector<16xi32>], vector<16xi32>,
            %max3A_347 = arith.maximumf %bitcast3A_317, %get3A_285 : vector<32xbf16>
            %bitcast3A_348 = vector.bitcast %max3A_347 : vector<32xbf16> to vector<16xi32>
            tpu.vector_store_idx %arg6[%gather3A, %add3A_68], %bitcast3A_348 : memref<320x256xi32, #tpu.memory_space<vmem>>[vector<16xi32>, vector<16xi32>], vector<16xi32>,
          }
          %while3A_233 = arith.constant 1 : i32
          scf.for %while3A_234 = %while3A_231 to %while3A_227 step %while3A_233  : i32 {
            %mul3A_235 = arith.constant 64 : i32
            %mul3A_236 = arith.muli %add3A_185, %mul3A_235 : i32
            %add3A_237 = arith.addi %mul3A_236, %while3A_234 : i32
            %broadcast_in_dim3A_238 = vector.broadcast %add3A_237 : i32 to vector<16xi32>
            %gather3A = tpu.vector_load_idx %arg10[%broadcast_in_dim3A_238] : memref<3280xi32, #tpu.memory_space<vmem>>[vector<16xi32>], vector<16xi32>,
            %get3A = arith.index_cast %while3A_234 : i32 to index
            %get3A_239 = arith.constant 0 : index
            %get3A_240 = tpu.vector_load %arg15[%get3A, %get3A_239] {strides = array<i32>} : memref<64x512xbf16, #tpu.memory_space<vmem>>, vector<32xbf16>,
            %get3A_241 = arith.index_cast %while3A_234 : i32 to index
            %get3A_242 = arith.constant 32 : index
            %get3A_243 = tpu.vector_load %arg15[%get3A_241, %get3A_242] {strides = array<i32>} : memref<64x512xbf16, #tpu.memory_space<vmem>>, vector<32xbf16>,
            %get3A_244 = arith.index_cast %while3A_234 : i32 to index
            %get3A_245 = arith.constant 64 : index
            %get3A_246 = tpu.vector_load %arg15[%get3A_244, %get3A_245] {strides = array<i32>} : memref<64x512xbf16, #tpu.memory_space<vmem>>, vector<32xbf16>,
            %get3A_247 = arith.index_cast %while3A_234 : i32 to index
            %get3A_248 = arith.constant 96 : index
            %get3A_249 = tpu.vector_load %arg15[%get3A_247, %get3A_248] {strides = array<i32>} : memref<64x512xbf16, #tpu.memory_space<vmem>>, vector<32xbf16>,
            %get3A_250 = arith.index_cast %while3A_234 : i32 to index
            %get3A_251 = arith.constant 128 : index
            %get3A_252 = tpu.vector_load %arg15[%get3A_250, %get3A_251] {strides = array<i32>} : memref<64x512xbf16, #tpu.memory_space<vmem>>, vector<32xbf16>,
            %get3A_253 = arith.index_cast %while3A_234 : i32 to index
            %get3A_254 = arith.constant 160 : index
            %get3A_255 = tpu.vector_load %arg15[%get3A_253, %get3A_254] {strides = array<i32>} : memref<64x512xbf16, #tpu.memory_space<vmem>>, vector<32xbf16>,
            %get3A_256 = arith.index_cast %while3A_234 : i32 to index
            %get3A_257 = arith.constant 192 : index
            %get3A_258 = tpu.vector_load %arg15[%get3A_256, %get3A_257] {strides = array<i32>} : memref<64x512xbf16, #tpu.memory_space<vmem>>, vector<32xbf16>,
            %get3A_259 = arith.index_cast %while3A_234 : i32 to index
            %get3A_260 = arith.constant 224 : index
            %get3A_261 = tpu.vector_load %arg15[%get3A_259, %get3A_260] {strides = array<i32>} : memref<64x512xbf16, #tpu.memory_space<vmem>>, vector<32xbf16>,
            %get3A_262 = arith.index_cast %while3A_234 : i32 to index
            %get3A_263 = arith.constant 256 : index
            %get3A_264 = tpu.vector_load %arg15[%get3A_262, %get3A_263] {strides = array<i32>} : memref<64x512xbf16, #tpu.memory_space<vmem>>, vector<32xbf16>,
            %get3A_265 = arith.index_cast %while3A_234 : i32 to index
            %get3A_266 = arith.constant 288 : index
            %get3A_267 = tpu.vector_load %arg15[%get3A_265, %get3A_266] {strides = array<i32>} : memref<64x512xbf16, #tpu.memory_space<vmem>>, vector<32xbf16>,
            %get3A_268 = arith.index_cast %while3A_234 : i32 to index
            %get3A_269 = arith.constant 320 : index
            %get3A_270 = tpu.vector_load %arg15[%get3A_268, %get3A_269] {strides = array<i32>} : memref<64x512xbf16, #tpu.memory_space<vmem>>, vector<32xbf16>,
            %get3A_271 = arith.index_cast %while3A_234 : i32 to index
            %get3A_272 = arith.constant 352 : index
            %get3A_273 = tpu.vector_load %arg15[%get3A_271, %get3A_272] {strides = array<i32>} : memref<64x512xbf16, #tpu.memory_space<vmem>>, vector<32xbf16>,
            %get3A_274 = arith.index_cast %while3A_234 : i32 to index
            %get3A_275 = arith.constant 384 : index
            %get3A_276 = tpu.vector_load %arg15[%get3A_274, %get3A_275] {strides = array<i32>} : memref<64x512xbf16, #tpu.memory_space<vmem>>, vector<32xbf16>,
            %get3A_277 = arith.index_cast %while3A_234 : i32 to index
            %get3A_278 = arith.constant 416 : index
            %get3A_279 = tpu.vector_load %arg15[%get3A_277, %get3A_278] {strides = array<i32>} : memref<64x512xbf16, #tpu.memory_space<vmem>>, vector<32xbf16>,
            %get3A_280 = arith.index_cast %while3A_234 : i32 to index
            %get3A_281 = arith.constant 448 : index
            %get3A_282 = tpu.vector_load %arg15[%get3A_280, %get3A_281] {strides = array<i32>} : memref<64x512xbf16, #tpu.memory_space<vmem>>, vector<32xbf16>,
            %get3A_283 = arith.index_cast %while3A_234 : i32 to index
            %get3A_284 = arith.constant 480 : index
            %get3A_285 = tpu.vector_load %arg15[%get3A_283, %get3A_284] {strides = array<i32>} : memref<64x512xbf16, #tpu.memory_space<vmem>>, vector<32xbf16>,
            %gather3A_286 = tpu.vector_load_idx %arg6[%gather3A, %add3A_8] : memref<320x256xi32, #tpu.memory_space<vmem>>[vector<16xi32>, vector<16xi32>], vector<16xi32>,
            %bitcast3A_287 = vector.bitcast %gather3A_286 : vector<16xi32> to vector<32xbf16>
            %gather3A_288 = tpu.vector_load_idx %arg6[%gather3A, %add3A_12] : memref<320x256xi32, #tpu.memory_space<vmem>>[vector<16xi32>, vector<16xi32>], vector<16xi32>,
            %bitcast3A_289 = vector.bitcast %gather3A_288 : vector<16xi32> to vector<32xbf16>
            %gather3A_290 = tpu.vector_load_idx %arg6[%gather3A, %add3A_16] : memref<320x256xi32, #tpu.memory_space<vmem>>[vector<16xi32>, vector<16xi32>], vector<16xi32>,
            %bitcast3A_291 = vector.bitcast %gather3A_290 : vector<16xi32> to vector<32xbf16>
            %gather3A_292 = tpu.vector_load_idx %arg6[%gather3A, %add3A_20] : memref<320x256xi32, #tpu.memory_space<vmem>>[vector<16xi32>, vector<16xi32>], vector<16xi32>,
            %bitcast3A_293 = vector.bitcast %gather3A_292 : vector<16xi32> to vector<32xbf16>
            %gather3A_294 = tpu.vector_load_idx %arg6[%gather3A, %add3A_24] : memref<320x256xi32, #tpu.memory_space<vmem>>[vector<16xi32>, vector<16xi32>], vector<16xi32>,
            %bitcast3A_295 = vector.bitcast %gather3A_294 : vector<16xi32> to vector<32xbf16>
            %gather3A_296 = tpu.vector_load_idx %arg6[%gather3A, %add3A_28] : memref<320x256xi32, #tpu.memory_space<vmem>>[vector<16xi32>, vector<16xi32>], vector<16xi32>,
            %bitcast3A_297 = vector.bitcast %gather3A_296 : vector<16xi32> to vector<32xbf16>
            %gather3A_298 = tpu.vector_load_idx %arg6[%gather3A, %add3A_32] : memref<320x256xi32, #tpu.memory_space<vmem>>[vector<16xi32>, vector<16xi32>], vector<16xi32>,
            %bitcast3A_299 = vector.bitcast %gather3A_298 : vector<16xi32> to vector<32xbf16>
            %gather3A_300 = tpu.vector_load_idx %arg6[%gather3A, %add3A_36] : memref<320x256xi32, #tpu.memory_space<vmem>>[vector<16xi32>, vector<16xi32>], vector<16xi32>,
            %bitcast3A_301 = vector.bitcast %gather3A_300 : vector<16xi32> to vector<32xbf16>
            %gather3A_302 = tpu.vector_load_idx %arg6[%gather3A, %add3A_40] : memref<320x256xi32, #tpu.memory_space<vmem>>[vector<16xi32>, vector<16xi32>], vector<16xi32>,
            %bitcast3A_303 = vector.bitcast %gather3A_302 : vector<16xi32> to vector<32xbf16>
            %gather3A_304 = tpu.vector_load_idx %arg6[%gather3A, %add3A_44] : memref<320x256xi32, #tpu.memory_space<vmem>>[vector<16xi32>, vector<16xi32>], vector<16xi32>,
            %bitcast3A_305 = vector.bitcast %gather3A_304 : vector<16xi32> to vector<32xbf16>
            %gather3A_306 = tpu.vector_load_idx %arg6[%gather3A, %add3A_48] : memref<320x256xi32, #tpu.memory_space<vmem>>[vector<16xi32>, vector<16xi32>], vector<16xi32>,
            %bitcast3A_307 = vector.bitcast %gather3A_306 : vector<16xi32> to vector<32xbf16>
            %gather3A_308 = tpu.vector_load_idx %arg6[%gather3A, %add3A_52] : memref<320x256xi32, #tpu.memory_space<vmem>>[vector<16xi32>, vector<16xi32>], vector<16xi32>,
            %bitcast3A_309 = vector.bitcast %gather3A_308 : vector<16xi32> to vector<32xbf16>
            %gather3A_310 = tpu.vector_load_idx %arg6[%gather3A, %add3A_56] : memref<320x256xi32, #tpu.memory_space<vmem>>[vector<16xi32>, vector<16xi32>], vector<16xi32>,
            %bitcast3A_311 = vector.bitcast %gather3A_310 : vector<16xi32> to vector<32xbf16>
            %gather3A_312 = tpu.vector_load_idx %arg6[%gather3A, %add3A_60] : memref<320x256xi32, #tpu.memory_space<vmem>>[vector<16xi32>, vector<16xi32>], vector<16xi32>,
            %bitcast3A_313 = vector.bitcast %gather3A_312 : vector<16xi32> to vector<32xbf16>
            %gather3A_314 = tpu.vector_load_idx %arg6[%gather3A, %add3A_64] : memref<320x256xi32, #tpu.memory_space<vmem>>[vector<16xi32>, vector<16xi32>], vector<16xi32>,
            %bitcast3A_315 = vector.bitcast %gather3A_314 : vector<16xi32> to vector<32xbf16>
            %gather3A_316 = tpu.vector_load_idx %arg6[%gather3A, %add3A_68] : memref<320x256xi32, #tpu.memory_space<vmem>>[vector<16xi32>, vector<16xi32>], vector<16xi32>,
            %bitcast3A_317 = vector.bitcast %gather3A_316 : vector<16xi32> to vector<32xbf16>
            %max3A = arith.maximumf %bitcast3A_287, %get3A_240 : vector<32xbf16>
            %bitcast3A_318 = vector.bitcast %max3A : vector<32xbf16> to vector<16xi32>
            tpu.vector_store_idx %arg6[%gather3A, %add3A_8], %bitcast3A_318 : memref<320x256xi32, #tpu.memory_space<vmem>>[vector<16xi32>, vector<16xi32>], vector<16xi32>,
            %max3A_319 = arith.maximumf %bitcast3A_289, %get3A_243 : vector<32xbf16>
            %bitcast3A_320 = vector.bitcast %max3A_319 : vector<32xbf16> to vector<16xi32>
            tpu.vector_store_idx %arg6[%gather3A, %add3A_12], %bitcast3A_320 : memref<320x256xi32, #tpu.memory_space<vmem>>[vector<16xi32>, vector<16xi32>], vector<16xi32>,
            %max3A_321 = arith.maximumf %bitcast3A_291, %get3A_246 : vector<32xbf16>
            %bitcast3A_322 = vector.bitcast %max3A_321 : vector<32xbf16> to vector<16xi32>
            tpu.vector_store_idx %arg6[%gather3A, %add3A_16], %bitcast3A_322 : memref<320x256xi32, #tpu.memory_space<vmem>>[vector<16xi32>, vector<16xi32>], vector<16xi32>,
            %max3A_323 = arith.maximumf %bitcast3A_293, %get3A_249 : vector<32xbf16>
            %bitcast3A_324 = vector.bitcast %max3A_323 : vector<32xbf16> to vector<16xi32>
            tpu.vector_store_idx %arg6[%gather3A, %add3A_20], %bitcast3A_324 : memref<320x256xi32, #tpu.memory_space<vmem>>[vector<16xi32>, vector<16xi32>], vector<16xi32>,
            %max3A_325 = arith.maximumf %bitcast3A_295, %get3A_252 : vector<32xbf16>
            %bitcast3A_326 = vector.bitcast %max3A_325 : vector<32xbf16> to vector<16xi32>
            tpu.vector_store_idx %arg6[%gather3A, %add3A_24], %bitcast3A_326 : memref<320x256xi32, #tpu.memory_space<vmem>>[vector<16xi32>, vector<16xi32>], vector<16xi32>,
            %max3A_327 = arith.maximumf %bitcast3A_297, %get3A_255 : vector<32xbf16>
            %bitcast3A_328 = vector.bitcast %max3A_327 : vector<32xbf16> to vector<16xi32>
            tpu.vector_store_idx %arg6[%gather3A, %add3A_28], %bitcast3A_328 : memref<320x256xi32, #tpu.memory_space<vmem>>[vector<16xi32>, vector<16xi32>], vector<16xi32>,
            %max3A_329 = arith.maximumf %bitcast3A_299, %get3A_258 : vector<32xbf16>
            %bitcast3A_330 = vector.bitcast %max3A_329 : vector<32xbf16> to vector<16xi32>
            tpu.vector_store_idx %arg6[%gather3A, %add3A_32], %bitcast3A_330 : memref<320x256xi32, #tpu.memory_space<vmem>>[vector<16xi32>, vector<16xi32>], vector<16xi32>,
            %max3A_331 = arith.maximumf %bitcast3A_301, %get3A_261 : vector<32xbf16>
            %bitcast3A_332 = vector.bitcast %max3A_331 : vector<32xbf16> to vector<16xi32>
            tpu.vector_store_idx %arg6[%gather3A, %add3A_36], %bitcast3A_332 : memref<320x256xi32, #tpu.memory_space<vmem>>[vector<16xi32>, vector<16xi32>], vector<16xi32>,
            %max3A_333 = arith.maximumf %bitcast3A_303, %get3A_264 : vector<32xbf16>
            %bitcast3A_334 = vector.bitcast %max3A_333 : vector<32xbf16> to vector<16xi32>
            tpu.vector_store_idx %arg6[%gather3A, %add3A_40], %bitcast3A_334 : memref<320x256xi32, #tpu.memory_space<vmem>>[vector<16xi32>, vector<16xi32>], vector<16xi32>,
            %max3A_335 = arith.maximumf %bitcast3A_305, %get3A_267 : vector<32xbf16>
            %bitcast3A_336 = vector.bitcast %max3A_335 : vector<32xbf16> to vector<16xi32>
            tpu.vector_store_idx %arg6[%gather3A, %add3A_44], %bitcast3A_336 : memref<320x256xi32, #tpu.memory_space<vmem>>[vector<16xi32>, vector<16xi32>], vector<16xi32>,
            %max3A_337 = arith.maximumf %bitcast3A_307, %get3A_270 : vector<32xbf16>
            %bitcast3A_338 = vector.bitcast %max3A_337 : vector<32xbf16> to vector<16xi32>
            tpu.vector_store_idx %arg6[%gather3A, %add3A_48], %bitcast3A_338 : memref<320x256xi32, #tpu.memory_space<vmem>>[vector<16xi32>, vector<16xi32>], vector<16xi32>,
            %max3A_339 = arith.maximumf %bitcast3A_309, %get3A_273 : vector<32xbf16>
            %bitcast3A_340 = vector.bitcast %max3A_339 : vector<32xbf16> to vector<16xi32>
            tpu.vector_store_idx %arg6[%gather3A, %add3A_52], %bitcast3A_340 : memref<320x256xi32, #tpu.memory_space<vmem>>[vector<16xi32>, vector<16xi32>], vector<16xi32>,
            %max3A_341 = arith.maximumf %bitcast3A_311, %get3A_276 : vector<32xbf16>
            %bitcast3A_342 = vector.bitcast %max3A_341 : vector<32xbf16> to vector<16xi32>
            tpu.vector_store_idx %arg6[%gather3A, %add3A_56], %bitcast3A_342 : memref<320x256xi32, #tpu.memory_space<vmem>>[vector<16xi32>, vector<16xi32>], vector<16xi32>,
            %max3A_343 = arith.maximumf %bitcast3A_313, %get3A_279 : vector<32xbf16>
            %bitcast3A_344 = vector.bitcast %max3A_343 : vector<32xbf16> to vector<16xi32>
            tpu.vector_store_idx %arg6[%gather3A, %add3A_60], %bitcast3A_344 : memref<320x256xi32, #tpu.memory_space<vmem>>[vector<16xi32>, vector<16xi32>], vector<16xi32>,
            %max3A_345 = arith.maximumf %bitcast3A_315, %get3A_282 : vector<32xbf16>
            %bitcast3A_346 = vector.bitcast %max3A_345 : vector<32xbf16> to vector<16xi32>
            tpu.vector_store_idx %arg6[%gather3A, %add3A_64], %bitcast3A_346 : memref<320x256xi32, #tpu.memory_space<vmem>>[vector<16xi32>, vector<16xi32>], vector<16xi32>,
            %max3A_347 = arith.maximumf %bitcast3A_317, %get3A_285 : vector<32xbf16>
            %bitcast3A_348 = vector.bitcast %max3A_347 : vector<32xbf16> to vector<16xi32>
            tpu.vector_store_idx %arg6[%gather3A, %add3A_68], %bitcast3A_348 : memref<320x256xi32, #tpu.memory_space<vmem>>[vector<16xi32>, vector<16xi32>], vector<16xi32>,
          }
        } else {
        }
      }
    }
    %scan3A_85 = arith.constant 50 : i32
    %broadcast_in_dim3A_86 = arith.constant 0.000000e+00 : bf16
    %broadcast_in_dim3A_87 = vector.broadcast %broadcast_in_dim3A_86 : bf16 to vector<32xbf16>
    %broadcast_in_dim3A_88 = arith.constant 0xFF80 : bf16
    %broadcast_in_dim3A_89 = vector.broadcast %broadcast_in_dim3A_88 : bf16 to vector<32xbf16>
    %scan3A_90 = arith.constant 0 : i32
    %scan3A_91 = arith.constant 0 : i32
    %scan3A_92 = arith.constant 320 : i32
    %scan3A_93 = arith.addi %scan3A_91, %scan3A_92 : i32
    %scan3A_94 = arith.constant 1 : i32
    scf.for %scan3A_102 = %scan3A_91 to %scan3A_93 step %scan3A_94  : i32 {
      %get3A = arith.index_cast %scan3A_102 : i32 to index
      %get3A_103 = arith.constant 0 : index
      %get3A_104 = tpu.vector_load %arg6[%get3A, %get3A_103] {strides = array<i32>} : memref<320x256xi32, #tpu.memory_space<vmem>>, vector<16xi32>,
      %bitcast3A_105 = vector.bitcast %get3A_104 : vector<16xi32> to vector<32xbf16>
      %eq3A_106 = arith.cmpf oeq, %bitcast3A_105, %broadcast_in_dim3A_89 : vector<32xbf16>
      %select_n3A = arith.select %eq3A_106, %broadcast_in_dim3A_87, %bitcast3A_105 : vector<32xi1>, vector<32xbf16>
      %bitcast3A_107 = vector.bitcast %select_n3A : vector<32xbf16> to vector<16xi32>
      %swap3A = arith.index_cast %scan3A_102 : i32 to index
      %swap3A_108 = arith.constant 0 : index
      %swap3A_109 = tpu.vector_load %arg6[%swap3A, %swap3A_108] {strides = array<i32>} : memref<320x256xi32, #tpu.memory_space<vmem>>, vector<16xi32>,
      tpu.vector_store %arg6[%swap3A, %swap3A_108], %bitcast3A_107 {strides = array<i32>} : memref<320x256xi32, #tpu.memory_space<vmem>>, vector<16xi32>,
      %get3A_110 = arith.index_cast %scan3A_102 : i32 to index
      %get3A_111 = arith.constant 16 : index
      %get3A_112 = tpu.vector_load %arg6[%get3A_110, %get3A_111] {strides = array<i32>} : memref<320x256xi32, #tpu.memory_space<vmem>>, vector<16xi32>,
      %bitcast3A_113 = vector.bitcast %get3A_112 : vector<16xi32> to vector<32xbf16>
      %eq3A_114 = arith.cmpf oeq, %bitcast3A_113, %broadcast_in_dim3A_89 : vector<32xbf16>
      %select_n3A_115 = arith.select %eq3A_114, %broadcast_in_dim3A_87, %bitcast3A_113 : vector<32xi1>, vector<32xbf16>
      %bitcast3A_116 = vector.bitcast %select_n3A_115 : vector<32xbf16> to vector<16xi32>
      %swap3A_117 = arith.index_cast %scan3A_102 : i32 to index
      %swap3A_118 = arith.constant 16 : index
      %swap3A_119 = tpu.vector_load %arg6[%swap3A_117, %swap3A_118] {strides = array<i32>} : memref<320x256xi32, #tpu.memory_space<vmem>>, vector<16xi32>,
      tpu.vector_store %arg6[%swap3A_117, %swap3A_118], %bitcast3A_116 {strides = array<i32>} : memref<320x256xi32, #tpu.memory_space<vmem>>, vector<16xi32>,
      %get3A_120 = arith.index_cast %scan3A_102 : i32 to index
      %get3A_121 = arith.constant 32 : index
      %get3A_122 = tpu.vector_load %arg6[%get3A_120, %get3A_121] {strides = array<i32>} : memref<320x256xi32, #tpu.memory_space<vmem>>, vector<16xi32>,
      %bitcast3A_123 = vector.bitcast %get3A_122 : vector<16xi32> to vector<32xbf16>
      %eq3A_124 = arith.cmpf oeq, %bitcast3A_123, %broadcast_in_dim3A_89 : vector<32xbf16>
      %select_n3A_125 = arith.select %eq3A_124, %broadcast_in_dim3A_87, %bitcast3A_123 : vector<32xi1>, vector<32xbf16>
      %bitcast3A_126 = vector.bitcast %select_n3A_125 : vector<32xbf16> to vector<16xi32>
      %swap3A_127 = arith.index_cast %scan3A_102 : i32 to index
      %swap3A_128 = arith.constant 32 : index
      %swap3A_129 = tpu.vector_load %arg6[%swap3A_127, %swap3A_128] {strides = array<i32>} : memref<320x256xi32, #tpu.memory_space<vmem>>, vector<16xi32>,
      tpu.vector_store %arg6[%swap3A_127, %swap3A_128], %bitcast3A_126 {strides = array<i32>} : memref<320x256xi32, #tpu.memory_space<vmem>>, vector<16xi32>,
      %get3A_130 = arith.index_cast %scan3A_102 : i32 to index
      %get3A_131 = arith.constant 48 : index
      %get3A_132 = tpu.vector_load %arg6[%get3A_130, %get3A_131] {strides = array<i32>} : memref<320x256xi32, #tpu.memory_space<vmem>>, vector<16xi32>,
      %bitcast3A_133 = vector.bitcast %get3A_132 : vector<16xi32> to vector<32xbf16>
      %eq3A_134 = arith.cmpf oeq, %bitcast3A_133, %broadcast_in_dim3A_89 : vector<32xbf16>
      %select_n3A_135 = arith.select %eq3A_134, %broadcast_in_dim3A_87, %bitcast3A_133 : vector<32xi1>, vector<32xbf16>
      %bitcast3A_136 = vector.bitcast %select_n3A_135 : vector<32xbf16> to vector<16xi32>
      %swap3A_137 = arith.index_cast %scan3A_102 : i32 to index
      %swap3A_138 = arith.constant 48 : index
      %swap3A_139 = tpu.vector_load %arg6[%swap3A_137, %swap3A_138] {strides = array<i32>} : memref<320x256xi32, #tpu.memory_space<vmem>>, vector<16xi32>,
      tpu.vector_store %arg6[%swap3A_137, %swap3A_138], %bitcast3A_136 {strides = array<i32>} : memref<320x256xi32, #tpu.memory_space<vmem>>, vector<16xi32>,
      %get3A_140 = arith.index_cast %scan3A_102 : i32 to index
      %get3A_141 = arith.constant 64 : index
      %get3A_142 = tpu.vector_load %arg6[%get3A_140, %get3A_141] {strides = array<i32>} : memref<320x256xi32, #tpu.memory_space<vmem>>, vector<16xi32>,
      %bitcast3A_143 = vector.bitcast %get3A_142 : vector<16xi32> to vector<32xbf16>
      %eq3A_144 = arith.cmpf oeq, %bitcast3A_143, %broadcast_in_dim3A_89 : vector<32xbf16>
      %select_n3A_145 = arith.select %eq3A_144, %broadcast_in_dim3A_87, %bitcast3A_143 : vector<32xi1>, vector<32xbf16>
      %bitcast3A_146 = vector.bitcast %select_n3A_145 : vector<32xbf16> to vector<16xi32>
      %swap3A_147 = arith.index_cast %scan3A_102 : i32 to index
      %swap3A_148 = arith.constant 64 : index
      %swap3A_149 = tpu.vector_load %arg6[%swap3A_147, %swap3A_148] {strides = array<i32>} : memref<320x256xi32, #tpu.memory_space<vmem>>, vector<16xi32>,
      tpu.vector_store %arg6[%swap3A_147, %swap3A_148], %bitcast3A_146 {strides = array<i32>} : memref<320x256xi32, #tpu.memory_space<vmem>>, vector<16xi32>,
      %get3A_150 = arith.index_cast %scan3A_102 : i32 to index
      %get3A_151 = arith.constant 80 : index
      %get3A_152 = tpu.vector_load %arg6[%get3A_150, %get3A_151] {strides = array<i32>} : memref<320x256xi32, #tpu.memory_space<vmem>>, vector<16xi32>,
      %bitcast3A_153 = vector.bitcast %get3A_152 : vector<16xi32> to vector<32xbf16>
      %eq3A_154 = arith.cmpf oeq, %bitcast3A_153, %broadcast_in_dim3A_89 : vector<32xbf16>
      %select_n3A_155 = arith.select %eq3A_154, %broadcast_in_dim3A_87, %bitcast3A_153 : vector<32xi1>, vector<32xbf16>
      %bitcast3A_156 = vector.bitcast %select_n3A_155 : vector<32xbf16> to vector<16xi32>
      %swap3A_157 = arith.index_cast %scan3A_102 : i32 to index
      %swap3A_158 = arith.constant 80 : index
      %swap3A_159 = tpu.vector_load %arg6[%swap3A_157, %swap3A_158] {strides = array<i32>} : memref<320x256xi32, #tpu.memory_space<vmem>>, vector<16xi32>,
      tpu.vector_store %arg6[%swap3A_157, %swap3A_158], %bitcast3A_156 {strides = array<i32>} : memref<320x256xi32, #tpu.memory_space<vmem>>, vector<16xi32>,
      %get3A_160 = arith.index_cast %scan3A_102 : i32 to index
      %get3A_161 = arith.constant 96 : index
      %get3A_162 = tpu.vector_load %arg6[%get3A_160, %get3A_161] {strides = array<i32>} : memref<320x256xi32, #tpu.memory_space<vmem>>, vector<16xi32>,
      %bitcast3A_163 = vector.bitcast %get3A_162 : vector<16xi32> to vector<32xbf16>
      %eq3A_164 = arith.cmpf oeq, %bitcast3A_163, %broadcast_in_dim3A_89 : vector<32xbf16>
      %select_n3A_165 = arith.select %eq3A_164, %broadcast_in_dim3A_87, %bitcast3A_163 : vector<32xi1>, vector<32xbf16>
      %bitcast3A_166 = vector.bitcast %select_n3A_165 : vector<32xbf16> to vector<16xi32>
      %swap3A_167 = arith.index_cast %scan3A_102 : i32 to index
      %swap3A_168 = arith.constant 96 : index
      %swap3A_169 = tpu.vector_load %arg6[%swap3A_167, %swap3A_168] {strides = array<i32>} : memref<320x256xi32, #tpu.memory_space<vmem>>, vector<16xi32>,
      tpu.vector_store %arg6[%swap3A_167, %swap3A_168], %bitcast3A_166 {strides = array<i32>} : memref<320x256xi32, #tpu.memory_space<vmem>>, vector<16xi32>,
      %get3A_170 = arith.index_cast %scan3A_102 : i32 to index
      %get3A_171 = arith.constant 112 : index
      %get3A_172 = tpu.vector_load %arg6[%get3A_170, %get3A_171] {strides = array<i32>} : memref<320x256xi32, #tpu.memory_space<vmem>>, vector<16xi32>,
      %bitcast3A_173 = vector.bitcast %get3A_172 : vector<16xi32> to vector<32xbf16>
      %eq3A_174 = arith.cmpf oeq, %bitcast3A_173, %broadcast_in_dim3A_89 : vector<32xbf16>
      %select_n3A_175 = arith.select %eq3A_174, %broadcast_in_dim3A_87, %bitcast3A_173 : vector<32xi1>, vector<32xbf16>
      %bitcast3A_176 = vector.bitcast %select_n3A_175 : vector<32xbf16> to vector<16xi32>
      %swap3A_177 = arith.index_cast %scan3A_102 : i32 to index
      %swap3A_178 = arith.constant 112 : index
      %swap3A_179 = tpu.vector_load %arg6[%swap3A_177, %swap3A_178] {strides = array<i32>} : memref<320x256xi32, #tpu.memory_space<vmem>>, vector<16xi32>,
      tpu.vector_store %arg6[%swap3A_177, %swap3A_178], %bitcast3A_176 {strides = array<i32>} : memref<320x256xi32, #tpu.memory_space<vmem>>, vector<16xi32>,
      %get3A_180 = arith.index_cast %scan3A_102 : i32 to index
      %get3A_181 = arith.constant 128 : index
      %get3A_182 = tpu.vector_load %arg6[%get3A_180, %get3A_181] {strides = array<i32>} : memref<320x256xi32, #tpu.memory_space<vmem>>, vector<16xi32>,
      %bitcast3A_183 = vector.bitcast %get3A_182 : vector<16xi32> to vector<32xbf16>
      %eq3A_184 = arith.cmpf oeq, %bitcast3A_183, %broadcast_in_dim3A_89 : vector<32xbf16>
      %select_n3A_185 = arith.select %eq3A_184, %broadcast_in_dim3A_87, %bitcast3A_183 : vector<32xi1>, vector<32xbf16>
      %bitcast3A_186 = vector.bitcast %select_n3A_185 : vector<32xbf16> to vector<16xi32>
      %swap3A_187 = arith.index_cast %scan3A_102 : i32 to index
      %swap3A_188 = arith.constant 128 : index
      %swap3A_189 = tpu.vector_load %arg6[%swap3A_187, %swap3A_188] {strides = array<i32>} : memref<320x256xi32, #tpu.memory_space<vmem>>, vector<16xi32>,
      tpu.vector_store %arg6[%swap3A_187, %swap3A_188], %bitcast3A_186 {strides = array<i32>} : memref<320x256xi32, #tpu.memory_space<vmem>>, vector<16xi32>,
      %get3A_190 = arith.index_cast %scan3A_102 : i32 to index
      %get3A_191 = arith.constant 144 : index
      %get3A_192 = tpu.vector_load %arg6[%get3A_190, %get3A_191] {strides = array<i32>} : memref<320x256xi32, #tpu.memory_space<vmem>>, vector<16xi32>,
      %bitcast3A_193 = vector.bitcast %get3A_192 : vector<16xi32> to vector<32xbf16>
      %eq3A_194 = arith.cmpf oeq, %bitcast3A_193, %broadcast_in_dim3A_89 : vector<32xbf16>
      %select_n3A_195 = arith.select %eq3A_194, %broadcast_in_dim3A_87, %bitcast3A_193 : vector<32xi1>, vector<32xbf16>
      %bitcast3A_196 = vector.bitcast %select_n3A_195 : vector<32xbf16> to vector<16xi32>
      %swap3A_197 = arith.index_cast %scan3A_102 : i32 to index
      %swap3A_198 = arith.constant 144 : index
      %swap3A_199 = tpu.vector_load %arg6[%swap3A_197, %swap3A_198] {strides = array<i32>} : memref<320x256xi32, #tpu.memory_space<vmem>>, vector<16xi32>,
      tpu.vector_store %arg6[%swap3A_197, %swap3A_198], %bitcast3A_196 {strides = array<i32>} : memref<320x256xi32, #tpu.memory_space<vmem>>, vector<16xi32>,
      %get3A_200 = arith.index_cast %scan3A_102 : i32 to index
      %get3A_201 = arith.constant 160 : index
      %get3A_202 = tpu.vector_load %arg6[%get3A_200, %get3A_201] {strides = array<i32>} : memref<320x256xi32, #tpu.memory_space<vmem>>, vector<16xi32>,
      %bitcast3A_203 = vector.bitcast %get3A_202 : vector<16xi32> to vector<32xbf16>
      %eq3A_204 = arith.cmpf oeq, %bitcast3A_203, %broadcast_in_dim3A_89 : vector<32xbf16>
      %select_n3A_205 = arith.select %eq3A_204, %broadcast_in_dim3A_87, %bitcast3A_203 : vector<32xi1>, vector<32xbf16>
      %bitcast3A_206 = vector.bitcast %select_n3A_205 : vector<32xbf16> to vector<16xi32>
      %swap3A_207 = arith.index_cast %scan3A_102 : i32 to index
      %swap3A_208 = arith.constant 160 : index
      %swap3A_209 = tpu.vector_load %arg6[%swap3A_207, %swap3A_208] {strides = array<i32>} : memref<320x256xi32, #tpu.memory_space<vmem>>, vector<16xi32>,
      tpu.vector_store %arg6[%swap3A_207, %swap3A_208], %bitcast3A_206 {strides = array<i32>} : memref<320x256xi32, #tpu.memory_space<vmem>>, vector<16xi32>,
      %get3A_210 = arith.index_cast %scan3A_102 : i32 to index
      %get3A_211 = arith.constant 176 : index
      %get3A_212 = tpu.vector_load %arg6[%get3A_210, %get3A_211] {strides = array<i32>} : memref<320x256xi32, #tpu.memory_space<vmem>>, vector<16xi32>,
      %bitcast3A_213 = vector.bitcast %get3A_212 : vector<16xi32> to vector<32xbf16>
      %eq3A_214 = arith.cmpf oeq, %bitcast3A_213, %broadcast_in_dim3A_89 : vector<32xbf16>
      %select_n3A_215 = arith.select %eq3A_214, %broadcast_in_dim3A_87, %bitcast3A_213 : vector<32xi1>, vector<32xbf16>
      %bitcast3A_216 = vector.bitcast %select_n3A_215 : vector<32xbf16> to vector<16xi32>
      %swap3A_217 = arith.index_cast %scan3A_102 : i32 to index
      %swap3A_218 = arith.constant 176 : index
      %swap3A_219 = tpu.vector_load %arg6[%swap3A_217, %swap3A_218] {strides = array<i32>} : memref<320x256xi32, #tpu.memory_space<vmem>>, vector<16xi32>,
      tpu.vector_store %arg6[%swap3A_217, %swap3A_218], %bitcast3A_216 {strides = array<i32>} : memref<320x256xi32, #tpu.memory_space<vmem>>, vector<16xi32>,
      %get3A_220 = arith.index_cast %scan3A_102 : i32 to index
      %get3A_221 = arith.constant 192 : index
      %get3A_222 = tpu.vector_load %arg6[%get3A_220, %get3A_221] {strides = array<i32>} : memref<320x256xi32, #tpu.memory_space<vmem>>, vector<16xi32>,
      %bitcast3A_223 = vector.bitcast %get3A_222 : vector<16xi32> to vector<32xbf16>
      %eq3A_224 = arith.cmpf oeq, %bitcast3A_223, %broadcast_in_dim3A_89 : vector<32xbf16>
      %select_n3A_225 = arith.select %eq3A_224, %broadcast_in_dim3A_87, %bitcast3A_223 : vector<32xi1>, vector<32xbf16>
      %bitcast3A_226 = vector.bitcast %select_n3A_225 : vector<32xbf16> to vector<16xi32>
      %swap3A_227 = arith.index_cast %scan3A_102 : i32 to index
      %swap3A_228 = arith.constant 192 : index
      %swap3A_229 = tpu.vector_load %arg6[%swap3A_227, %swap3A_228] {strides = array<i32>} : memref<320x256xi32, #tpu.memory_space<vmem>>, vector<16xi32>,
      tpu.vector_store %arg6[%swap3A_227, %swap3A_228], %bitcast3A_226 {strides = array<i32>} : memref<320x256xi32, #tpu.memory_space<vmem>>, vector<16xi32>,
      %get3A_230 = arith.index_cast %scan3A_102 : i32 to index
      %get3A_231 = arith.constant 208 : index
      %get3A_232 = tpu.vector_load %arg6[%get3A_230, %get3A_231] {strides = array<i32>} : memref<320x256xi32, #tpu.memory_space<vmem>>, vector<16xi32>,
      %bitcast3A_233 = vector.bitcast %get3A_232 : vector<16xi32> to vector<32xbf16>
      %eq3A_234 = arith.cmpf oeq, %bitcast3A_233, %broadcast_in_dim3A_89 : vector<32xbf16>
      %select_n3A_235 = arith.select %eq3A_234, %broadcast_in_dim3A_87, %bitcast3A_233 : vector<32xi1>, vector<32xbf16>
      %bitcast3A_236 = vector.bitcast %select_n3A_235 : vector<32xbf16> to vector<16xi32>
      %swap3A_237 = arith.index_cast %scan3A_102 : i32 to index
      %swap3A_238 = arith.constant 208 : index
      %swap3A_239 = tpu.vector_load %arg6[%swap3A_237, %swap3A_238] {strides = array<i32>} : memref<320x256xi32, #tpu.memory_space<vmem>>, vector<16xi32>,
      tpu.vector_store %arg6[%swap3A_237, %swap3A_238], %bitcast3A_236 {strides = array<i32>} : memref<320x256xi32, #tpu.memory_space<vmem>>, vector<16xi32>,
      %get3A_240 = arith.index_cast %scan3A_102 : i32 to index
      %get3A_241 = arith.constant 224 : index
      %get3A_242 = tpu.vector_load %arg6[%get3A_240, %get3A_241] {strides = array<i32>} : memref<320x256xi32, #tpu.memory_space<vmem>>, vector<16xi32>,
      %bitcast3A_243 = vector.bitcast %get3A_242 : vector<16xi32> to vector<32xbf16>
      %eq3A_244 = arith.cmpf oeq, %bitcast3A_243, %broadcast_in_dim3A_89 : vector<32xbf16>
      %select_n3A_245 = arith.select %eq3A_244, %broadcast_in_dim3A_87, %bitcast3A_243 : vector<32xi1>, vector<32xbf16>
      %bitcast3A_246 = vector.bitcast %select_n3A_245 : vector<32xbf16> to vector<16xi32>
      %swap3A_247 = arith.index_cast %scan3A_102 : i32 to index
      %swap3A_248 = arith.constant 224 : index
      %swap3A_249 = tpu.vector_load %arg6[%swap3A_247, %swap3A_248] {strides = array<i32>} : memref<320x256xi32, #tpu.memory_space<vmem>>, vector<16xi32>,
      tpu.vector_store %arg6[%swap3A_247, %swap3A_248], %bitcast3A_246 {strides = array<i32>} : memref<320x256xi32, #tpu.memory_space<vmem>>, vector<16xi32>,
      %get3A_250 = arith.index_cast %scan3A_102 : i32 to index
      %get3A_251 = arith.constant 240 : index
      %get3A_252 = tpu.vector_load %arg6[%get3A_250, %get3A_251] {strides = array<i32>} : memref<320x256xi32, #tpu.memory_space<vmem>>, vector<16xi32>,
      %bitcast3A_253 = vector.bitcast %get3A_252 : vector<16xi32> to vector<32xbf16>
      %eq3A_254 = arith.cmpf oeq, %bitcast3A_253, %broadcast_in_dim3A_89 : vector<32xbf16>
      %select_n3A_255 = arith.select %eq3A_254, %broadcast_in_dim3A_87, %bitcast3A_253 : vector<32xi1>, vector<32xbf16>
      %bitcast3A_256 = vector.bitcast %select_n3A_255 : vector<32xbf16> to vector<16xi32>
      %swap3A_257 = arith.index_cast %scan3A_102 : i32 to index
      %swap3A_258 = arith.constant 240 : index
      %swap3A_259 = tpu.vector_load %arg6[%swap3A_257, %swap3A_258] {strides = array<i32>} : memref<320x256xi32, #tpu.memory_space<vmem>>, vector<16xi32>,
      tpu.vector_store %arg6[%swap3A_257, %swap3A_258], %bitcast3A_256 {strides = array<i32>} : memref<320x256xi32, #tpu.memory_space<vmem>>, vector<16xi32>,
    }
    %scan3A_95 = arith.constant 320 : i32
    %lt3A = arith.constant 31 : i32
    %lt3A_96 = arith.cmpi slt, %add3A, %lt3A : i32
    %convert_element_type3A = arith.extui %lt3A_96 : i1 to i32
    %cond3A = arith.constant 0 : i32
    %cond3A_97 = arith.cmpi ne, %convert_element_type3A, %cond3A : i32
    scf.if %cond3A_97 {
      "tpu.region"() ({
        %run_scoped3A = tpu.sem_alloc : memref<!tpu.dma_semaphore, #tpu.memory_space<semaphore_mem>>
        %dma_start3A = arith.constant 0 : i32
        %dma_start3A_102 = arith.constant 0 : i32
        %dma_start3A_103 = tpu.memref_slice %arg6[%dma_start3A, %dma_start3A_102] : memref<320x256xi32, #tpu.memory_space<vmem>> -> memref<320x256xi32, #tpu.memory_space<vmem>>
        %dma_start3A_104 = arith.constant 0 : i32
        %dma_start3A_105 = tpu.memref_slice %arg5[%mul3A_2, %dma_start3A_104] : memref<10000x256xi32, #tpu.memory_space<hbm>> -> memref<320x256xi32, #tpu.memory_space<hbm>>
        %dma_start3A_106 = arith.constant 0 : i32
        %dma_start3A_107 = tpu.memref_slice %arg5[%mul3A_2, %dma_start3A_106] : memref<10000x256xi32, #tpu.memory_space<hbm>> -> memref<320x256xi32, #tpu.memory_space<hbm>>
        %dma_start3A_108 = arith.constant 0 : i32
        %dma_start3A_109 = arith.constant 0 : i32
        %dma_start3A_110 = tpu.memref_slice %arg6[%dma_start3A_108, %dma_start3A_109] : memref<320x256xi32, #tpu.memory_space<vmem>> -> memref<320x256xi32, #tpu.memory_space<vmem>>
        tpu.enqueue_dma source(%dma_start3A_110 : memref<320x256xi32, #tpu.memory_space<vmem>>) target(%dma_start3A_107 : memref<320x256xi32, #tpu.memory_space<hbm>>) target_semaphore(%run_scoped3A : memref<!tpu.dma_semaphore, #tpu.memory_space<semaphore_mem>>)
        %dma_wait3A = arith.constant 0 : i32
        %dma_wait3A_111 = arith.constant 0 : i32
        %dma_wait3A_112 = tpu.memref_slice %arg6[%dma_wait3A, %dma_wait3A_111] : memref<320x256xi32, #tpu.memory_space<vmem>> -> memref<320x256xi32, #tpu.memory_space<vmem>>
        %dma_wait3A_113 = arith.constant 0 : i32
        %dma_wait3A_114 = tpu.memref_slice %arg5[%mul3A_2, %dma_wait3A_113] : memref<10000x256xi32, #tpu.memory_space<hbm>> -> memref<320x256xi32, #tpu.memory_space<hbm>>
        %dma_wait3A_115 = arith.constant 0 : i32
        %dma_wait3A_116 = tpu.memref_slice %arg5[%mul3A_2, %dma_wait3A_115] : memref<10000x256xi32, #tpu.memory_space<hbm>> -> memref<320x256xi32, #tpu.memory_space<hbm>>
        %dma_wait3A_117 = arith.constant 0 : i32
        %dma_wait3A_118 = arith.constant 0 : i32
        %dma_wait3A_119 = tpu.memref_slice %arg6[%dma_wait3A_117, %dma_wait3A_118] : memref<320x256xi32, #tpu.memory_space<vmem>> -> memref<320x256xi32, #tpu.memory_space<vmem>>
        tpu.wait_dma2 semaphore(%run_scoped3A : memref<!tpu.dma_semaphore, #tpu.memory_space<semaphore_mem>>) src(%dma_wait3A_119 : memref<320x256xi32, #tpu.memory_space<vmem>>) dst(%dma_wait3A_116 : memref<320x256xi32, #tpu.memory_space<hbm>>)
        tpu.yield
      }) : () -> ()
    } else {
    }
    %eq3A = arith.constant 31 : i32
    %eq3A_98 = arith.cmpi eq, %add3A, %eq3A : i32
    %convert_element_type3A_99 = arith.extui %eq3A_98 : i1 to i32
    %cond3A_100 = arith.constant 0 : i32
    %cond3A_101 = arith.cmpi ne, %convert_element_type3A_99, %cond3A_100 : i32
    scf.if %cond3A_101 {
      "tpu.region"() ({
        %run_scoped3A = tpu.sem_alloc : memref<!tpu.dma_semaphore, #tpu.memory_space<semaphore_mem>>
        %dma_start3A = arith.constant 0 : i32
        %dma_start3A_102 = arith.constant 0 : i32
        %dma_start3A_103 = tpu.memref_slice %arg6[%dma_start3A, %dma_start3A_102] : memref<320x256xi32, #tpu.memory_space<vmem>> -> memref<80x256xi32, #tpu.memory_space<vmem>>
        %dma_start3A_104 = arith.constant 0 : i32
        %dma_start3A_105 = tpu.memref_slice %arg5[%mul3A_2, %dma_start3A_104] : memref<10000x256xi32, #tpu.memory_space<hbm>> -> memref<80x256xi32, #tpu.memory_space<hbm>>
        %dma_start3A_106 = arith.constant 0 : i32
        %dma_start3A_107 = tpu.memref_slice %arg5[%mul3A_2, %dma_start3A_106] : memref<10000x256xi32, #tpu.memory_space<hbm>> -> memref<80x256xi32, #tpu.memory_space<hbm>>
        %dma_start3A_108 = arith.constant 0 : i32
        %dma_start3A_109 = arith.constant 0 : i32
        %dma_start3A_110 = tpu.memref_slice %arg6[%dma_start3A_108, %dma_start3A_109] : memref<320x256xi32, #tpu.memory_space<vmem>> -> memref<80x256xi32, #tpu.memory_space<vmem>>
        tpu.enqueue_dma source(%dma_start3A_110 : memref<80x256xi32, #tpu.memory_space<vmem>>) target(%dma_start3A_107 : memref<80x256xi32, #tpu.memory_space<hbm>>) target_semaphore(%run_scoped3A : memref<!tpu.dma_semaphore, #tpu.memory_space<semaphore_mem>>)
        %dma_wait3A = arith.constant 0 : i32
        %dma_wait3A_111 = arith.constant 0 : i32
        %dma_wait3A_112 = tpu.memref_slice %arg6[%dma_wait3A, %dma_wait3A_111] : memref<320x256xi32, #tpu.memory_space<vmem>> -> memref<80x256xi32, #tpu.memory_space<vmem>>
        %dma_wait3A_113 = arith.constant 0 : i32
        %dma_wait3A_114 = tpu.memref_slice %arg5[%mul3A_2, %dma_wait3A_113] : memref<10000x256xi32, #tpu.memory_space<hbm>> -> memref<80x256xi32, #tpu.memory_space<hbm>>
        %dma_wait3A_115 = arith.constant 0 : i32
        %dma_wait3A_116 = tpu.memref_slice %arg5[%mul3A_2, %dma_wait3A_115] : memref<10000x256xi32, #tpu.memory_space<hbm>> -> memref<80x256xi32, #tpu.memory_space<hbm>>
        %dma_wait3A_117 = arith.constant 0 : i32
        %dma_wait3A_118 = arith.constant 0 : i32
        %dma_wait3A_119 = tpu.memref_slice %arg6[%dma_wait3A_117, %dma_wait3A_118] : memref<320x256xi32, #tpu.memory_space<vmem>> -> memref<80x256xi32, #tpu.memory_space<vmem>>
        tpu.wait_dma2 semaphore(%run_scoped3A : memref<!tpu.dma_semaphore, #tpu.memory_space<semaphore_mem>>) src(%dma_wait3A_119 : memref<80x256xi32, #tpu.memory_space<vmem>>) dst(%dma_wait3A_116 : memref<80x256xi32, #tpu.memory_space<hbm>>)
        tpu.yield
      }) : () -> ()
    } else {
    }
    return
  }
}

module attributes {stable_mosaic.version = 14 : i64} {
  func.func @_pre_kernel(%arg0: i32, %arg1: memref<2000x256xf32, #tpu.memory_space<vmem>>, %arg2: memref<512x256xf32, #tpu.memory_space<vmem>>, %arg3: memref<2048x512xf32, #tpu.memory_space<vmem>>, %arg4: memref<512x256xf32, #tpu.memory_space<vmem>>, %arg5: memref<2000x512xbf16, #tpu.memory_space<vmem>>, %arg6: memref<2048x256xf32, #tpu.memory_space<vmem>>) attributes {dimension_semantics = [#tpu.dimension_semantics<arbitrary>], iteration_bounds = array<i64: 5>, scalar_prefetch = 0 : i64, scratch_operands = 0 : i64, tpu.core_type = #tpu.core_type<tc>, window_params = [{transform_indices = @transform_0, window_bounds = array<i64: 2000, 256>}, {pipeline_mode = #tpu.pipeline_mode<synchronous>, transform_indices = @transform_1, window_bounds = array<i64: 512, 256>}, {pipeline_mode = #tpu.pipeline_mode<synchronous>, transform_indices = @transform_2, window_bounds = array<i64: 2048, 512>}, {pipeline_mode = #tpu.pipeline_mode<synchronous>, transform_indices = @transform_3, window_bounds = array<i64: 512, 256>}, {transform_indices = @transform_4, window_bounds = array<i64: 2000, 512>}, {pipeline_mode = #tpu.pipeline_mode<synchronous>, transform_indices = @transform_5, window_bounds = array<i64: 2048, 256>}]} {
    %get3A = arith.constant 0 : index
    %get3A_0 = arith.constant 0 : index
    %get3A_1 = vector.load %arg1[%get3A, %get3A_0] : memref<2000x256xf32, #tpu.memory_space<vmem>>, vector<2000x256xf32>
    %get3A_2 = arith.constant 0 : index
    %get3A_3 = arith.constant 0 : index
    %get3A_4 = vector.load %arg2[%get3A_2, %get3A_3] : memref<512x256xf32, #tpu.memory_space<vmem>>, vector<512x256xf32>
    %dot_general3A = arith.constant dense<0.000000e+00> : vector<2000x512xf32>
    %dot_general3A_5 = tpu.matmul %get3A_1, %get3A_4, %dot_general3A {dimension_numbers = #tpu.dot_dimension_numbers<[1], [1], [0], [0], [0, 0, 1, 0], [], []>, transpose_lhs_hint = false} : vector<2000x256xf32>, vector<512x256xf32>, vector<2000x512xf32> -> vector<2000x512xf32>
    %convert_element_type3A = arith.truncf %dot_general3A_5 : vector<2000x512xf32> to vector<2000x512xbf16>
    %swap3A = arith.constant 0 : index
    %swap3A_6 = arith.constant 0 : index
    %swap3A_7 = vector.load %arg5[%swap3A, %swap3A_6] : memref<2000x512xbf16, #tpu.memory_space<vmem>>, vector<2000x512xbf16>
    tpu.vector_store %arg5[%swap3A, %swap3A_6], %convert_element_type3A {strides = array<i32>} : memref<2000x512xbf16, #tpu.memory_space<vmem>>, vector<2000x512xbf16>,
    %eq3A = arith.constant 0 : i32
    %eq3A_8 = arith.cmpi eq, %arg0, %eq3A : i32
    %convert_element_type3A_9 = arith.extui %eq3A_8 : i1 to i32
    %cond3A = arith.constant 0 : i32
    %cond3A_10 = arith.cmpi ne, %convert_element_type3A_9, %cond3A : i32
    scf.if %cond3A_10 {
      %get3A_11 = arith.constant 0 : index
      %get3A_12 = arith.constant 0 : index
      %get3A_13 = vector.load %arg3[%get3A_11, %get3A_12] : memref<2048x512xf32, #tpu.memory_space<vmem>>, vector<2048x512xf32>
      %get3A_14 = arith.constant 0 : index
      %get3A_15 = arith.constant 0 : index
      %get3A_16 = vector.load %arg4[%get3A_14, %get3A_15] : memref<512x256xf32, #tpu.memory_space<vmem>>, vector<512x256xf32>
      %dot_general3A_17 = arith.constant dense<0.000000e+00> : vector<2048x256xf32>
      %dot_general3A_18 = tpu.matmul %get3A_13, %get3A_16, %dot_general3A_17 {dimension_numbers = #tpu.dot_dimension_numbers<[1], [0], [0], [1], [0, 0, 1, 1], [], []>, transpose_lhs_hint = false} : vector<2048x512xf32>, vector<512x256xf32>, vector<2048x256xf32> -> vector<2048x256xf32>
      %swap3A_19 = arith.constant 0 : index
      %swap3A_20 = arith.constant 0 : index
      %swap3A_21 = vector.load %arg6[%swap3A_19, %swap3A_20] : memref<2048x256xf32, #tpu.memory_space<vmem>>, vector<2048x256xf32>
      tpu.vector_store %arg6[%swap3A_19, %swap3A_20], %dot_general3A_18 {strides = array<i32>} : memref<2048x256xf32, #tpu.memory_space<vmem>>, vector<2048x256xf32>,
    } else {
    }
    return
  }
  func.func @transform_0(%arg0: i32) -> (i32, i32) {
    %c0_i32 = arith.constant 0 : i32
    %c0_i32_0 = arith.constant 0 : i32
    return %arg0, %c0_i32 : i32, i32
  }
  func.func @transform_1(%arg0: i32) -> (i32, i32) {
    %c0_i32 = arith.constant 0 : i32
    %c0_i32_0 = arith.constant 0 : i32
    %c0_i32_1 = arith.constant 0 : i32
    return %c0_i32, %c0_i32_0 : i32, i32
  }
  func.func @transform_2(%arg0: i32) -> (i32, i32) {
    %c0_i32 = arith.constant 0 : i32
    %c0_i32_0 = arith.constant 0 : i32
    %c0_i32_1 = arith.constant 0 : i32
    return %c0_i32, %c0_i32_0 : i32, i32
  }
  func.func @transform_3(%arg0: i32) -> (i32, i32) {
    %c0_i32 = arith.constant 0 : i32
    %c0_i32_0 = arith.constant 0 : i32
    %c0_i32_1 = arith.constant 0 : i32
    return %c0_i32, %c0_i32_0 : i32, i32
  }
  func.func @transform_4(%arg0: i32) -> (i32, i32) {
    %c0_i32 = arith.constant 0 : i32
    %c0_i32_0 = arith.constant 0 : i32
    return %arg0, %c0_i32 : i32, i32
  }
  func.func @transform_5(%arg0: i32) -> (i32, i32) {
    %c0_i32 = arith.constant 0 : i32
    %c0_i32_0 = arith.constant 0 : i32
    %c0_i32_1 = arith.constant 0 : i32
    return %c0_i32, %c0_i32_0 : i32, i32
  }
}

module attributes {stable_mosaic.version = 14 : i64} {
  func.func @_post_kernel(%arg0: i32, %arg1: memref<1000x256xf32, #tpu.memory_space<vmem>>, %arg2: memref<1000x512xf32, #tpu.memory_space<vmem>>, %arg3: memref<2048x256xf32, #tpu.memory_space<vmem>>, %arg4: memref<2048x512xf32, #tpu.memory_space<vmem>>, %arg5: memref<1x2048xf32, #tpu.memory_space<vmem>>, %arg6: memref<1x2048xf32, #tpu.memory_space<vmem>>, %arg7: memref<1000x512xf32, #tpu.memory_space<vmem>>) attributes {dimension_semantics = [#tpu.dimension_semantics<arbitrary>], iteration_bounds = array<i64: 10>, scalar_prefetch = 0 : i64, scratch_operands = 0 : i64, tpu.core_type = #tpu.core_type<tc>, window_params = [{transform_indices = @transform_0, window_bounds = array<i64: 1000, 256>}, {transform_indices = @transform_1, window_bounds = array<i64: 1000, 512>}, {pipeline_mode = #tpu.pipeline_mode<synchronous>, transform_indices = @transform_2, window_bounds = array<i64: 2048, 256>}, {pipeline_mode = #tpu.pipeline_mode<synchronous>, transform_indices = @transform_3, window_bounds = array<i64: 2048, 512>}, {pipeline_mode = #tpu.pipeline_mode<synchronous>, transform_indices = @transform_4, window_bounds = array<i64: 1, 2048>}, {pipeline_mode = #tpu.pipeline_mode<synchronous>, transform_indices = @transform_5, window_bounds = array<i64: 1, 2048>}, {transform_indices = @transform_6, window_bounds = array<i64: 1000, 512>}]} {
    %get3A = arith.constant 0 : index
    %get3A_0 = arith.constant 0 : index
    %get3A_1 = vector.load %arg2[%get3A, %get3A_0] : memref<1000x512xf32, #tpu.memory_space<vmem>>, vector<1000x512xf32>
    %get3A_2 = arith.constant 0 : index
    %get3A_3 = arith.constant 0 : index
    %get3A_4 = vector.load %arg1[%get3A_2, %get3A_3] : memref<1000x256xf32, #tpu.memory_space<vmem>>, vector<1000x256xf32>
    %get3A_5 = arith.constant 0 : index
    %get3A_6 = arith.constant 0 : index
    %get3A_7 = vector.load %arg3[%get3A_5, %get3A_6] : memref<2048x256xf32, #tpu.memory_space<vmem>>, vector<2048x256xf32>
    %dot_general3A = arith.constant dense<0.000000e+00> : vector<1000x2048xf32>
    %dot_general3A_8 = tpu.matmul %get3A_4, %get3A_7, %dot_general3A {dimension_numbers = #tpu.dot_dimension_numbers<[1], [1], [0], [0], [0, 0, 1, 0], [], []>, transpose_lhs_hint = false} : vector<1000x256xf32>, vector<2048x256xf32>, vector<1000x2048xf32> -> vector<1000x2048xf32>
    %get3A_9 = arith.constant 0 : index
    %get3A_10 = arith.constant 0 : index
    %get3A_11 = vector.load %arg4[%get3A_9, %get3A_10] : memref<2048x512xf32, #tpu.memory_space<vmem>>, vector<2048x512xf32>
    %dot_general3A_12 = arith.constant dense<0.000000e+00> : vector<1000x2048xf32>
    %dot_general3A_13 = tpu.matmul %get3A_1, %get3A_11, %dot_general3A_12 {dimension_numbers = #tpu.dot_dimension_numbers<[1], [1], [0], [0], [0, 0, 1, 0], [], []>, transpose_lhs_hint = false} : vector<1000x512xf32>, vector<2048x512xf32>, vector<1000x2048xf32> -> vector<1000x2048xf32>
    %add3A = arith.addf %dot_general3A_8, %dot_general3A_13 : vector<1000x2048xf32>
    %get3A_14 = arith.constant 0 : index
    %get3A_15 = arith.constant 0 : index
    %get3A_16 = vector.load %arg5[%get3A_14, %get3A_15] : memref<1x2048xf32, #tpu.memory_space<vmem>>, vector<1x2048xf32>
    %get3A_17 = arith.constant 0 : index
    %get3A_18 = arith.constant 0 : index
    %get3A_19 = vector.load %arg6[%get3A_17, %get3A_18] : memref<1x2048xf32, #tpu.memory_space<vmem>>, vector<1x2048xf32>
    %add3A_20 = arith.addf %get3A_16, %get3A_19 : vector<1x2048xf32>
    %add3A_21 = vector.broadcast %add3A_20 : vector<1x2048xf32> to vector<1000x2048xf32>
    %add3A_22 = arith.addf %add3A, %add3A_21 : vector<1000x2048xf32>
    %slice3A = vector.extract_strided_slice %add3A_22 {offsets = [0, 0], sizes = [1000, 512], strides = [1, 1]} : vector<1000x2048xf32> to vector<1000x512xf32>
    %logistic3A = arith.negf %slice3A : vector<1000x512xf32>
    %logistic3A_23 = math.exp %logistic3A : vector<1000x512xf32>
    %logistic3A_24 = arith.constant 1.000000e+00 : f32
    %logistic3A_25 = vector.broadcast %logistic3A_24 : f32 to vector<1000x512xf32>
    %logistic3A_26 = arith.addf %logistic3A_25, %logistic3A_23 : vector<1000x512xf32>
    %logistic3A_27 = arith.divf %logistic3A_25, %logistic3A_26 : vector<1000x512xf32>
    %slice3A_28 = vector.extract_strided_slice %add3A_22 {offsets = [0, 512], sizes = [1000, 512], strides = [1, 1]} : vector<1000x2048xf32> to vector<1000x512xf32>
    %logistic3A_29 = arith.negf %slice3A_28 : vector<1000x512xf32>
    %logistic3A_30 = math.exp %logistic3A_29 : vector<1000x512xf32>
    %logistic3A_31 = arith.constant 1.000000e+00 : f32
    %logistic3A_32 = vector.broadcast %logistic3A_31 : f32 to vector<1000x512xf32>
    %logistic3A_33 = arith.addf %logistic3A_32, %logistic3A_30 : vector<1000x512xf32>
    %logistic3A_34 = arith.divf %logistic3A_32, %logistic3A_33 : vector<1000x512xf32>
    %slice3A_35 = vector.extract_strided_slice %add3A_22 {offsets = [0, 1024], sizes = [1000, 512], strides = [1, 1]} : vector<1000x2048xf32> to vector<1000x512xf32>
    %tanh3A = math.tanh %slice3A_35 : vector<1000x512xf32>
    %slice3A_36 = vector.extract_strided_slice %add3A_22 {offsets = [0, 1536], sizes = [1000, 512], strides = [1, 1]} : vector<1000x2048xf32> to vector<1000x512xf32>
    %logistic3A_37 = arith.negf %slice3A_36 : vector<1000x512xf32>
    %logistic3A_38 = math.exp %logistic3A_37 : vector<1000x512xf32>
    %logistic3A_39 = arith.constant 1.000000e+00 : f32
    %logistic3A_40 = vector.broadcast %logistic3A_39 : f32 to vector<1000x512xf32>
    %logistic3A_41 = arith.addf %logistic3A_40, %logistic3A_38 : vector<1000x512xf32>
    %logistic3A_42 = arith.divf %logistic3A_40, %logistic3A_41 : vector<1000x512xf32>
    %mul3A = arith.mulf %logistic3A_34, %get3A_1 : vector<1000x512xf32>
    %mul3A_43 = arith.mulf %logistic3A_27, %tanh3A : vector<1000x512xf32>
    %add3A_44 = arith.addf %mul3A, %mul3A_43 : vector<1000x512xf32>
    %tanh3A_45 = math.tanh %add3A_44 : vector<1000x512xf32>
    %mul3A_46 = arith.mulf %logistic3A_42, %tanh3A_45 : vector<1000x512xf32>
    %max3A = arith.constant 0.000000e+00 : f32
    %max3A_47 = vector.broadcast %max3A : f32 to vector<1000x512xf32>
    %max3A_48 = arith.maximumf %mul3A_46, %max3A_47 : vector<1000x512xf32>
    %swap3A = arith.constant 0 : index
    %swap3A_49 = arith.constant 0 : index
    %swap3A_50 = vector.load %arg7[%swap3A, %swap3A_49] : memref<1000x512xf32, #tpu.memory_space<vmem>>, vector<1000x512xf32>
    tpu.vector_store %arg7[%swap3A, %swap3A_49], %max3A_48 {strides = array<i32>} : memref<1000x512xf32, #tpu.memory_space<vmem>>, vector<1000x512xf32>,
    return
  }
  func.func @transform_0(%arg0: i32) -> (i32, i32) {
    %c0_i32 = arith.constant 0 : i32
    %c0_i32_0 = arith.constant 0 : i32
    return %arg0, %c0_i32 : i32, i32
  }
  func.func @transform_1(%arg0: i32) -> (i32, i32) {
    %c0_i32 = arith.constant 0 : i32
    %c0_i32_0 = arith.constant 0 : i32
    return %arg0, %c0_i32 : i32, i32
  }
  func.func @transform_2(%arg0: i32) -> (i32, i32) {
    %c0_i32 = arith.constant 0 : i32
    %c0_i32_0 = arith.constant 0 : i32
    %c0_i32_1 = arith.constant 0 : i32
    return %c0_i32, %c0_i32_0 : i32, i32
  }
  func.func @transform_3(%arg0: i32) -> (i32, i32) {
    %c0_i32 = arith.constant 0 : i32
    %c0_i32_0 = arith.constant 0 : i32
    %c0_i32_1 = arith.constant 0 : i32
    return %c0_i32, %c0_i32_0 : i32, i32
  }
  func.func @transform_4(%arg0: i32) -> (i32, i32) {
    %c0_i32 = arith.constant 0 : i32
    %c0_i32_0 = arith.constant 0 : i32
    %c0_i32_1 = arith.constant 0 : i32
    return %c0_i32, %c0_i32_0 : i32, i32
  }
  func.func @transform_5(%arg0: i32) -> (i32, i32) {
    %c0_i32 = arith.constant 0 : i32
    %c0_i32_0 = arith.constant 0 : i32
    %c0_i32_1 = arith.constant 0 : i32
    return %c0_i32, %c0_i32_0 : i32, i32
  }
  func.func @transform_6(%arg0: i32) -> (i32, i32) {
    %c0_i32 = arith.constant 0 : i32
    %c0_i32_0 = arith.constant 0 : i32
    return %arg0, %c0_i32 : i32, i32
  }
}

</mosaic_0001>

<sc_bundles>
// kernel: kernel.5.cloned.1.call-start
scs
__scs_entry_jumppad:
0x0: {  	(pc) =	sbr.rel $0x88, $3  }
0x1: {  	(tag) =	ssettag $0x0;
	lr =	simm.s32 $0x1  }
0x2: {  	[smem:$0x3F99] =	sst lr;
	_ =	strace $0xD0000000  }
0x3: {  	_ = 	snop  }
0x4: {  	_ = 	snop  }
0x5: {  	_ = 	snop  }
0x6: {  	_ = 	snop  }
0x7: {  	_ = 	snop  }
__scs_overlays_trampoline_lowered:
0x8: {  	[smem:$0x3FA8] =	sst s0  }
0x9: {  	[smem:$0x3FA9] =	sst s1  }
0xa: {  	[smem:$0x3FAA] =	sst s2  }
0xb: {  	[smem:$0x3FAB] =	sst s3  }
0xc: {  	[smem:$0x3FAC] =	sst s4  }
0xd: {  	[smem:$0x3FAD] =	sst s5  }
0xe: {  	[smem:$0x3FAE] =	sst s6  }
0xf: {  	[smem:$0x3FAF] =	sst s7  }
0x10: {  	[smem:$0x3FB0] =	sst s8  }
0x11: {  	[smem:$0x3FB1] =	sst s9;
	s0 =	simm.s32 @!p0 $0x0  }
0x12: {  	s1 =	sld [smem:$0x3F97];
	s0 =	simm.s32 @p0 $0x1  }
0x13: {  	[smem:$0x3FB2] =	sst s0;
	s0 =	simm.s32 @!p1 $0x0  }
0x14: {  	s2 =	sld [smem:$0x3F96];
	s0 =	simm.s32 @p1 $0x1  }
0x15: {  	[smem:$0x3FB3] =	sst s0;
	s0 =	simm.s32 @!p2 $0x0  }
0x16: {  	s3 =	sld [smem:$0x3FDB];
	s0 =	simm.s32 @p2 $0x1  }
0x17: {  	s4 =	simm.s32 $0x1BF5;
	[smem:$0x3FB5] =	sst s0  }
0x18: {  	s0 =	sld [smem:$0x3F98];
	_ =	swait.ge [sflag:s4], $0x0  }
0x19: {  	s7 =	sld [smem:$0x3F99]  }
0x1a: {  	s8 =	sadd.s32 $0xFFFFE003, lr  }
0x1b: {  	s9 =	sadd.s32 $0xFFFFFEF7, lr;
	s5 =	simm.s32 $0xFFFFFFFF;
	p2 =	slt.u32 s8, $0xFFFFF086  }
0x1c: {  	p1 =	slt.u32 s9, $0xF7A;
	s5 =	simm.s32 @!p2 $0x0  }
0x1d: {  	s5 =	simm.s32 @p1 $0x1;
	p0 =	seq.s32 s7, s2  }
0x1e: {  	s7 =	smul.u32 @!p0 $0xF7A, s2;
	p2 =	seq.s32 @!p0 s5, $0x0  }
0x1f: {  	s9 =	smul.u32 $0xF7A, s1;
	s8 =	simm.s32 @!p0 $0x1BF5;
	p2 =	por !p2, p0  }
0x20: {  	[sflag:s8] =	ssyncset.s32 @!p0 $0xFFFFF086;
	s6 =	sadd.s32 @!p0 s3, s7;
	s7 =	simm.s32 @!p0 $0x108  }
0x21: {  	s3 =	sadd.s32 s3, s9;
	s6 =	sadd.s32 @!p0 $0x88, s6;
	s7 =	simm.s32 @p2 $0x1082  }
0x22: {  	[simem:s7], [sflag:s8] =	dma.local @!p0 [hbm:s6], $0xF7A  }
0x23: {  	s9 =	sor.u32 $0xD0000000, s2;
	s6 =	simm.s32 $0x108;
	_ =	swait.ge @!p0 [sflag:s8], $0x0  }
0x24: {  	s3 =	sadd.s32 $0x88, s3;
	s6 =	simm.s32 @!p1 $0x1082;
	[sflag:s4] =	ssyncset.s32 $0xFFFFF086  }
0x25: {  	[simem:s6], [sflag:s4] =	dma.local [hbm:s3], $0xF7A  }
0x26: {  	[smem:$0x3F99] =	sst s1;
	(tag) =	ssettag s2;
	_ =	strace s9  }
0x27: {  	s1 =	sld [smem:$0x3FA9]  }
0x28: {  	s2 =	sld [smem:$0x3FAA]  }
0x29: {  	s4 =	sld [smem:$0x3FAC]  }
0x2a: {  	p0 =	seq.s32 s5, $0x0;
	s5 =	sld [smem:$0x3FAD]  }
0x2b: {  	s6 =	sld [smem:$0x3FAE]  }
0x2c: {  	s7 =	sld [smem:$0x3FAF]  }
0x2d: {  	s3 =	simm.s32 $0x108;
	s8 =	sld [smem:$0x3FB0]  }
0x2e: {  	s3 =	simm.s32 @!p0 $0x1082;
	s9 =	sld [smem:$0x3FB1]  }
0x2f: {  	lr =	sadd.s32 s0, s3;
	s0 =	sld [smem:$0x3FA8]  }
0x30: {  	s3 =	sld [smem:$0x3FAB]  }
0x31: {  	[smem:$0x3FB4] =	sst s10  }
0x32: {  	s10 =	sld [smem:$0x3FB2];
	_ =	sdelay $0x3  }
0x33: {  	p0 =	seq.s32 s10, $0x1;
	s10 =	sld [smem:$0x3FB4];
	_ =	sdelay $0x3  }
0x34: {  	[smem:$0x3FB4] =	sst s10  }
0x35: {  	s10 =	sld [smem:$0x3FB3];
	_ =	sdelay $0x3  }
0x36: {  	p1 =	seq.s32 s10, $0x1;
	s10 =	sld [smem:$0x3FB4];
	_ =	sdelay $0x3  }
0x37: {  	[smem:$0x3FB4] =	sst s10  }
0x38: {  	s10 =	sld [smem:$0x3FB5]  }
0x39: {  	_ = 	snop;
	(pc) =	sbr.ind lr, $3  }
0x3a: {  	_ = 	snop  }
0x3b: {  	_ = 	snop  }
0x3c: {  	p2 =	seq.s32 s10, $0x1;
	s10 =	sld [smem:$0x3FB4]  }
0x3d: {  	_ =	shalt  }
0x3e: {  	_ =	shalt  }
0x3f: {  	_ =	shalt  }
0x40: {  	_ =	shalt  }
0x41: {  	_ =	shalt  }
0x42: {  	_ =	shalt  }
0x43: {  	_ =	shalt  }
0x44: {  	_ =	shalt  }
0x45: {  	_ =	shalt  }
0x46: {  	_ =	shalt  }
0x47: {  	_ =	shalt  }
0x48: {  	_ =	shalt  }
0x49: {  	_ =	shalt  }
0x4a: {  	_ =	shalt  }
0x4b: {  	_ =	shalt  }
0x4c: {  	_ =	shalt  }
0x4d: {  	_ =	shalt  }
0x4e: {  	_ =	shalt  }
0x4f: {  	_ =	shalt  }
0x50: {  	_ =	shalt  }
0x51: {  	_ =	shalt  }
0x52: {  	_ =	shalt  }
0x53: {  	_ =	shalt  }
0x54: {  	_ =	shalt  }
0x55: {  	_ =	shalt  }
0x56: {  	_ =	shalt  }
0x57: {  	_ =	shalt  }
0x58: {  	_ =	shalt  }
0x59: {  	_ =	shalt  }
0x5a: {  	_ =	shalt  }
0x5b: {  	_ =	shalt  }
0x5c: {  	_ =	shalt  }
0x5d: {  	_ =	shalt  }
0x5e: {  	_ =	shalt  }
0x5f: {  	_ =	shalt  }
0x60: {  	_ =	shalt  }
0x61: {  	_ =	shalt  }
0x62: {  	_ =	shalt  }
0x63: {  	_ =	shalt  }
0x64: {  	_ =	shalt  }
0x65: {  	_ =	shalt  }
0x66: {  	_ =	shalt  }
0x67: {  	_ =	shalt  }
0x68: {  	_ =	shalt  }
0x69: {  	_ =	shalt  }
0x6a: {  	_ =	shalt  }
0x6b: {  	_ =	shalt  }
0x6c: {  	_ =	shalt  }
0x6d: {  	_ =	shalt  }
0x6e: {  	_ =	shalt  }
0x6f: {  	_ =	shalt  }
0x70: {  	_ =	shalt  }
0x71: {  	_ =	shalt  }
0x72: {  	_ =	shalt  }
0x73: {  	_ =	shalt  }
0x74: {  	_ =	shalt  }
0x75: {  	_ =	shalt  }
0x76: {  	_ =	shalt  }
0x77: {  	_ =	shalt  }
0x78: {  	_ =	shalt  }
0x79: {  	_ =	shalt  }
0x7a: {  	_ =	shalt  }
0x7b: {  	_ =	shalt  }
0x7c: {  	_ =	shalt  }
0x7d: {  	_ =	shalt  }
0x7e: {  	_ =	shalt  }
0x7f: {  	_ =	shalt  }
0x80: {  	_ =	shalt  }
0x81: {  	_ =	shalt  }
0x82: {  	_ =	shalt  }
0x83: {  	_ =	shalt  }
0x84: {  	_ =	shalt  }
0x85: {  	_ =	shalt  }
0x86: {  	_ =	shalt  }
0x87: {  	_ =	shalt  }
.Lfunc_end0:
.L_simem_size_0:
called_computation_lowered:
.L_overlay_start_0:
0x88: {  	s2 =	sld [smem:$0x3FD9]  }
0x89: {  	s3 =	sld [smem:$0x3FFE];
	_ =	sdelay $0x1  }
0x8a: {  	s1 =	srdreg.scid  }
0x8b: {  	s0 =	sand.u32 $0x1, s1  }
0x8c: {  	s17 =	sshll.u32 s0, $0xA;
	s2 =	sadd.s32 s3, s2  }
0x8d: {  	s2 =	sadd.s32 s2, s17  }
0x8e: {  	[smem:$0x3FC0] =	sst s2  }
0x8f: {  	_ = 	snop  }
0x90: {  	s2 =	sld [smem:$0x3FD0];
	(tm) =	ssettm $0x1  }
0x91: {  	s18 =	sld [smem:$0x3FFB];
	_ =	sdelay $0x3  }
0x92: {  	_ =	strace s18  }
0x93: {  	s3 =	sld [smem:$0x3FFC];
	_ =	sdelay $0x3  }
0x94: {  	_ =	strace s3  }
0x95: {  	s3 =	sld [smem:$0x3FFD];
	_ =	sdelay $0x3  }
0x96: {  	_ =	strace s3  }
0x97: {  	_ =	strace $0x8FFFFFFF  }
0x98: {  	s19 =	sld [smem:$0x3FDB];
	_ =	sdelay $0x1  }
0x99: {  	s4 =	simm.s32 $_scs_section_size  }
0x9a: {  	s5 =	simm.s32 $_size__tile_overlayer_lowered;
	s6 =	simm.s32 $_tile_overlayer_lowered  }
0x9b: {  	s22 =	simm.s32 $0x1BFF;
	s21 =	sshll.u32 s6, $0x1;
	s3 =	sadd.s32 s4, s19  }
0x9c: {  	s7 =	simm.s32 $0x0;
	s20 =	sshll.u32 s5, $0x1;
	s5 =	sadd.s32 s21, s3  }
0x9d: {  	[timem:s7], [sflag:s22] =	dma.local [hbm:s5], s20  }
0x9e: {  	_ =	swait.ge [sflag:s22], s20  }
0x9f: {  	s4 =	ssub.s32 $0x0, s20;
	[sflag:s22] =	ssyncset.done $0x0  }
0xa0: {  	[sflag:s22] =	ssyncadd.s32 s4;
	_ =	sdelay $0x1  }
0xa1: {  	s23 =	simm.s32 $0x1B8B  }
0xa2: {  	_ =	swait.ge [sflag:s23], $0x1  }
0xa3: {  	[sflag:s23] =	ssyncset.done $0x0  }
0xa4: {  	s25 =	simm.s32 $0x1B8E;
	s24 =	sld [smem:$0x3FFE];
	[sflag:s23] =	ssyncadd.s32 $0xFFFFFFFF  }
0xa5: {  	s26 =	simm.s32 $execute0_lowered;
	[smem:$0x3FD2] =	sst s25  }
0xa6: {  	s5 =	sshll.u32 s26, $0x1;
	_ =	strace $0x80000046;
	[dreg:$0x1] =	wrdreg $0xFFFFFFFF  }
0xa7: {  	s28 =	simm.s32 $_size_execute0_lowered;
	s3 =	sadd.s32 s3, s5;
	[dreg:$0x0] =	wrdreg $0x0  }
0xa8: {  	s5 =	sshll.u32 s28, $0x1;
	[dreg:$0x2] =	wrdreg s3  }
0xa9: {  	[dreg:$0x3] =	wrdreg s5  }
0xaa: {  	[dreg:$0x4] =	wrdreg $0xC0  }
0xab: {  	_ =	task [dreg:s7], $0x5FFFF  }
0xac: {  	[dreg:$0x1] =	wrdreg $0xFFFFFFFF  }
0xad: {  	[dreg:$0x0] =	wrdreg $0x60  }
0xae: {  	[dreg:$0x2] =	wrdreg s24  }
0xaf: {  	[dreg:$0x3] =	wrdreg s2  }
0xb0: {  	[dreg:$0x4] =	wrdreg $0x9  }
0xb1: {  	_ =	task.clear_ibuf [dreg:s7], $0x5FFFF;
	_ =	strace $0x90000046  }
0xb2: {  	s29 =	simm.s32 $0x9;
	_ =	strace $0x80000048  }
0xb3: {  	_ =	swait.ge [sflag:s29], $0x1  }
0xb4: {  	[sflag:s29] =	ssyncadd.s32 $0xFFFFFFFF  }
0xb5: {  	_ =	strace $0x90000048  }
0xb6: {  	_ =	sfence  }
0xb7: {  	s30 =	sld [smem:$0x0];
	_ =	sdelay $0x2  }
0xb8: {  	s31 =	sshll.u32 s1, $0xD;
	s1 =	sshrl.u32 s1, $0x2  }
0xb9: {  	s3 =	sand.u32 $0x4000, s31;
	s1 =	sadd.s32 s1, s30  }
0xba: {  	s0 =	sor.u32 s3, s0;
	s1 =	sshll.u32 s1, $0x11  }
0xbb: {  	s0 =	sor.u32 s1, s0  }
0xbc: {  	s0 =	sadd.s32 $0x8F2B, s0  }
0xbd: {  	[sflag:s0] =	ssyncadd.remote.s32 $0x1  }
0xbe: {  	_ =	sfence.sel $0xFFFF  }
0xbf: {  	[dreg:$0x0] =	wrdreg $0xFFFFFFFF;
	(pc) =	sbr.abs _section_cstart, $3  }
0xc0: {  	[dreg:$0x1] =	wrdreg $0xFFFFFFFF  }
0xc1: {  	_ =	task.clear_ibuf [dreg:s7], $0x2FFFF;
	_ =	strace $0x9FFFFFFF  }
0xc2: {  	(tm) =	ssettm $0x7FFFFFFF  }
0xc3: {  	_ =	shalt  }
tec
execute0_lowered:
.L_overlay_start_1:
0x0: {  	(tag) =	ssettag $0x1  }
0x1: {  	s1 =	srdreg.scid;
	s7 =	rddreg [dreg:$0x0]  }
0x2: {  	s0 =	stileid.u32;
	s2 =	rddreg [dreg:$0x1]  }
0x3: {  	s3 =	simm.s32 $0x0;
	s10 =	simm.s32 $0x3;
	s11 =	simm.s32 $0x14C80  }
0x4: {  	s12 =	simm.s32 $0x15900;
	s13 =	simm.s32 $0x165C0;
	s14 =	simm.s32 $0x1  }
0x5: {  	v2 =	vlaneseq.u32;
	v29 =	vimm.s32 $0x0;
	v1 =	vimm.s32 $0xFF80FF80;
	s5 =	sand.u32 $0x1, s1;
	s30 =	sshll.u32 s0, $0x1;
	[smem:$0x7FF] =	sst s3  }
0x6: {  	v20 =	vimm.bf16 $0.0e+00;
	s1 =	rddreg [dreg:$0x2];
	v5 =	vor.u32 $0x10, v2;
	v6 =	vor.u32 $0x20, v2;
	s15 =	sor.u32 s5, s30;
	_ =	strace $0x80000047  }
0x7: {  	v7 =	vor.u32 $0x30, v2;
	v8 =	vor.u32 $0x40, v2;
	v9 =	vor.u32 $0x50, v2;
	s31 =	ssub.s32 $0x2, s5;
	s5 =	sadd.s32 $0x1800, s7;
	s4 =	smul.u32 $0x140, s15  }
0x8: {  	v10 =	vor.u32 $0x60, v2;
	v11 =	vor.u32 $0x70, v2;
	v12 =	vor.u32 $0x80, v2;
	s8 =	smul.u32 $0x2800, s15;
	s9 =	sshrl.u32 s31, $0x1;
	p0 =	seq.s32 s15, $0x1F  }
0x9: {  	v13 =	vor.u32 $0x90, v2;
	v14 =	vor.u32 $0xA0, v2;
	s15 =	simm.s32 $0x0;
	s9 =	ssub.s32 s31, s9;
	s6 =	sadd.s32 $0x140, s4;
	v0 =	vmov s4  }
0xa: {  	v15 =	vor.u32 $0xB0, v2;
	v16 =	vor.u32 $0xC0, v2;
	s4 =	sadd.s32 $0x6800, s7;
	s8 =	sadd.s32 s8, s7;
	s7 =	sadd.s32 $0x59000, s7;
	v28 =	vmov s6;
	[tilespmem:$0x1FFF0] =	vst v0  }
0xb: {  	v17 =	vor.u32 $0xD0, v2;
	v18 =	vor.u32 $0xE0, v2;
	v19 =	vor.u32 $0xF0, v2;
	s6 =	sadd.s32 $0xB800, s8;
	s8 =	smax.u32 s9, $0x1;
	s9 =	simm.s32 $0x14000;
	[tilespmem:$0x1FFE0] =	vst v28  }
.LBB2_1:
0xc: {  	s16 =	simm.s32 $0x40;
	s17 =	simm.s32 $0x0  }
.LBB2_2:
0xd: {  	p1 =	sne.s32 s16, $0x32C0;
	[tilespmem:s17+$0x15900] =	vst v29;
	s17 =	smov.u32 s16;
	s16 =	sadd.s32 $0x40, s16  }
.Ltmp0:
0xe: {  	(pc) =	sbr.rel @p1 .LBB2_2-.Ltmp0, $2  }
0xf: {  	_ =	sdelay $0x2  }
0x10: {  	s17 =	sshra.s32 s17, $0x2  }
0x11: {  	[tilespmem:s17+$0x15900] =	vst v29;
	s16 =	simm.s32 $0x0;
	s17 =	simm.s32 $0x0;
	s18 =	simm.s32 $0x400  }
.LBB2_4:
0x12: {  	p1 =	sne.s32 s18, $0x4FC00;
	[tilespmem:s17+$0xF0] =	vst v1  }
0x13: {  	[tilespmem:s17+$0x0] =	vst v1  }
0x14: {  	[tilespmem:s17+$0x10] =	vst v1  }
0x15: {  	[tilespmem:s17+$0x20] =	vst v1  }
0x16: {  	[tilespmem:s17+$0x30] =	vst v1  }
0x17: {  	[tilespmem:s17+$0x40] =	vst v1  }
0x18: {  	[tilespmem:s17+$0x50] =	vst v1  }
0x19: {  	[tilespmem:s17+$0x60] =	vst v1  }
0x1a: {  	[tilespmem:s17+$0x70] =	vst v1  }
0x1b: {  	[tilespmem:s17+$0x80] =	vst v1  }
0x1c: {  	[tilespmem:s17+$0x90] =	vst v1  }
.Ltmp1:
0x1d: {  	[tilespmem:s17+$0xA0] =	vst v1;
	(pc) =	sbr.rel @p1 .LBB2_4-.Ltmp1, $4  }
0x1e: {  	[tilespmem:s17+$0xB0] =	vst v1  }
0x1f: {  	[tilespmem:s17+$0xC0] =	vst v1  }
0x20: {  	[tilespmem:s17+$0xD0] =	vst v1  }
0x21: {  	[tilespmem:s17+$0xE0] =	vst v1;
	s17 =	sshra.s32 s18, $0x2;
	s18 =	sadd.s32 $0x400, s18  }
0x22: {  	[tilespmem:s17+$0xF0] =	vst v1  }
0x23: {  	[tilespmem:s17+$0x0] =	vst v1  }
0x24: {  	[tilespmem:s17+$0x10] =	vst v1  }
0x25: {  	[tilespmem:s17+$0x20] =	vst v1  }
0x26: {  	[tilespmem:s17+$0x30] =	vst v1  }
0x27: {  	[tilespmem:s17+$0x40] =	vst v1  }
0x28: {  	[tilespmem:s17+$0x50] =	vst v1  }
0x29: {  	[tilespmem:s17+$0x60] =	vst v1  }
0x2a: {  	[tilespmem:s17+$0x70] =	vst v1  }
0x2b: {  	[tilespmem:s17+$0x80] =	vst v1  }
0x2c: {  	[tilespmem:s17+$0x90] =	vst v1  }
.Ltmp2:
0x2d: {  	[tilespmem:s17+$0xA0] =	vst v1;
	(pc) =	sbr.rel .LBB2_6-.Ltmp2, $4  }
0x2e: {  	[tilespmem:s17+$0xB0] =	vst v1  }
0x2f: {  	[tilespmem:s17+$0xC0] =	vst v1  }
0x30: {  	[tilespmem:s17+$0xD0] =	vst v1  }
0x31: {  	[tilespmem:s17+$0xE0] =	vst v1  }
.LBB2_19:
0x32: {  	s16 =	sadd.s32 $0x1, s16  }
0x33: {  	p1 =	sne.s32 s16, $0x32  }
.Ltmp3:
0x34: {  	_ = 	snop;
	(pc) =	sbr.rel @!p1 .LBB2_20-.Ltmp3, $1  }
0x35: {  	_ =	sdelay $0x3  }
.LBB2_6:
0x36: {  	s18 =	smul.u32 $0x190, s16;
	_ =	sdelay $0x1  }
0x37: {  	s17 =	simm.s32 $0x0;
	s19 =	sadd.s32 s4, s18  }
0x38: {  	[tilespmem:s9], [sflag:$0x3] =	stream.linear.gather [hbm4b:s19+s17], $0xC80, $0x38;
	[tilespmem:$0x1F310] =	vst v63  }
0x39: {  	_ =	swait.ge [sflag:s10], $0xC80  }
0x3a: {  	[sflag:s10] =	ssyncset.done $0x0  }
0x3b: {  	s18 =	sadd.s32 s5, s18;
	[sflag:s10] =	ssyncadd.s32 $0xFFFFF380  }
0x3c: {  	[tilespmem:s11], [sflag:$0x3] =	stream.linear.gather [hbm4b:s18+s17], $0xC80, $0x38;
	[tilespmem:$0x1F310] =	vst v63  }
0x3d: {  	_ =	swait.ge [sflag:s10], $0xC80  }
0x3e: {  	[sflag:s10] =	ssyncset.done $0x0  }
0x3f: {  	v21 =	vimm.s32 $0x0;
	v0 =	vld [tilespmem:$0x1FFF0];
	[sflag:s10] =	ssyncadd.s32 $0xFFFFF380  }
.LBB2_7:
0x40: {  	s18 =	sshra.s32 s17, $0x2  }
0x41: {  	v22 =	vld [tilespmem:s18+$0x14C80];
	_ =	sdelay $0x4  }
0x42: {  	vm0 =	vge.s32 v22, v0;
	vm1 =	vlt.s32 v22, v28  }
0x43: {  	vm0 =	vmand vm0, vm1  }
0x44: {  	v23 =	vsel vm0, $0x1, v29  }
0x45: {  	(xrf0) =	vadd.scan.msk.s32 $0xffff, v23;
	_ =	sdelay $0x5  }
0x46: {  	v23, _, _ =	vpop (xrf0)  }
0x47: {  	v23 =	vadd.s32 v23, v21  }
0x48: {  	v24 =	vld [tilespmem:s18+$0x14000];
	v23 =	vadd.s32 $0xFFFFFFFF, v23;
	_ =	sdelay $0x4  }
0x49: {  	v22 =	vsub.s32 v22, v0;
	[tilespmem:v23+s12+$0x0] =	vst.idx.msk vm0, v24  }
0x4a: {  	[tilespmem:v23+s13+$0x0] =	vst.idx.msk vm0, v22  }
0x4b: {  	v22 =	vld [tilespmem:s18+$0x14C90];
	_ =	sdelay $0x4  }
0x4c: {  	vm15 =	vge.s32 v22, v0;
	vm2 =	vlt.s32 v22, v28  }
0x4d: {  	vm1 =	vmand vm15, vm2  }
0x4e: {  	v23 =	vsel vm1, $0x1, v29  }
0x4f: {  	(xrf0) =	vadd.scan.msk.s32 $0xffff, v23;
	_ =	sdelay $0x1  }
0x50: {  	v23 =	vmpcnt.ones.xlane vm0;
	_ =	sdelay $0x3  }
0x51: {  	v21 =	vadd.s32 v21, v23;
	v23, _, _ =	vpop (xrf0)  }
0x52: {  	v23 =	vadd.s32 v23, v21  }
0x53: {  	v24 =	vld [tilespmem:s18+$0x14010];
	v23 =	vadd.s32 $0xFFFFFFFF, v23  }
0x54: {  	p1 =	sne.s32 s17, $0x3180  }
.Ltmp4:
0x55: {  	_ = 	snop;
	(pc) =	sbr.rel @p1 .LBB2_7-.Ltmp4, $4  }
0x56: {  	_ = 	snop  }
0x57: {  	v25 =	vmpcnt.ones.xlane vm1  }
0x58: {  	v22 =	vsub.s32 v22, v0;
	[tilespmem:v23+s12+$0x0] =	vst.idx.msk vm1, v24  }
0x59: {  	s17 =	sadd.s32 $0x80, s17;
	v21 =	vadd.s32 v21, v25;
	[tilespmem:v23+s13+$0x0] =	vst.idx.msk vm1, v22  }
0x5a: {  	v21 =	vxor.u32 $0x80000000, v21  }
0x5b: {  	(xrf0) =	vmax.scan.msk.u32 $0xffff, v21;
	_ =	sdelay $0x5  }
0x5c: {  	v21, _, _ =	vpop (xrf0)  }
0x5d: {  	(v2sf) =	vpush v21, $0xF;
	_ =	sdelay $0xe  }
0x5e: {  	s20 =	spop (v2sf)  }
0x5f: {  	s17 =	sadd.s32 $0x8000003F, s20  }
0x60: {  	s18 =	sand.u32 $0x3F, s17  }
0x61: {  	s19 =	sshra.s32 s17, $0x1F;
	p1 =	slt.s32 s17, $0x1;
	p2 =	sne.s32 s18, $0x0  }
0x62: {  	s28 =	sshrl.u32 s19, $0x1A;
	p1 =	por !p1, !p2  }
0x63: {  	s18 =	simm.s32 $0x1;
	s17 =	sadd.s32 s28, s17;
	p1 =	por !p1, !p1  }
0x64: {  	s17 =	sshra.s32 s17, $0x6;
	s18 =	simm.s32 @!p1 $0x0  }
0x65: {  	s17 =	ssub.s32 s17, s18  }
0x66: {  	p1 =	slt.s32 s17, $0x1  }
0x67: {  	v21 =	vld @!p1 [tilespmem:$0x15900]  }
0x68: {  	v22 =	vld @!p1 [tilespmem:$0x15910]  }
0x69: {  	v23 =	vld @!p1 [tilespmem:$0x15920]  }
0x6a: {  	v24 =	vld @!p1 [tilespmem:$0x15930];
	_ =	sdelay $0x1  }
0x6b: {  	[tilespmem:$0x17290] =	vst @!p1 v21  }
0x6c: {  	s29 =	sadd.s32 $0x1, s17;
	[tilespmem:$0x172A0] =	vst @!p1 v22  }
0x6d: {  	p5 =	slt.s32 s17, $0x0;
	s18 =	simm.s32 @!p1 $0x40;
	s30 =	sand.u32 $0x1, s29;
	[tilespmem:$0x172B0] =	vst @!p1 v23  }
0x6e: {  	s19 =	simm.s32 @!p1 $0x17290;
	s21 =	simm.s32 @!p1 $0x172D0;
	p6 =	seq.s32 s30, $0x1;
	[tilespmem:$0x172C0] =	vst @!p1 v24  }
0x6f: {  	[tilespmem:s21], [sflag:$0x1] =	stream.indirect.gather @!p1 [hbm4b:s2+s18], $0x100, s19, s18, $0xb8;
	[tilespmem:$0x1F310] =	vst v63  }
0x70: {  	s31 =	sshrl.u32 s29, $0x1F;
	p1 =	por !p5, !p6  }
0x71: {  	s18 =	sadd.s32 s31, s29;
	s19 =	simm.s32 $0x1;
	p1 =	por !p1, !p1  }
0x72: {  	s18 =	sshra.s32 s18, $0x1;
	s19 =	simm.s32 @!p1 $0x0  }
0x73: {  	s18 =	ssub.s32 s18, s19  }
0x74: {  	p1 =	slt.s32 s18, $0x1  }
.Ltmp5:
0x75: {  	_ = 	snop;
	(pc) =	sbr.rel @p1 .LBB2_19-.Ltmp5, $1  }
0x76: {  	_ =	sdelay $0x3  }
.Ltmp6:
0x77: {  	(pc) =	sbr.rel .LBB2_10-.Ltmp6, $3  }
0x78: {  	_ =	sdelay $0x1  }
0x79: {  	s19 =	sxor.u32 $0x80000000, s20;
	s20 =	sadd.s32 $0x7FFFFFC0, s20;
	s21 =	simm.s32 $0x0  }
0x7a: {  	s22 =	simm.s32 $0x40;
	s24 =	simm.s32 $0x0;
	s23 =	smov.u32 s19  }
.LBB2_17:
0x7b: {  	_ =	sdelay $0x3  }
0x7c: {  	[tilespmem:v34+s3+$0x0] =	vst.idx.msk $0xffff, v44  }
0x7d: {  	[tilespmem:v31+s3+$0x0] =	vst.idx.msk $0xffff, v40  }
0x7e: {  	[tilespmem:v25+s3+$0x0] =	vst.idx.msk $0xffff, v39  }
0x7f: {  	[tilespmem:v29+s3+$0x0] =	vst.idx.msk $0xffff, v41  }
0x80: {  	[tilespmem:v26+s3+$0x0] =	vst.idx.msk $0xffff, v42  }
0x81: {  	v0 =	vmax.bf16 v37, v24;
	[tilespmem:v32+s3+$0x0] =	vst.idx.msk $0xffff, v43  }
0x82: {  	v1 =	vmax.bf16 v38, v23;
	[tilespmem:v27+s3+$0x0] =	vst.idx.msk $0xffff, v0  }
0x83: {  	v0 =	vmax.bf16 v35, v22;
	[tilespmem:v33+s3+$0x0] =	vst.idx.msk $0xffff, v1  }
0x84: {  	v1 =	vmax.bf16 v36, v21;
	[tilespmem:v28+s3+$0x0] =	vst.idx.msk $0xffff, v0  }
0x85: {  	v29 =	vimm.s32 $0x0;
	v28 =	vld [tilespmem:$0x1FFE0];
	[tilespmem:v30+s3+$0x0] =	vst.idx.msk $0xffff, v1  }
.LBB2_18:
0x86: {  	s24 =	sadd.s32 $0x1, s24  }
0x87: {  	p1 =	sne.s32 s24, s18  }
.Ltmp7:
0x88: {  	_ = 	snop;
	(pc) =	sbr.rel @!p1 .LBB2_19-.Ltmp7, $3  }
0x89: {  	_ =	sdelay $0x1  }
0x8a: {  	s23 =	sadd.s32 $0xFFFFFF80, s23  }
0x8b: {  	s20 =	sadd.s32 $0xFFFFFF80, s20;
	s21 =	sadd.s32 $0x80, s21;
	s22 =	sadd.s32 $0x80, s22  }
.LBB2_10:
0x8c: {  	s25 =	sshllo.u32 s24, $0x1  }
0x8d: {  	p1 =	sge.s32 s25, s17  }
0x8e: {  	s26 =	sshll.u32 @!p1 s25, $0x8  }
0x8f: {  	s26 =	sshra.s32 @!p1 s26, $0x2  }
0x90: {  	v21 =	vld @!p1 [tilespmem:s26+$0x15900];
	_ =	sdelay $0x4  }
0x91: {  	[tilespmem:$0x1B2D0] =	vst @!p1 v21  }
0x92: {  	v21 =	vld @!p1 [tilespmem:s26+$0x15910];
	_ =	sdelay $0x4  }
0x93: {  	[tilespmem:$0x1B2E0] =	vst @!p1 v21  }
0x94: {  	v21 =	vld @!p1 [tilespmem:s26+$0x15920];
	_ =	sdelay $0x4  }
0x95: {  	[tilespmem:$0x1B2F0] =	vst @!p1 v21  }
0x96: {  	v21 =	vld @!p1 [tilespmem:s26+$0x15930];
	_ =	sdelay $0x3  }
0x97: {  	s31 =	sshll.u32 s24, $0x7  }
0x98: {  	s28 =	simm.s32 @!p1 $0x1B2D0;
	s29 =	simm.s32 @!p1 $0x1B310;
	s26 =	simm.s32 @!p1 $0x40;
	[tilespmem:$0x1B300] =	vst @!p1 v21  }
0x99: {  	[tilespmem:s29], [sflag:$0x2] =	stream.indirect.gather @!p1 [hbm4b:s2+s26], $0x100, s28, s26, $0xb8;
	[tilespmem:$0x1F310] =	vst v63  }
0x9a: {  	s26 =	ssub.s32 s19, s31  }
0x9b: {  	p2 =	slt.s32 s26, $0x1  }
.Ltmp8:
0x9c: {  	_ = 	snop;
	(pc) =	sbr.rel @p2 .LBB2_14-.Ltmp8, $4  }
0x9d: {  	_ = 	snop  }
0x9e: {  	_ =	swait.ge [sflag:s14], $0x4000  }
0x9f: {  	[sflag:s14] =	ssyncset.done $0x0  }
0xa0: {  	[sflag:s14] =	ssyncadd.s32 $0xFFFFC000  }
0xa1: {  	s26 =	simm.s32 $0x17350  }
0xa2: {  	v21 =	vld [tilespmem:s26+$0x70]  }
0xa3: {  	v25 =	vmov s21;
	v22 =	vld [tilespmem:s26+$0x60]  }
0xa4: {  	v23 =	vld [tilespmem:s26+$0x50]  }
0xa5: {  	v24 =	vld [tilespmem:s26+$0x40]  }
0xa6: {  	v43 =	vld [tilespmem:s26+$0x30]  }
0xa7: {  	v42 =	vld [tilespmem:s26+$0x20]  }
0xa8: {  	v25 =	vld.idx.msk [tilespmem:v25+s13+$0x0], $0xffff  }
0xa9: {  	v44 =	vld [tilespmem:s26+$0xFFFFFFE0]  }
0xaa: {  	v41 =	vld [tilespmem:s26+$0x10]  }
0xab: {  	v40 =	vld [tilespmem:s26+$0xFFFFFFF0]  }
0xac: {  	v39 =	vld [tilespmem:s26+$0x0]  }
0xad: {  	v45 =	vld [tilespmem:s26+$0xFFFFFFD0];
	v33 =	vshll.u32 v25, $0x8  }
0xae: {  	v46 =	vld [tilespmem:s26+$0xFFFFFFC0];
	v47 =	vor.u32 v2, v33  }
0xaf: {  	v48 =	vld [tilespmem:s26+$0xFFFFFFB0];
	v49 =	vor.u32 v5, v33  }
0xb0: {  	v50 =	vld [tilespmem:s26+$0xFFFFFFA0];
	v51 =	vor.u32 v6, v33  }
0xb1: {  	v52 =	vld [tilespmem:s26+$0xFFFFFF90];
	v53 =	vor.u32 v7, v33  }
0xb2: {  	v38 =	vld [tilespmem:s26+$0xFFFFFF80];
	v54 =	vor.u32 v8, v33  }
0xb3: {  	v56 =	vor.u32 v9, v33;
	v55 =	vld.idx.msk [tilespmem:v47+s3+$0x0], $0xffff  }
0xb4: {  	v25 =	vor.u32 v12, v33;
	v57 =	vld.idx.msk [tilespmem:v49+s3+$0x0], $0xffff  }
0xb5: {  	v26 =	vor.u32 v14, v33;
	v58 =	vld.idx.msk [tilespmem:v51+s3+$0x0], $0xffff  }
0xb6: {  	v29 =	vor.u32 v13, v33;
	v59 =	vld.idx.msk [tilespmem:v53+s3+$0x0], $0xffff  }
0xb7: {  	v27 =	vor.u32 v16, v33;
	v60 =	vld.idx.msk [tilespmem:v54+s3+$0x0], $0xffff  }
0xb8: {  	v31 =	vor.u32 v11, v33;
	v61 =	vld.idx.msk [tilespmem:v56+s3+$0x0], $0xffff  }
0xb9: {  	v28 =	vor.u32 v18, v33;
	v62 =	vld.idx.msk [tilespmem:v25+s3+$0x0], $0xffff  }
0xba: {  	v32 =	vor.u32 v15, v33;
	v63 =	vld.idx.msk [tilespmem:v26+s3+$0x0], $0xffff  }
0xbb: {  	v30 =	vor.u32 v19, v33;
	v3 =	vld.idx.msk [tilespmem:v29+s3+$0x0], $0xffff  }
0xbc: {  	v34 =	vor.u32 v10, v33;
	v37 =	vld.idx.msk [tilespmem:v27+s3+$0x0], $0xffff  }
0xbd: {  	v33 =	vor.u32 v17, v33;
	v1 =	vld.idx.msk [tilespmem:v31+s3+$0x0], $0xffff  }
0xbe: {  	v35 =	vld.idx.msk [tilespmem:v28+s3+$0x0], $0xffff  }
0xbf: {  	p2 =	sgt.s32 s23, $0x1;
	s28 =	smov.u32 s23;
	v0 =	vld.idx.msk [tilespmem:v32+s3+$0x0], $0xffff  }
0xc0: {  	s28 =	simm.s32 @!p2 $0x1;
	v36 =	vld.idx.msk [tilespmem:v30+s3+$0x0], $0xffff  }
0xc1: {  	s28 =	smin.u32 s28, $0x40;
	v4 =	vld.idx.msk [tilespmem:v34+s3+$0x0], $0xffff;
	v55 =	vmax.bf16 v55, v38  }
0xc2: {  	p2 =	sne.s32 s28, $0x1;
	v38 =	vld.idx.msk [tilespmem:v33+s3+$0x0], $0xffff;
	v57 =	vmax.bf16 v57, v52;
	[tilespmem:v47+s3+$0x0] =	vst.idx.msk $0xffff, v55  }
.Ltmp9:
0xc3: {  	v50 =	vmax.bf16 v58, v50;
	v48 =	vmax.bf16 v59, v48;
	[tilespmem:v49+s3+$0x0] =	vst.idx.msk $0xffff, v57;
	(pc) =	sbr.rel @!p2 .LBB2_13-.Ltmp9, $4  }
0xc4: {  	v46 =	vmax.bf16 v60, v46;
	v45 =	vmax.bf16 v61, v45;
	[tilespmem:v51+s3+$0x0] =	vst.idx.msk $0xffff, v50  }
0xc5: {  	v39 =	vmax.bf16 v62, v39;
	v40 =	vmax.bf16 v1, v40;
	[tilespmem:v53+s3+$0x0] =	vst.idx.msk $0xffff, v48  }
0xc6: {  	v41 =	vmax.bf16 v3, v41;
	v42 =	vmax.bf16 v63, v42;
	[tilespmem:v54+s3+$0x0] =	vst.idx.msk $0xffff, v46  }
0xc7: {  	s29 =	smov.u32 s21;
	s28 =	sadd.s32 $0xFFFFFFFF, s28;
	v44 =	vmax.bf16 v4, v44;
	v43 =	vmax.bf16 v0, v43;
	[tilespmem:v56+s3+$0x0] =	vst.idx.msk $0xffff, v45  }
.LBB2_12:
0xc8: {  	p2 =	sne.s32 s28, $0x1;
	[tilespmem:v34+s3+$0x0] =	vst.idx.msk $0xffff, v44;
	s29 =	sadd.s32 $0x1, s29;
	s26 =	sadd.s32 $0x100, s26  }
0xc9: {  	s28 =	sadd.s32 $0xFFFFFFFF, s28;
	v0 =	vmax.bf16 v37, v24;
	[tilespmem:v31+s3+$0x0] =	vst.idx.msk $0xffff, v40  }
0xca: {  	[tilespmem:v25+s3+$0x0] =	vst.idx.msk $0xffff, v39  }
0xcb: {  	[tilespmem:v29+s3+$0x0] =	vst.idx.msk $0xffff, v41  }
0xcc: {  	[tilespmem:v26+s3+$0x0] =	vst.idx.msk $0xffff, v42  }
0xcd: {  	v1 =	vmax.bf16 v38, v23;
	v3 =	vmax.bf16 v35, v22;
	[tilespmem:v32+s3+$0x0] =	vst.idx.msk $0xffff, v43  }
0xce: {  	[tilespmem:v27+s3+$0x0] =	vst.idx.msk $0xffff, v0  }
0xcf: {  	v0 =	vmax.bf16 v36, v21;
	[tilespmem:v33+s3+$0x0] =	vst.idx.msk $0xffff, v1  }
0xd0: {  	[tilespmem:v28+s3+$0x0] =	vst.idx.msk $0xffff, v3  }
0xd1: {  	[tilespmem:v30+s3+$0x0] =	vst.idx.msk $0xffff, v0  }
0xd2: {  	v0 =	vmov s29;
	v21 =	vld [tilespmem:s26+$0x70]  }
0xd3: {  	v22 =	vld [tilespmem:s26+$0x60]  }
0xd4: {  	v23 =	vld [tilespmem:s26+$0x50]  }
0xd5: {  	v24 =	vld [tilespmem:s26+$0x40]  }
0xd6: {  	v1 =	vld [tilespmem:s26+$0x30]  }
0xd7: {  	v0 =	vld.idx.msk [tilespmem:v0+s13+$0x0], $0xffff  }
0xd8: {  	v3 =	vld [tilespmem:s26+$0x20]  }
0xd9: {  	v4 =	vld [tilespmem:s26+$0xFFFFFFE0]  }
0xda: {  	v41 =	vld [tilespmem:s26+$0x10]  }
0xdb: {  	v40 =	vld [tilespmem:s26+$0xFFFFFFF0]  }
0xdc: {  	v39 =	vld [tilespmem:s26+$0x0]  }
0xdd: {  	v0 =	vshll.u32 v0, $0x8;
	v36 =	vld [tilespmem:s26+$0xFFFFFFD0]  }
0xde: {  	v42 =	vor.u32 v2, v0;
	v35 =	vld [tilespmem:s26+$0xFFFFFFC0]  }
0xdf: {  	v43 =	vor.u32 v5, v0;
	v38 =	vld [tilespmem:s26+$0xFFFFFFB0]  }
0xe0: {  	v44 =	vor.u32 v6, v0;
	v37 =	vld [tilespmem:s26+$0xFFFFFFA0]  }
0xe1: {  	v45 =	vor.u32 v7, v0;
	v30 =	vld [tilespmem:s26+$0xFFFFFF90]  }
0xe2: {  	v47 =	vor.u32 v8, v0;
	v46 =	vld [tilespmem:s26+$0xFFFFFF80]  }
0xe3: {  	v49 =	vor.u32 v9, v0;
	v48 =	vld.idx.msk [tilespmem:v42+s3+$0x0], $0xffff  }
0xe4: {  	v34 =	vor.u32 v10, v0;
	v31 =	vor.u32 v11, v0;
	v25 =	vor.u32 v12, v0;
	v50 =	vld.idx.msk [tilespmem:v43+s3+$0x0], $0xffff  }
0xe5: {  	v29 =	vor.u32 v13, v0;
	v26 =	vor.u32 v14, v0;
	v51 =	vld.idx.msk [tilespmem:v44+s3+$0x0], $0xffff  }
0xe6: {  	v52 =	vld.idx.msk [tilespmem:v45+s3+$0x0], $0xffff  }
0xe7: {  	v32 =	vor.u32 v15, v0;
	v27 =	vor.u32 v16, v0;
	v53 =	vld.idx.msk [tilespmem:v47+s3+$0x0], $0xffff  }
0xe8: {  	v54 =	vld.idx.msk [tilespmem:v49+s3+$0x0], $0xffff  }
0xe9: {  	v33 =	vor.u32 v17, v0;
	v28 =	vor.u32 v18, v0;
	v46 =	vmax.bf16 v48, v46;
	v55 =	vld.idx.msk [tilespmem:v25+s3+$0x0], $0xffff  }
0xea: {  	v50 =	vmax.bf16 v50, v30;
	v48 =	vld.idx.msk [tilespmem:v26+s3+$0x0], $0xffff  }
0xeb: {  	v30 =	vor.u32 v19, v0;
	v0 =	vmax.bf16 v51, v37;
	v56 =	vld.idx.msk [tilespmem:v29+s3+$0x0], $0xffff  }
0xec: {  	v51 =	vmax.bf16 v52, v38;
	v37 =	vld.idx.msk [tilespmem:v27+s3+$0x0], $0xffff  }
0xed: {  	v53 =	vmax.bf16 v53, v35;
	v52 =	vld.idx.msk [tilespmem:v31+s3+$0x0], $0xffff  }
0xee: {  	v54 =	vmax.bf16 v54, v36;
	v35 =	vld.idx.msk [tilespmem:v28+s3+$0x0], $0xffff  }
0xef: {  	v57 =	vld.idx.msk [tilespmem:v32+s3+$0x0], $0xffff  }
0xf0: {  	v36 =	vld.idx.msk [tilespmem:v30+s3+$0x0], $0xffff  }
0xf1: {  	v58 =	vld.idx.msk [tilespmem:v34+s3+$0x0], $0xffff  }
0xf2: {  	v39 =	vmax.bf16 v55, v39;
	v38 =	vld.idx.msk [tilespmem:v33+s3+$0x0], $0xffff  }
0xf3: {  	v40 =	vmax.bf16 v52, v40;
	[tilespmem:v42+s3+$0x0] =	vst.idx.msk $0xffff, v46  }
.Ltmp10:
0xf4: {  	[tilespmem:v43+s3+$0x0] =	vst.idx.msk $0xffff, v50;
	(pc) =	sbr.rel @p2 .LBB2_12-.Ltmp10, $4  }
0xf5: {  	v41 =	vmax.bf16 v56, v41;
	[tilespmem:v44+s3+$0x0] =	vst.idx.msk $0xffff, v0  }
0xf6: {  	v42 =	vmax.bf16 v48, v3;
	[tilespmem:v45+s3+$0x0] =	vst.idx.msk $0xffff, v51  }
0xf7: {  	v44 =	vmax.bf16 v58, v4;
	[tilespmem:v47+s3+$0x0] =	vst.idx.msk $0xffff, v53  }
0xf8: {  	v43 =	vmax.bf16 v57, v1;
	[tilespmem:v49+s3+$0x0] =	vst.idx.msk $0xffff, v54  }
.LBB2_13:
0xf9: {  	_ =	sdelay $0x3  }
0xfa: {  	[tilespmem:v34+s3+$0x0] =	vst.idx.msk $0xffff, v44  }
0xfb: {  	[tilespmem:v31+s3+$0x0] =	vst.idx.msk $0xffff, v40  }
0xfc: {  	[tilespmem:v25+s3+$0x0] =	vst.idx.msk $0xffff, v39  }
0xfd: {  	[tilespmem:v29+s3+$0x0] =	vst.idx.msk $0xffff, v41  }
0xfe: {  	[tilespmem:v26+s3+$0x0] =	vst.idx.msk $0xffff, v42  }
0xff: {  	v0 =	vmax.bf16 v37, v24;
	[tilespmem:v32+s3+$0x0] =	vst.idx.msk $0xffff, v43  }
0x100: {  	v1 =	vmax.bf16 v38, v23;
	[tilespmem:v27+s3+$0x0] =	vst.idx.msk $0xffff, v0  }
0x101: {  	v0 =	vmax.bf16 v35, v22;
	[tilespmem:v33+s3+$0x0] =	vst.idx.msk $0xffff, v1  }
0x102: {  	v1 =	vmax.bf16 v36, v21;
	[tilespmem:v28+s3+$0x0] =	vst.idx.msk $0xffff, v0  }
0x103: {  	v29 =	vimm.s32 $0x0;
	v28 =	vld [tilespmem:$0x1FFE0];
	[tilespmem:v30+s3+$0x0] =	vst.idx.msk $0xffff, v1  }
.LBB2_14:
0x104: {  	s26 =	sshll.u32 s24, $0x1  }
0x105: {  	s26 =	sadd.s32 $0x2, s26  }
0x106: {  	p2 =	sge.s32 s26, s17  }
0x107: {  	s26 =	sshll.u32 @!p2 s26, $0x8  }
0x108: {  	s26 =	sshra.s32 @!p2 s26, $0x2  }
0x109: {  	v0 =	vld @!p2 [tilespmem:s26+$0x15900];
	_ =	sdelay $0x4  }
0x10a: {  	[tilespmem:$0x17290] =	vst @!p2 v0  }
0x10b: {  	v0 =	vld @!p2 [tilespmem:s26+$0x15910];
	_ =	sdelay $0x4  }
0x10c: {  	[tilespmem:$0x172A0] =	vst @!p2 v0  }
0x10d: {  	v0 =	vld @!p2 [tilespmem:s26+$0x15920];
	_ =	sdelay $0x4  }
0x10e: {  	[tilespmem:$0x172B0] =	vst @!p2 v0  }
0x10f: {  	v0 =	vld @!p2 [tilespmem:s26+$0x15930];
	_ =	sdelay $0x2  }
0x110: {  	s25 =	sshll.u32 @!p1 s25, $0x6  }
0x111: {  	s25 =	ssub.s32 @!p1 s19, s25  }
0x112: {  	s28 =	simm.s32 @!p2 $0x17290;
	s29 =	simm.s32 @!p2 $0x172D0;
	s26 =	simm.s32 @!p2 $0x40;
	[tilespmem:$0x172C0] =	vst @!p2 v0  }
0x113: {  	[tilespmem:s29], [sflag:$0x1] =	stream.indirect.gather @!p2 [hbm4b:s2+s26], $0x100, s28, s26, $0xb8;
	[tilespmem:$0x1F310] =	vst v63  }
0x114: {  	p2 =	slt.s32 @!p1 s25, $0x1  }
0x115: {  	p2 =	por p1, p2  }
.Ltmp11:
0x116: {  	_ = 	snop;
	(pc) =	sbr.rel @p2 .LBB2_18-.Ltmp11, $4  }
0x117: {  	s26 =	simm.s32 @!p1 $0x2  }
0x118: {  	_ =	swait.ge @!p1 [sflag:s26], $0x4000  }
0x119: {  	[sflag:s26] =	ssyncset.done @!p1 $0x0  }
0x11a: {  	[sflag:s26] =	ssyncadd.s32 @!p1 $0xFFFFC000  }
0x11b: {  	s25 =	simm.s32 @!p1 $0x1B390  }
0x11c: {  	v21 =	vld [tilespmem:s25+$0x70]  }
0x11d: {  	v0 =	vmov s22;
	v22 =	vld [tilespmem:s25+$0x60]  }
0x11e: {  	v23 =	vld [tilespmem:s25+$0x50]  }
0x11f: {  	v24 =	vld [tilespmem:s25+$0x40]  }
0x120: {  	v1 =	vld [tilespmem:s25+$0x30]  }
0x121: {  	v3 =	vld [tilespmem:s25+$0x20]  }
0x122: {  	v0 =	vld.idx.msk [tilespmem:v0+s13+$0x0], $0xffff  }
0x123: {  	v4 =	vld [tilespmem:s25+$0xFFFFFFE0]  }
0x124: {  	v41 =	vld [tilespmem:s25+$0x10]  }
0x125: {  	v40 =	vld [tilespmem:s25+$0xFFFFFFF0]  }
0x126: {  	v39 =	vld [tilespmem:s25+$0x0]  }
0x127: {  	v42 =	vld [tilespmem:s25+$0xFFFFFFD0];
	v0 =	vshll.u32 v0, $0x8  }
0x128: {  	v43 =	vld [tilespmem:s25+$0xFFFFFFC0];
	v44 =	vor.u32 v2, v0  }
0x129: {  	v45 =	vld [tilespmem:s25+$0xFFFFFFB0];
	v46 =	vor.u32 v5, v0  }
0x12a: {  	v47 =	vld [tilespmem:s25+$0xFFFFFFA0];
	v48 =	vor.u32 v6, v0  }
0x12b: {  	v49 =	vld [tilespmem:s25+$0xFFFFFF90];
	v50 =	vor.u32 v7, v0  }
0x12c: {  	v38 =	vld [tilespmem:s25+$0xFFFFFF80];
	v51 =	vor.u32 v8, v0  }
0x12d: {  	v53 =	vor.u32 v9, v0;
	v52 =	vld.idx.msk [tilespmem:v44+s3+$0x0], $0xffff  }
0x12e: {  	v25 =	vor.u32 v12, v0;
	v54 =	vld.idx.msk [tilespmem:v46+s3+$0x0], $0xffff  }
0x12f: {  	v26 =	vor.u32 v14, v0;
	v55 =	vld.idx.msk [tilespmem:v48+s3+$0x0], $0xffff  }
0x130: {  	v29 =	vor.u32 v13, v0;
	v56 =	vld.idx.msk [tilespmem:v50+s3+$0x0], $0xffff  }
0x131: {  	v27 =	vor.u32 v16, v0;
	v57 =	vld.idx.msk [tilespmem:v51+s3+$0x0], $0xffff  }
0x132: {  	v31 =	vor.u32 v11, v0;
	v58 =	vld.idx.msk [tilespmem:v53+s3+$0x0], $0xffff  }
0x133: {  	v28 =	vor.u32 v18, v0;
	v59 =	vld.idx.msk [tilespmem:v25+s3+$0x0], $0xffff  }
0x134: {  	v32 =	vor.u32 v15, v0;
	v60 =	vld.idx.msk [tilespmem:v26+s3+$0x0], $0xffff  }
0x135: {  	v30 =	vor.u32 v19, v0;
	v61 =	vld.idx.msk [tilespmem:v29+s3+$0x0], $0xffff  }
0x136: {  	v34 =	vor.u32 v10, v0;
	v37 =	vld.idx.msk [tilespmem:v27+s3+$0x0], $0xffff  }
0x137: {  	v33 =	vor.u32 v17, v0;
	v0 =	vld.idx.msk [tilespmem:v31+s3+$0x0], $0xffff  }
0x138: {  	v35 =	vld.idx.msk [tilespmem:v28+s3+$0x0], $0xffff  }
0x139: {  	p1 =	sgt.s32 s20, $0x1;
	s26 =	smov.u32 s20;
	v62 =	vld.idx.msk [tilespmem:v32+s3+$0x0], $0xffff  }
0x13a: {  	s26 =	simm.s32 @!p1 $0x1;
	v36 =	vld.idx.msk [tilespmem:v30+s3+$0x0], $0xffff  }
0x13b: {  	s26 =	smin.u32 s26, $0x40;
	v63 =	vld.idx.msk [tilespmem:v34+s3+$0x0], $0xffff;
	v52 =	vmax.bf16 v52, v38  }
0x13c: {  	p1 =	sne.s32 s26, $0x1;
	v38 =	vld.idx.msk [tilespmem:v33+s3+$0x0], $0xffff;
	v54 =	vmax.bf16 v54, v49;
	[tilespmem:v44+s3+$0x0] =	vst.idx.msk $0xffff, v52  }
.Ltmp12:
0x13d: {  	v47 =	vmax.bf16 v55, v47;
	v45 =	vmax.bf16 v56, v45;
	[tilespmem:v46+s3+$0x0] =	vst.idx.msk $0xffff, v54;
	(pc) =	sbr.rel @!p1 .LBB2_17-.Ltmp12, $4  }
0x13e: {  	v43 =	vmax.bf16 v57, v43;
	v58 =	vmax.bf16 v58, v42;
	[tilespmem:v48+s3+$0x0] =	vst.idx.msk $0xffff, v47  }
0x13f: {  	v39 =	vmax.bf16 v59, v39;
	v40 =	vmax.bf16 v0, v40;
	[tilespmem:v50+s3+$0x0] =	vst.idx.msk $0xffff, v45  }
0x140: {  	v41 =	vmax.bf16 v61, v41;
	v42 =	vmax.bf16 v60, v3;
	[tilespmem:v51+s3+$0x0] =	vst.idx.msk $0xffff, v43  }
0x141: {  	s28 =	smov.u32 s22;
	s26 =	sadd.s32 $0xFFFFFFFF, s26;
	v44 =	vmax.bf16 v63, v4;
	v43 =	vmax.bf16 v62, v1;
	[tilespmem:v53+s3+$0x0] =	vst.idx.msk $0xffff, v58  }
.LBB2_16:
0x142: {  	p1 =	sne.s32 s26, $0x1;
	[tilespmem:v34+s3+$0x0] =	vst.idx.msk $0xffff, v44;
	s28 =	sadd.s32 $0x1, s28;
	s25 =	sadd.s32 $0x100, s25  }
0x143: {  	s26 =	sadd.s32 $0xFFFFFFFF, s26;
	v0 =	vmax.bf16 v37, v24;
	[tilespmem:v31+s3+$0x0] =	vst.idx.msk $0xffff, v40  }
0x144: {  	[tilespmem:v25+s3+$0x0] =	vst.idx.msk $0xffff, v39  }
0x145: {  	[tilespmem:v29+s3+$0x0] =	vst.idx.msk $0xffff, v41  }
0x146: {  	[tilespmem:v26+s3+$0x0] =	vst.idx.msk $0xffff, v42  }
0x147: {  	v1 =	vmax.bf16 v38, v23;
	v3 =	vmax.bf16 v35, v22;
	[tilespmem:v32+s3+$0x0] =	vst.idx.msk $0xffff, v43  }
0x148: {  	[tilespmem:v27+s3+$0x0] =	vst.idx.msk $0xffff, v0  }
0x149: {  	v0 =	vmax.bf16 v36, v21;
	[tilespmem:v33+s3+$0x0] =	vst.idx.msk $0xffff, v1  }
0x14a: {  	[tilespmem:v28+s3+$0x0] =	vst.idx.msk $0xffff, v3  }
0x14b: {  	[tilespmem:v30+s3+$0x0] =	vst.idx.msk $0xffff, v0  }
0x14c: {  	v0 =	vmov s28;
	v21 =	vld [tilespmem:s25+$0x70]  }
0x14d: {  	v22 =	vld [tilespmem:s25+$0x60]  }
0x14e: {  	v23 =	vld [tilespmem:s25+$0x50]  }
0x14f: {  	v24 =	vld [tilespmem:s25+$0x40]  }
0x150: {  	v1 =	vld [tilespmem:s25+$0x30]  }
0x151: {  	v0 =	vld.idx.msk [tilespmem:v0+s13+$0x0], $0xffff  }
0x152: {  	v3 =	vld [tilespmem:s25+$0x20]  }
0x153: {  	v4 =	vld [tilespmem:s25+$0xFFFFFFE0]  }
0x154: {  	v41 =	vld [tilespmem:s25+$0x10]  }
0x155: {  	v40 =	vld [tilespmem:s25+$0xFFFFFFF0]  }
0x156: {  	v39 =	vld [tilespmem:s25+$0x0]  }
0x157: {  	v0 =	vshll.u32 v0, $0x8;
	v36 =	vld [tilespmem:s25+$0xFFFFFFD0]  }
0x158: {  	v42 =	vor.u32 v2, v0;
	v35 =	vld [tilespmem:s25+$0xFFFFFFC0]  }
0x159: {  	v43 =	vor.u32 v5, v0;
	v38 =	vld [tilespmem:s25+$0xFFFFFFB0]  }
0x15a: {  	v44 =	vor.u32 v6, v0;
	v37 =	vld [tilespmem:s25+$0xFFFFFFA0]  }
0x15b: {  	v45 =	vor.u32 v7, v0;
	v30 =	vld [tilespmem:s25+$0xFFFFFF90]  }
0x15c: {  	v47 =	vor.u32 v8, v0;
	v46 =	vld [tilespmem:s25+$0xFFFFFF80]  }
0x15d: {  	v49 =	vor.u32 v9, v0;
	v48 =	vld.idx.msk [tilespmem:v42+s3+$0x0], $0xffff  }
0x15e: {  	v34 =	vor.u32 v10, v0;
	v31 =	vor.u32 v11, v0;
	v25 =	vor.u32 v12, v0;
	v50 =	vld.idx.msk [tilespmem:v43+s3+$0x0], $0xffff  }
0x15f: {  	v29 =	vor.u32 v13, v0;
	v26 =	vor.u32 v14, v0;
	v51 =	vld.idx.msk [tilespmem:v44+s3+$0x0], $0xffff  }
0x160: {  	v52 =	vld.idx.msk [tilespmem:v45+s3+$0x0], $0xffff  }
0x161: {  	v32 =	vor.u32 v15, v0;
	v27 =	vor.u32 v16, v0;
	v53 =	vld.idx.msk [tilespmem:v47+s3+$0x0], $0xffff  }
0x162: {  	v54 =	vld.idx.msk [tilespmem:v49+s3+$0x0], $0xffff  }
0x163: {  	v33 =	vor.u32 v17, v0;
	v28 =	vor.u32 v18, v0;
	v46 =	vmax.bf16 v48, v46;
	v55 =	vld.idx.msk [tilespmem:v25+s3+$0x0], $0xffff  }
0x164: {  	v50 =	vmax.bf16 v50, v30;
	v48 =	vld.idx.msk [tilespmem:v26+s3+$0x0], $0xffff  }
0x165: {  	v30 =	vor.u32 v19, v0;
	v0 =	vmax.bf16 v51, v37;
	v56 =	vld.idx.msk [tilespmem:v29+s3+$0x0], $0xffff  }
0x166: {  	v51 =	vmax.bf16 v52, v38;
	v37 =	vld.idx.msk [tilespmem:v27+s3+$0x0], $0xffff  }
0x167: {  	v53 =	vmax.bf16 v53, v35;
	v52 =	vld.idx.msk [tilespmem:v31+s3+$0x0], $0xffff  }
0x168: {  	v54 =	vmax.bf16 v54, v36;
	v35 =	vld.idx.msk [tilespmem:v28+s3+$0x0], $0xffff  }
0x169: {  	v57 =	vld.idx.msk [tilespmem:v32+s3+$0x0], $0xffff  }
0x16a: {  	v36 =	vld.idx.msk [tilespmem:v30+s3+$0x0], $0xffff  }
0x16b: {  	v58 =	vld.idx.msk [tilespmem:v34+s3+$0x0], $0xffff  }
0x16c: {  	v39 =	vmax.bf16 v55, v39;
	v38 =	vld.idx.msk [tilespmem:v33+s3+$0x0], $0xffff  }
0x16d: {  	v40 =	vmax.bf16 v52, v40;
	[tilespmem:v42+s3+$0x0] =	vst.idx.msk $0xffff, v46  }
.Ltmp13:
0x16e: {  	[tilespmem:v43+s3+$0x0] =	vst.idx.msk $0xffff, v50;
	(pc) =	sbr.rel @p1 .LBB2_16-.Ltmp13, $4  }
0x16f: {  	v41 =	vmax.bf16 v56, v41;
	[tilespmem:v44+s3+$0x0] =	vst.idx.msk $0xffff, v0  }
0x170: {  	v42 =	vmax.bf16 v48, v3;
	[tilespmem:v45+s3+$0x0] =	vst.idx.msk $0xffff, v51  }
0x171: {  	v44 =	vmax.bf16 v58, v4;
	[tilespmem:v47+s3+$0x0] =	vst.idx.msk $0xffff, v53  }
0x172: {  	v43 =	vmax.bf16 v57, v1;
	[tilespmem:v49+s3+$0x0] =	vst.idx.msk $0xffff, v54  }
.Ltmp14:
0x173: {  	_ = 	snop;
	(pc) =	sbr.rel .LBB2_17-.Ltmp14, $1  }
0x174: {  	_ =	sdelay $0x3  }
.LBB2_20:
0x175: {  	s16 =	simm.s32 $0x0  }
0x176: {  	v0 =	vld [tilespmem:s16+$0x0]  }
0x177: {  	v1 =	vld [tilespmem:s16+$0x10]  }
0x178: {  	v3 =	vld [tilespmem:s16+$0x20]  }
0x179: {  	v4 =	vld [tilespmem:s16+$0x30]  }
0x17a: {  	v21 =	vld [tilespmem:s16+$0x40]  }
0x17b: {  	v23 =	vld [tilespmem:s16+$0x50];
	vm0 =	veq.bf16 v0, $-Inf  }
0x17c: {  	v24 =	vld [tilespmem:s16+$0x60];
	v0 =	vsel vm0, v20, v0;
	vm0 =	veq.bf16 v1, $-Inf  }
0x17d: {  	[tilespmem:s16+$0x0] =	vst v0;
	v0 =	vsel vm0, v20, v1;
	v1 =	vld [tilespmem:s16+$0x70];
	vm0 =	veq.bf16 v3, $-Inf  }
0x17e: {  	[tilespmem:s16+$0x10] =	vst v0;
	v0 =	vsel vm0, v20, v3;
	v3 =	vld [tilespmem:s16+$0x80];
	vm0 =	veq.bf16 v4, $-Inf  }
0x17f: {  	v22 =	vld [tilespmem:s16+$0x90];
	[tilespmem:s16+$0x20] =	vst v0;
	v0 =	vsel vm0, v20, v4;
	vm0 =	veq.bf16 v21, $-Inf  }
0x180: {  	[tilespmem:s16+$0x30] =	vst v0;
	v0 =	vsel vm0, v20, v21;
	v21 =	vld [tilespmem:s16+$0xA0];
	vm0 =	veq.bf16 v23, $-Inf  }
0x181: {  	[tilespmem:s16+$0x40] =	vst v0;
	v0 =	vsel vm0, v20, v23;
	v23 =	vld [tilespmem:s16+$0xB0];
	vm0 =	veq.bf16 v24, $-Inf  }
0x182: {  	[tilespmem:s16+$0x50] =	vst v0;
	v0 =	vsel vm0, v20, v24;
	v24 =	vld [tilespmem:s16+$0xC0];
	vm0 =	veq.bf16 v1, $-Inf  }
0x183: {  	v25 =	vld [tilespmem:s16+$0xD0];
	[tilespmem:s16+$0x60] =	vst v0;
	v0 =	vsel vm0, v20, v1;
	vm0 =	veq.bf16 v3, $-Inf  }
0x184: {  	s17 =	simm.s32 $0x400;
	v26 =	vld [tilespmem:s16+$0xE0];
	[tilespmem:s16+$0x70] =	vst v0;
	v27 =	vsel vm0, v20, v3;
	vm0 =	veq.bf16 v22, $-Inf  }
.LBB2_21:
0x185: {  	s18 =	sshra.s32 s17, $0x2;
	p1 =	sne.s32 s17, $0x4FC00;
	[tilespmem:s16+$0x80] =	vst v27;
	v0 =	vsel vm0, v20, v22;
	vm0 =	veq.bf16 v21, $-Inf;
	v1 =	vld [tilespmem:s16+$0xF0]  }
0x186: {  	v3 =	vld [tilespmem:s18+$0x0];
	[tilespmem:s16+$0x90] =	vst v0;
	v0 =	vsel vm0, v20, v21;
	vm0 =	veq.bf16 v23, $-Inf  }
0x187: {  	v4 =	vld [tilespmem:s18+$0x10];
	[tilespmem:s16+$0xA0] =	vst v0;
	v0 =	vsel vm0, v20, v23;
	vm0 =	veq.bf16 v24, $-Inf  }
0x188: {  	v21 =	vld [tilespmem:s18+$0x20];
	[tilespmem:s16+$0xB0] =	vst v0;
	v0 =	vsel vm0, v20, v24;
	vm0 =	veq.bf16 v25, $-Inf  }
0x189: {  	v22 =	vld [tilespmem:s18+$0x30];
	[tilespmem:s16+$0xC0] =	vst v0;
	v0 =	vsel vm0, v20, v25;
	vm0 =	veq.bf16 v26, $-Inf  }
0x18a: {  	v23 =	vld [tilespmem:s18+$0x40];
	[tilespmem:s16+$0xD0] =	vst v0;
	v0 =	vsel vm0, v20, v26;
	vm0 =	veq.bf16 v1, $-Inf  }
0x18b: {  	vm1 =	veq.bf16 v3, $-Inf;
	v24 =	vld [tilespmem:s18+$0x50];
	[tilespmem:s16+$0xE0] =	vst v0;
	v0 =	vsel vm0, v20, v1  }
0x18c: {  	v1 =	vsel vm1, v20, v3;
	vm0 =	veq.bf16 v4, $-Inf;
	v3 =	vld [tilespmem:s18+$0x60];
	[tilespmem:s16+$0xF0] =	vst v0;
	s16 =	smov.u32 s18  }
0x18d: {  	[tilespmem:s16+$0x0] =	vst v1;
	v0 =	vsel vm0, v20, v4;
	vm0 =	veq.bf16 v21, $-Inf;
	v1 =	vld [tilespmem:s16+$0x70]  }
0x18e: {  	[tilespmem:s16+$0x10] =	vst v0;
	v0 =	vsel vm0, v20, v21;
	vm0 =	veq.bf16 v22, $-Inf;
	v4 =	vld [tilespmem:s16+$0x80]  }
0x18f: {  	[tilespmem:s16+$0x20] =	vst v0;
	v0 =	vsel vm0, v20, v22;
	vm0 =	veq.bf16 v23, $-Inf;
	v22 =	vld [tilespmem:s16+$0x90]  }
.Ltmp15:
0x190: {  	[tilespmem:s16+$0x30] =	vst v0;
	v0 =	vsel vm0, v20, v23;
	vm0 =	veq.bf16 v24, $-Inf;
	v21 =	vld [tilespmem:s16+$0xA0];
	(pc) =	sbr.rel @p1 .LBB2_21-.Ltmp15, $4  }
0x191: {  	[tilespmem:s16+$0x40] =	vst v0;
	v0 =	vsel vm0, v20, v24;
	vm0 =	veq.bf16 v3, $-Inf;
	v23 =	vld [tilespmem:s16+$0xB0]  }
0x192: {  	[tilespmem:s16+$0x50] =	vst v0;
	v0 =	vsel vm0, v20, v3;
	vm0 =	veq.bf16 v1, $-Inf;
	v24 =	vld [tilespmem:s16+$0xC0]  }
0x193: {  	[tilespmem:s16+$0x60] =	vst v0;
	v0 =	vsel vm0, v20, v1;
	vm0 =	veq.bf16 v4, $-Inf;
	v25 =	vld [tilespmem:s16+$0xD0]  }
0x194: {  	s17 =	sadd.s32 $0x400, s17;
	[tilespmem:s16+$0x70] =	vst v0;
	v27 =	vsel vm0, v20, v4;
	vm0 =	veq.bf16 v22, $-Inf;
	v26 =	vld [tilespmem:s16+$0xE0]  }
0x195: {  	[tilespmem:s16+$0x80] =	vst v27;
	v0 =	vsel vm0, v20, v22;
	vm10 =	veq.bf16 v21, $-Inf;
	v1 =	vld [tilespmem:s16+$0xF0]  }
0x196: {  	[tilespmem:s16+$0x90] =	vst v0;
	v0 =	vsel vm10, v20, v21;
	vm11 =	veq.bf16 v23, $-Inf  }
0x197: {  	[tilespmem:s16+$0xA0] =	vst v0;
	v0 =	vsel vm11, v20, v23;
	vm12 =	veq.bf16 v24, $-Inf  }
0x198: {  	[tilespmem:s16+$0xB0] =	vst v0;
	v0 =	vsel vm12, v20, v24;
	vm13 =	veq.bf16 v25, $-Inf  }
0x199: {  	[tilespmem:s16+$0xC0] =	vst v0;
	v0 =	vsel vm13, v20, v25;
	vm14 =	veq.bf16 v26, $-Inf  }
0x19a: {  	[tilespmem:s16+$0xD0] =	vst v0;
	v0 =	vsel vm14, v20, v26;
	vm15 =	veq.bf16 v1, $-Inf  }
0x19b: {  	[tilespmem:s16+$0xE0] =	vst v0;
	v0 =	vsel vm15, v20, v1  }
0x19c: {  	[tilespmem:s16+$0xF0] =	vst v0;
	s16 =	simm.s32 @p0 $0x0  }
0x19d: {  	[hbm4b:s7+s16] =	stream.linear.scatter @p0 [tilespmem:s16], [sflag:$0x3], $0x5000, $0x38;
	[tilespmem:$0x1F310] =	vst v63  }
0x19e: {  	s16 =	simm.s32 @p0 $0x3  }
0x19f: {  	_ =	swait.ge @p0 [sflag:s16], $0x5000  }
0x1a0: {  	s15 =	sadd.s32 $0x1, s15;
	[sflag:s16] =	ssyncset.done @p0 $0x0  }
0x1a1: {  	p1 =	sne.s32 s15, s8;
	[sflag:s16] =	ssyncadd.s32 @p0 $0xFFFFB000;
	s16 =	simm.s32 @!p0 $0x0  }
0x1a2: {  	[hbm4b:s6+s16] =	stream.linear.scatter @!p0 [tilespmem:s16], [sflag:$0x3], $0x14000, $0x38;
	[tilespmem:$0x1F310] =	vst v63  }
.Ltmp16:
0x1a3: {  	_ = 	snop;
	(pc) =	sbr.rel @p1 .LBB2_1-.Ltmp16, $4  }
0x1a4: {  	s16 =	simm.s32 @!p0 $0x3  }
0x1a5: {  	_ =	swait.ge @!p0 [sflag:s16], $0x14000  }
0x1a6: {  	[sflag:s16] =	ssyncset.done @!p0 $0x0  }
0x1a7: {  	v1 =	vimm.s32 $0xFF80FF80;
	[sflag:s16] =	ssyncadd.s32 @!p0 $0xFFFEC000  }
0x1a8: {  	_ =	sfence.sel $0x180000  }
0x1a9: {  	[bflag:$0x0] =	sbarrier.arrive $0xFFFF  }
0x1aa: {  	p0 =	sne.s32 s0, $0x0;
	_ =	strace $0x90000047  }
0x1ab: {  	s0 =	sadd.s32 @!p0 $0x100000, s1;
	[bflag:$0x2] =	sbarrier.arrive $0xFFFF  }
0x1ac: {  	[sflag:s0] =	ssyncadd.tile.s32 @!p0 $0x1;
	_ =	shalt  }
.Lfunc_end2:
_tile_overlayer_lowered:
.L_overlay_start_2:
0x1ad: {  	(tag) =	ssettag $0x2  }
0x1ae: {  	s0 =	rddreg [dreg:$0x0];
	s2 =	stileid.u32  }
0x1af: {  	s1 =	rddreg [dreg:$0x1];
	p0 =	sne.s32 s2, $0x0  }
0x1b0: {  	s3 =	rddreg [dreg:$0x2];
	[bflag:$0x3] =	sbarrier.arrive $0xFFFF;
	s2 =	simm.s32 @!p0 $0x1C03  }
0x1b1: {  	[timem:s3], [sflag:s2] =	dma.local @!p0 [hbm:s0], s1  }
0x1b2: {  	s0 =	simm.s32 @!p0 $0x3  }
0x1b3: {  	_ =	swait.ge @!p0 [sflag:s0], s1  }
0x1b4: {  	s1 =	ssub.s32 @!p0 $0x0, s1;
	[sflag:s0] =	ssyncset.done @!p0 $0x0  }
0x1b5: {  	[sflag:s0] =	ssyncadd.s32 @!p0 s1  }
0x1b6: {  	[bflag:$0x3] =	sbarrier.arrive $0xFFFF  }
0x1b7: {  	_ =	shalt  }

</sc_bundles>
